<compile_context>
chip_gen: v7x
topology: tpu7x:2x2x1
jax: 0.10.2.dev20260603
libtpu: 0.0.44.dev20260713+nightly
codegen_flags: <defaults>
</compile_context>

<pallas_src>
import functools

import jax
import jax.numpy as jnp
import ml_dtypes
import numpy as np
from jax import lax
from jax.experimental import pallas as pl
from jax.experimental.pallas import tpu as pltpu
from jax.experimental.pallas import tpu_sc as plsc

N_NODES = 10000
N_EDGES = 80000
D_NODE = 32
D_EDGE = 16
D_HID = 32
D_PAD = 128

NC = 2
NS = 16
NW = NC * NS
CHUNK = 128
E_PAD = 81920
N_CHUNKS = E_PAD // CHUNK
CH_PER_W = N_CHUNKS // NW
NBUF_G = 2
ROWS_PER_SUB = 624
TAIL_ROWS = N_NODES - NS * ROWS_PER_SUB
ZBUF_ROWS = 48

_sc_mesh = functools.partial(
    plsc.VectorSubcoreMesh, core_axis_name="c", subcore_axis_name="s",
    num_cores=NC, num_subcores=NS)

_BF16 = ml_dtypes.bfloat16
_EYE32 = np.eye(D_HID, dtype=np.float32)
_EREP = np.repeat(_EYE32, D_NODE, axis=1)
_ETILE_PAD = np.zeros((D_PAD, D_HID * D_NODE), np.float32)
_ETILE_PAD[:D_NODE] = np.tile(_EYE32, (1, D_HID))
_ETILE_PAD = _ETILE_PAD.astype(_BF16)
_PK = D_PAD // D_EDGE
_PEXP = np.repeat(np.eye(640 // _PK, dtype=np.float32), _PK,
                  axis=0).astype(_BF16)
_M640 = np.tile(np.kron(np.eye(_PK, dtype=np.float32),
                        np.ones((1, D_HID), np.float32)),
                (640 // _PK, 1)).astype(_BF16)
_SREP = np.tile(_EREP, (_PK, 1)).astype(_BF16)
_MG = np.kron(np.eye(_PK, dtype=np.float32),
              np.full((D_HID, D_HID), 1.0 / D_HID, np.float32))


def _gather_body(x_hbm, src_hbm, out_hbm, xs_sh, idx2, *scr):
    cid = lax.axis_index("c")
    sid = lax.axis_index("s")
    wid = sid * NC + cid
    c0 = wid * CH_PER_W
    rbs = scr[:NBUF_G]
    si = scr[NBUF_G]
    sx = scr[NBUF_G + 1]
    sgs = scr[NBUF_G + 2:2 * NBUF_G + 2]
    sws = scr[2 * NBUF_G + 2:]

    pltpu.async_copy(src_hbm.at[wid], idx2, si)

    row0 = sid * ROWS_PER_SUB
    pltpu.async_copy(x_hbm.at[pl.ds(row0, ROWS_PER_SUB)],
                     xs_sh.at[pl.ds(row0, ROWS_PER_SUB)], sx)

    @pl.when(sid == NS - 1)
    def _():
        pltpu.async_copy(x_hbm.at[pl.ds(NS * ROWS_PER_SUB, TAIL_ROWS)],
                         xs_sh.at[pl.ds(NS * ROWS_PER_SUB, TAIL_ROWS)], sx)

    pltpu.make_async_copy(x_hbm.at[pl.ds(row0, ROWS_PER_SUB)],
                          xs_sh.at[pl.ds(row0, ROWS_PER_SUB)], sx).wait()

    @pl.when(sid == NS - 1)
    def _():
        pltpu.make_async_copy(x_hbm.at[pl.ds(NS * ROWS_PER_SUB, TAIL_ROWS)],
                              xs_sh.at[pl.ds(NS * ROWS_PER_SUB, TAIL_ROWS)],
                              sx).wait()

    pltpu.make_async_copy(src_hbm.at[wid], idx2, si).wait()
    plsc.subcore_barrier()

    def fire_gather(i, b):
        pltpu.async_copy(xs_sh.at[idx2.at[i]], rbs[b], sgs[b])

    def fire_wb(i, b):
        pltpu.async_copy(rbs[b], out_hbm.at[pl.ds((c0 + i) * CHUNK, CHUNK)],
                         sws[b])

    for b in range(NBUF_G):
        fire_gather(b, b)

    @pl.loop(0, CH_PER_W // NBUF_G)
    def _(j):
        i0 = j * NBUF_G
        for b in range(NBUF_G):
            pltpu.make_async_copy(xs_sh.at[idx2.at[i0 + b]], rbs[b],
                                  sgs[b]).wait()
            fire_wb(i0 + b, b)
        for b in range(NBUF_G):
            pltpu.make_async_copy(
                rbs[b], out_hbm.at[pl.ds((c0 + i0 + b) * CHUNK, CHUNK)],
                sws[b]).wait()

            @pl.when(j < CH_PER_W // NBUF_G - 1)
            def _():
                fire_gather(i0 + NBUF_G + b, b)


def _sc_gather(x_pad, src):
    k = pl.kernel(
        _gather_body,
        out_type=jax.ShapeDtypeStruct((E_PAD, D_PAD), jnp.float32),
        mesh=_sc_mesh(),
        scratch_types=(
            [pltpu.VMEM_SHARED((N_NODES, D_PAD), jnp.float32),
             pltpu.VMEM((CH_PER_W, CHUNK), jnp.int32)]
            + [pltpu.VMEM((CHUNK, D_PAD), jnp.float32)] * NBUF_G
            + [pltpu.SemaphoreType.DMA] * (2 + 2 * NBUF_G)
        ),
    )
    return k(x_pad, src)


SC_CH = CH_PER_W // 2


def _scatter_body(msg_hbm, dst_hbm, out_hbm, acc_sh, zbuf, idx2, mb0, mb1,
                  si, sz, sm0, sm1, sa):
    cid = lax.axis_index("c")
    sid = lax.axis_index("s")
    wid = sid * NC + cid
    c0 = wid * SC_CH
    mbs = (mb0, mb1)
    sms = (sm0, sm1)

    pltpu.async_copy(dst_hbm.at[wid], idx2, si)

    @pl.loop(0, ZBUF_ROWS)
    def _(i):
        @pl.loop(0, D_PAD, step=16)
        def _(j):
            zbuf[i, pl.ds(j, 16)] = jnp.zeros((16,), jnp.float32)

    row0 = sid * ROWS_PER_SUB
    nz = ROWS_PER_SUB // ZBUF_ROWS
    for r in range(nz):
        pltpu.async_copy(zbuf, acc_sh.at[pl.ds(row0 + r * ZBUF_ROWS, ZBUF_ROWS)], sz)

    @pl.when(sid == NS - 1)
    def _():
        pltpu.async_copy(zbuf.at[pl.ds(0, TAIL_ROWS)],
                         acc_sh.at[pl.ds(NS * ROWS_PER_SUB, TAIL_ROWS)], sz)

    for r in range(nz):
        pltpu.make_async_copy(zbuf, acc_sh.at[pl.ds(row0 + r * ZBUF_ROWS, ZBUF_ROWS)], sz).wait()

    @pl.when(sid == NS - 1)
    def _():
        pltpu.make_async_copy(zbuf.at[pl.ds(0, TAIL_ROWS)],
                              acc_sh.at[pl.ds(NS * ROWS_PER_SUB, TAIL_ROWS)], sz).wait()

    pltpu.make_async_copy(dst_hbm.at[wid], idx2, si).wait()
    plsc.subcore_barrier()

    def fire_msg(i, b):
        pltpu.async_copy(msg_hbm.at[pl.ds((c0 + i) * CHUNK, CHUNK)], mbs[b],
                         sms[b])

    for b in range(2):
        fire_msg(b, b)

    @pl.loop(0, SC_CH // 2)
    def _(j):
        i0 = j * 2
        for b in range(2):
            pltpu.make_async_copy(
                msg_hbm.at[pl.ds((c0 + i0 + b) * CHUNK, CHUNK)], mbs[b],
                sms[b]).wait()
            pltpu.async_copy(mbs[b], acc_sh.at[idx2.at[i0 + b]], sa,
                             add=True).wait()

            @pl.when(j < SC_CH // 2 - 1)
            def _():
                fire_msg(i0 + 2 + b, b)

    plsc.subcore_barrier()
    pltpu.sync_copy(acc_sh.at[pl.ds(row0, ROWS_PER_SUB)],
                    out_hbm.at[cid, pl.ds(row0, ROWS_PER_SUB)])

    @pl.when(sid == NS - 1)
    def _():
        pltpu.sync_copy(acc_sh.at[pl.ds(NS * ROWS_PER_SUB, TAIL_ROWS)],
                        out_hbm.at[cid, pl.ds(NS * ROWS_PER_SUB, TAIL_ROWS)])


def _sc_segment_sum(msg, dst2):
    k = pl.kernel(
        _scatter_body,
        out_type=jax.ShapeDtypeStruct((NC, N_NODES, D_PAD), jnp.float32),
        mesh=_sc_mesh(),
        scratch_types=[
            pltpu.VMEM_SHARED((N_NODES, D_PAD), jnp.float32),
            pltpu.VMEM((ZBUF_ROWS, D_PAD), jnp.float32),
            pltpu.VMEM((SC_CH, CHUNK), jnp.int32),
            pltpu.VMEM((CHUNK, D_PAD), jnp.float32),
            pltpu.VMEM((CHUNK, D_PAD), jnp.float32),
            pltpu.SemaphoreType.DMA,
            pltpu.SemaphoreType.DMA,
            pltpu.SemaphoreType.DMA,
            pltpu.SemaphoreType.DMA,
            pltpu.SemaphoreType.DMA,
        ],
    )
    return k(msg, dst2)


PK = D_PAD // D_EDGE
ROWS_A = E_PAD // PK
BLK_A = 320


def _edge_mlp_body(ea_ref, w1b, b1t, w2b, b2t, mg, gt, bbt, eps_e, wf1b,
                   t_ref):
    ea = ea_ref[...] * (1.0 + eps_e[0, 0])
    h1 = jnp.dot(ea, w1b[...], preferred_element_type=jnp.float32) + b1t[...]
    h1 = jnp.where(h1 > 0, h1, 0.01 * h1)
    he = jnp.dot(h1, w2b[...], preferred_element_type=jnp.float32) + b2t[...]
    mu = jnp.dot(he, mg[...], preferred_element_type=jnp.float32)
    d = he - mu
    var = jnp.dot(d * d, mg[...], preferred_element_type=jnp.float32)
    he_n = d * lax.rsqrt(var + 1e-5) * gt[...] + bbt[...]
    t_ref[...] = jnp.maximum(
        jnp.dot(he_n, wf1b[...], preferred_element_type=jnp.float32), 0.0)


def _tc_edge_mlp(ea8, W1b, b1t, W2b, b2t, Mg, gt, bbt, eps_e, Wf1b):
    full = lambda s: pl.BlockSpec(s, lambda i: (0,) * len(s))
    return pl.pallas_call(
        _edge_mlp_body,
        grid=(ROWS_A // BLK_A,),
        in_specs=[
            pl.BlockSpec((BLK_A, D_PAD), lambda i: (i, 0)),
            full((D_PAD, PK * D_HID)), full((1, PK * D_HID)),
            full((PK * D_HID, PK * D_HID)), full((1, PK * D_HID)),
            full((PK * D_HID, PK * D_HID)),
            full((1, PK * D_HID)), full((1, PK * D_HID)), full((1, 1)),
            full((PK * D_HID, PK * D_NODE)),
        ],
        out_specs=pl.BlockSpec((BLK_A, PK * D_NODE), lambda i: (i, 0)),
        out_shape=jax.ShapeDtypeStruct((ROWS_A, PK * D_NODE), jnp.float32),
    )(ea8, W1b, b1t, W2b, b2t, Mg, gt, bbt, eps_e, Wf1b)


E_BLK_B = 640


def _msg_body(tp_ref, h_ref, pexp, m640, srep, etile, w2r, eps_n, msg_ref):
    tp = tp_ref[...].astype(jnp.bfloat16)
    h = (h_ref[...] * (1.0 + eps_n[0, 0])).astype(jnp.bfloat16)
    t_full = jnp.dot(pexp[...], tp, preferred_element_type=jnp.float32)
    t_sel = t_full.astype(jnp.bfloat16) * m640[...]
    t_rep = jnp.dot(t_sel, srep[...], preferred_element_type=jnp.float32)
    h_tile = jnp.dot(h, etile[...], preferred_element_type=jnp.float32)
    z = (t_rep * h_tile).astype(jnp.bfloat16)
    msg_ref[...] = jnp.dot(z, w2r[...], preferred_element_type=jnp.float32)


def _tc_msg(tp, h_src, Pexp, M640, Srep, Etile_pad, W2r_pad, eps_n, half):
    base = half * (E_PAD // E_BLK_B // 2)
    full = lambda s: pl.BlockSpec(s, lambda i: (0,) * len(s))
    return pl.pallas_call(
        _msg_body,
        grid=(E_PAD // E_BLK_B // 2,),
        in_specs=[
            pl.BlockSpec((E_BLK_B // PK, PK * D_HID), lambda i: (i + base, 0)),
            pl.BlockSpec((E_BLK_B, D_PAD), lambda i: (i + base, 0)),
            full((E_BLK_B, E_BLK_B // PK)),
            full((E_BLK_B, PK * D_HID)),
            full((PK * D_HID, D_HID * D_NODE)),
            full((D_PAD, D_HID * D_NODE)),
            full((D_HID * D_NODE, D_PAD)),
            full((1, 1)),
        ],
        out_specs=pl.BlockSpec((E_BLK_B, D_PAD), lambda i: (i, 0)),
        out_shape=jax.ShapeDtypeStruct((E_PAD // 2, D_PAD), jnp.float32),
    )(tp, h_src, Pexp, M640, Srep, Etile_pad, W2r_pad, eps_n)


N_BLK_C = 1000


def _final_body(x_ref, p0_ref, p1_ref, p2_ref, p3_ref, eps_n, wn1, bn1,
                wn2, bn2, gn, bbn, wp1, bp1, wp2, bp2, out_ref):
    i = pl.program_id(0)
    nblocks = pl.num_programs(0)

    p = (p0_ref[0] + p1_ref[0]) + (p2_ref[0] + p3_ref[0])
    h = x_ref[...] * (1.0 + eps_n[0, 0]) + p[:, :D_NODE]
    h1 = h @ wn1[...] + bn1[...]
    h1 = jnp.where(h1 > 0, h1, 0.01 * h1)
    ho = h1 @ wn2[...] + bn2[...]
    mu = jnp.mean(ho, axis=-1, keepdims=True)
    var = jnp.mean((ho - mu) ** 2, axis=-1, keepdims=True)
    ho = (ho - mu) * lax.rsqrt(var + 1e-5) * gn[...] + bbn[...]
    part = jnp.sum(ho, axis=0, keepdims=True)

    @pl.when(i == 0)
    def _():
        out_ref[...] = jnp.zeros_like(out_ref)

    out_ref[...] += part

    @pl.when(i == nblocks - 1)
    def _():
        type_emb = out_ref[...] * (1.0 / N_NODES)
        w = jnp.tanh(type_emb @ wp1[...] + bp1[...]) @ wp2[...] + bp2[...]
        beta = jnp.exp(w - w)
        out_ref[...] = beta * type_emb


def _tc_final(x, pa, pb, eps_n, W_n1, b_n1, W_n2, b_n2, g_n, bb_n,
              W_p1, b_p1, W_p2, b_p2):
    full = lambda s: pl.BlockSpec(s, lambda i: (0,) * len(s))
    return pl.pallas_call(
        _final_body,
        grid=(N_NODES // N_BLK_C,),
        in_specs=[
            pl.BlockSpec((N_BLK_C, D_NODE), lambda i: (i, 0)),
            pl.BlockSpec((1, N_BLK_C, D_PAD), lambda i: (0, i, 0)),
            pl.BlockSpec((1, N_BLK_C, D_PAD), lambda i: (1, i, 0)),
            pl.BlockSpec((1, N_BLK_C, D_PAD), lambda i: (0, i, 0)),
            pl.BlockSpec((1, N_BLK_C, D_PAD), lambda i: (1, i, 0)),
            full((1, 1)),
            full((D_NODE, D_HID)), full((1, D_HID)),
            full((D_HID, D_HID)), full((1, D_HID)),
            full((1, D_HID)), full((1, D_HID)),
            full((D_HID, 128)), full((1, 128)),
            full((128, 1)), full((1, 1)),
        ],
        out_specs=pl.BlockSpec((1, D_HID), lambda i: (0, 0)),
        out_shape=jax.ShapeDtypeStruct((1, D_HID), jnp.float32),
    )(x, pa, pa, pb, pb, eps_n, W_n1, b_n1, W_n2, b_n2, g_n, bb_n,
      W_p1, b_p1, W_p2, b_p2)


def kernel(x, edge_index, edge_attr, W_e1, b_e1, W_e2, b_e2, g_e, bb_e, eps_e,
           W_f1, W_f2, eps_n, W_n1, b_n1, W_n2, b_n2, g_n, bb_n,
           W_p1, b_p1, W_p2, b_p2):
    src = edge_index[0]
    dst = edge_index[1]
    pad = jnp.zeros((E_PAD - N_EDGES,), jnp.int32)
    src2 = jnp.concatenate([src, pad]).reshape(NW, CH_PER_W, CHUNK)
    dst_pad = jnp.concatenate([dst, pad])
    dst2a = dst_pad[:E_PAD // 2].reshape(NW, SC_CH, CHUNK)
    dst2b = dst_pad[E_PAD // 2:].reshape(NW, SC_CH, CHUNK)

    x_pad = jnp.zeros((N_NODES, D_PAD), jnp.float32).at[:, :D_NODE].set(x)

    W2r = W_f2.reshape(D_HID * D_NODE, D_NODE)
    W2r_pad = jnp.zeros((D_HID * D_NODE, D_PAD), jnp.float32).at[:, :D_NODE].set(W2r)
    W2r_pad = W2r_pad.astype(jnp.bfloat16)

    r2 = lambda a: a.reshape(1, -1)
    eps_e2 = eps_e.reshape(1, 1)
    eps_n2 = eps_n.reshape(1, 1)

    ea8 = jnp.concatenate(
        [edge_attr.reshape(N_EDGES // PK, D_PAD),
         jnp.zeros(((E_PAD - N_EDGES) // PK, D_PAD), jnp.float32)])
    eye8 = jnp.eye(PK, dtype=jnp.float32)
    W1b = jnp.kron(eye8, W_e1)
    W2b = jnp.kron(eye8, W_e2)
    Wf1b = jnp.kron(eye8, W_f1)
    tile8 = lambda a: jnp.tile(a, PK).reshape(1, -1)

    h_src = _sc_gather(x_pad, src2)
    t = _tc_edge_mlp(ea8, W1b, tile8(b_e1), W2b, tile8(b_e2), _MG,
                     tile8(g_e), tile8(bb_e), eps_e2, Wf1b)
    msg_a = _tc_msg(t, h_src, _PEXP, _M640, _SREP, _ETILE_PAD, W2r_pad,
                    eps_n2, 0)
    pa = _sc_segment_sum(msg_a, dst2a)
    msg_b = _tc_msg(t, h_src, _PEXP, _M640, _SREP, _ETILE_PAD, W2r_pad,
                    eps_n2, 1)
    pb = _sc_segment_sum(msg_b, dst2b)
    out = _tc_final(x, pa, pb, eps_n2,
                    W_n1, r2(b_n1), W_n2, r2(b_n2), r2(g_n), r2(bb_n),
                    W_p1, r2(b_p1), W_p2, r2(b_p2))
    return out

# --- scband reference (transcript-rebuilt; emitter-appended) ---
"""Pipeline reference for scband-uvnet-hetero-graph-encoder-83227876261955 (READ-ONLY COPY).

The authoritative reference and input builder live on the scoring server;
editing this copy changes nothing except your own understanding.
"""

import jax, jax.numpy as jnp
import numpy as np

N_NODES = 10000
N_EDGES = 80000
D_NODE = 32
D_EDGE = 16
D_HID = 32
D_ATT = 128


def _layer_norm(x, g, b):
    mu = jnp.mean(x, axis=-1, keepdims=True)
    var = jnp.mean((x - mu) ** 2, axis=-1, keepdims=True)
    return (x - mu) / jnp.sqrt(var + 1e-5) * g + b


def _mlp2(h, W1, b1, W2, b2):
    h = jax.nn.leaky_relu(h @ W1 + b1, negative_slope=0.01)
    return h @ W2 + b2


def setup_inputs(seed: int = 0) -> dict:
    key = jax.random.key(seed)
    ks = jax.random.split(key, 16)
    s = 0.1
    return {
        "x": jax.random.normal(ks[0], (N_NODES, D_NODE), jnp.float32),
        "edge_index": jax.random.randint(ks[1], (2, N_EDGES), 0, N_NODES, jnp.int32),
        "edge_attr": jax.random.normal(ks[2], (N_EDGES, D_EDGE), jnp.float32),
        # _HeteroEdgeConv: per-etype MLP (2 layers) + LayerNorm + eps
        "W_e1": jax.random.normal(ks[3], (D_EDGE, D_HID), jnp.float32) * s,
        "b_e1": jnp.zeros((D_HID,), jnp.float32),
        "W_e2": jax.random.normal(ks[4], (D_HID, D_HID), jnp.float32) * s,
        "b_e2": jnp.zeros((D_HID,), jnp.float32),
        "g_e": jnp.ones((D_HID,), jnp.float32),
        "bb_e": jnp.zeros((D_HID,), jnp.float32),
        "eps_e": jnp.zeros((1,), jnp.float32),
        # _HeteroNodeConv: NNConv edge_func = Linear(no bias) -> ReLU -> Linear(no bias)
        "W_f1": jax.random.normal(ks[5], (D_HID, D_NODE), jnp.float32) * s,
        "W_f2": jax.random.normal(ks[6], (D_NODE, D_NODE * D_NODE), jnp.float32) * s,
        "eps_n": jnp.zeros((1,), jnp.float32),
        "W_n1": jax.random.normal(ks[7], (D_NODE, D_HID), jnp.float32) * s,
        "b_n1": jnp.zeros((D_HID,), jnp.float32),
        "W_n2": jax.random.normal(ks[8], (D_HID, D_HID), jnp.float32) * s,
        "b_n2": jnp.zeros((D_HID,), jnp.float32),
        "g_n": jnp.ones((D_HID,), jnp.float32),
        "bb_n": jnp.zeros((D_HID,), jnp.float32),
        # HeteroGraphPooling semantic attention
        "W_p1": jax.random.normal(ks[9], (D_HID, D_ATT), jnp.float32) * s,
        "b_p1": jnp.zeros((D_ATT,), jnp.float32),
        "W_p2": jax.random.normal(ks[10], (D_ATT, 1), jnp.float32) * s,
        "b_p2": jnp.zeros((1,), jnp.float32),
    }


def reference(x, edge_index, edge_attr, W_e1, b_e1, W_e2, b_e2, g_e, bb_e, eps_e,
              W_f1, W_f2, eps_n, W_n1, b_n1, W_n2, b_n2, g_n, bb_n,
              W_p1, b_p1, W_p2, b_p2):
    src = edge_index[0]
    dst = edge_index[1]
    # --- _HeteroEdgeConv ---
    he = _mlp2((1.0 + eps_e) * edge_attr, W_e1, b_e1, W_e2, b_e2)
    he = _layer_norm(he, g_e, bb_e)
    # --- _HeteroNodeConv (NNConv, aggregator='sum') ---
    h = (1.0 + eps_n) * x
    Wt = jax.nn.relu(he @ W_f1) @ W_f2                      # [E, D*D]
    Wt = Wt.reshape(he.shape[0], x.shape[1], x.shape[1])    # [E, D, D]
    msg = jnp.einsum('ed,edo->eo', h[src], Wt)              # gather + per-edge matvec
    h_conv = jax.ops.segment_sum(msg, dst, num_segments=x.shape[0])  # scatter-add
    h_fused = h + h_conv                                    # residual fusion
    h_out = _mlp2(h_fused, W_n1, b_n1, W_n2, b_n2)
    h_out = _layer_norm(h_out, g_n, bb_n)
    # --- HeteroGraphPooling (internal mean pool per ntype + semantic attention) ---
    type_emb = jnp.mean(h_out, axis=0, keepdims=True)       # [n_types=1, D_HID]
    w = jnp.tanh(type_emb @ W_p1 + b_p1) @ W_p2 + b_p2
    beta = jax.nn.softmax(w, axis=0)
    g = jnp.sum(beta * type_emb, axis=0)
    return g[None, :]


if False:  # reference __main__ guard neutralized (emitter)
    out = reference(**setup_inputs())
    print(out.shape)

if __name__ == "__main__":
    import jax
    _d = setup_inputs()
    print(jax.jit(kernel)(*tuple(_d.values())))

</pallas_src>

<mosaic_0001>
#map = affine_map<(d0, d1) -> (0, 0)>
#map1 = affine_map<(d0, d1) -> (0, 0, 0)>
module attributes {stable_mosaic.version = 14 : i64} {
  func.func @_scatter_body(%arg0: i32, %arg1: i32, %arg2: memref<40960x128xf32, #tpu.memory_space<hbm>>, %arg3: memref<32x10x128xi32, #tpu.memory_space<hbm>>, %arg4: memref<2x10000x128xf32, #tpu.memory_space<hbm>>, %arg5: memref<10000x128xf32, #tpu.memory_space<vmem_shared>>, %arg6: memref<48x128xf32, #tpu.memory_space<vmem>>, %arg7: memref<10x128xi32, #tpu.memory_space<vmem>>, %arg8: memref<128x128xf32, #tpu.memory_space<vmem>>, %arg9: memref<128x128xf32, #tpu.memory_space<vmem>>, %arg10: memref<!tpu.dma_semaphore, #tpu.memory_space<semaphore_mem>>, %arg11: memref<!tpu.dma_semaphore, #tpu.memory_space<semaphore_mem>>, %arg12: memref<!tpu.dma_semaphore, #tpu.memory_space<semaphore_mem>>, %arg13: memref<!tpu.dma_semaphore, #tpu.memory_space<semaphore_mem>>, %arg14: memref<!tpu.dma_semaphore, #tpu.memory_space<semaphore_mem>>) attributes {dimension_semantics = [#tpu.dimension_semantics<core_parallel>, #tpu.dimension_semantics<subcore_parallel>], iteration_bounds = array<i64: 2, 16>, scalar_prefetch = 0 : i64, scratch_operands = 10 : i64, tpu.core_type = #tpu.core_type<sc_vector_subcore>, window_params = [{transform_indices = #map}, {transform_indices = #map1}, {transform_indices = #map1}]} {
    %mul3A = arith.constant 2 : i32
    %mul3A_0 = arith.muli %arg1, %mul3A : i32
    %add3A = arith.addi %mul3A_0, %arg0 : i32
    %mul3A_1 = arith.constant 10 : i32
    %mul3A_2 = arith.muli %add3A, %mul3A_1 : i32
    %dma_start3A = arith.constant 0 : i32
    %dma_start3A_3 = arith.constant 0 : i32
    %dma_start3A_4 = tpu.memref_slice %arg3[%add3A, %dma_start3A, %dma_start3A_3] : memref<32x10x128xi32, #tpu.memory_space<hbm>> -> memref<1x10x128xi32, #tpu.memory_space<hbm>>
    %dma_start3A_5 = tpu.memref_squeeze %dma_start3A_4 : memref<1x10x128xi32, #tpu.memory_space<hbm>> -> memref<10x128xi32, #tpu.memory_space<hbm>>
    %dma_start3A_6 = arith.constant 0 : i32
    %dma_start3A_7 = arith.constant 0 : i32
    %dma_start3A_8 = tpu.memref_slice %arg3[%add3A, %dma_start3A_6, %dma_start3A_7] : memref<32x10x128xi32, #tpu.memory_space<hbm>> -> memref<1x10x128xi32, #tpu.memory_space<hbm>>
    %dma_start3A_9 = tpu.memref_squeeze %dma_start3A_8 : memref<1x10x128xi32, #tpu.memory_space<hbm>> -> memref<10x128xi32, #tpu.memory_space<hbm>>
    tpu.enqueue_dma source(%dma_start3A_9 : memref<10x128xi32, #tpu.memory_space<hbm>>) target(%arg7 : memref<10x128xi32, #tpu.memory_space<vmem>>) target_semaphore(%arg10 : memref<!tpu.dma_semaphore, #tpu.memory_space<semaphore_mem>>)
    %scan3A = arith.constant 0 : i32
    %scan3A_10 = arith.constant 48 : i32
    %scan3A_11 = arith.addi %scan3A, %scan3A_10 : i32
    %scan3A_12 = arith.constant 1 : i32
    scf.for %scan3A_213 = %scan3A to %scan3A_11 step %scan3A_12  : i32 {
      %mul3A_214 = arith.constant 1 : i32
      %mul3A_215 = arith.muli %scan3A_213, %mul3A_214 : i32
      %add3A_216 = arith.constant 0 : i32
      %add3A_217 = arith.addi %add3A_216, %mul3A_215 : i32
      %scan3A_218 = arith.constant 0 : i32
      %scan3A_219 = arith.constant 8 : i32
      %scan3A_220 = arith.addi %scan3A_218, %scan3A_219 : i32
      %scan3A_221 = arith.constant 1 : i32
      scf.for %scan3A_223 = %scan3A_218 to %scan3A_220 step %scan3A_221  : i32 {
        %mul3A_224 = arith.constant 16 : i32
        %mul3A_225 = arith.muli %scan3A_223, %mul3A_224 : i32
        %add3A_226 = arith.constant 0 : i32
        %add3A_227 = arith.addi %add3A_226, %mul3A_225 : i32
        %broadcast_in_dim3A = arith.constant 0.000000e+00 : f32
        %broadcast_in_dim3A_228 = vector.broadcast %broadcast_in_dim3A : f32 to vector<16xf32>
        %swap3A = arith.index_cast %add3A_217 : i32 to index
        %swap3A_229 = arith.index_cast %add3A_227 : i32 to index
        %swap3A_230 = tpu.vector_load %arg6[%swap3A, %swap3A_229] {strides = array<i32>} : memref<48x128xf32, #tpu.memory_space<vmem>>, vector<1x16xf32>,
        %swap3A_231 = vector.shape_cast %swap3A_230 : vector<1x16xf32> to vector<16xf32>
        %swap3A_232 = vector.shape_cast %broadcast_in_dim3A_228 : vector<16xf32> to vector<1x16xf32>
        tpu.vector_store %arg6[%swap3A, %swap3A_229], %swap3A_232 {strides = array<i32>} : memref<48x128xf32, #tpu.memory_space<vmem>>, vector<1x16xf32>,
      }
      %scan3A_222 = arith.constant 8 : i32
    }
    %scan3A_13 = arith.constant 48 : i32
    %mul3A_14 = arith.constant 624 : i32
    %mul3A_15 = arith.muli %arg1, %mul3A_14 : i32
    %add3A_16 = arith.constant 0 : i32
    %add3A_17 = arith.addi %mul3A_15, %add3A_16 : i32
    %dma_start3A_18 = arith.constant 0 : i32
    %dma_start3A_19 = tpu.memref_slice %arg5[%add3A_17, %dma_start3A_18] : memref<10000x128xf32, #tpu.memory_space<vmem_shared>> -> memref<48x128xf32, #tpu.memory_space<vmem_shared>>
    %dma_start3A_20 = arith.constant 0 : i32
    %dma_start3A_21 = tpu.memref_slice %arg5[%add3A_17, %dma_start3A_20] : memref<10000x128xf32, #tpu.memory_space<vmem_shared>> -> memref<48x128xf32, #tpu.memory_space<vmem_shared>>
    tpu.enqueue_dma source(%arg6 : memref<48x128xf32, #tpu.memory_space<vmem>>) target(%dma_start3A_21 : memref<48x128xf32, #tpu.memory_space<vmem_shared>>) target_semaphore(%arg11 : memref<!tpu.dma_semaphore, #tpu.memory_space<semaphore_mem>>)
    %add3A_22 = arith.constant 48 : i32
    %add3A_23 = arith.addi %mul3A_15, %add3A_22 : i32
    %dma_start3A_24 = arith.constant 0 : i32
    %dma_start3A_25 = tpu.memref_slice %arg5[%add3A_23, %dma_start3A_24] : memref<10000x128xf32, #tpu.memory_space<vmem_shared>> -> memref<48x128xf32, #tpu.memory_space<vmem_shared>>
    %dma_start3A_26 = arith.constant 0 : i32
    %dma_start3A_27 = tpu.memref_slice %arg5[%add3A_23, %dma_start3A_26] : memref<10000x128xf32, #tpu.memory_space<vmem_shared>> -> memref<48x128xf32, #tpu.memory_space<vmem_shared>>
    tpu.enqueue_dma source(%arg6 : memref<48x128xf32, #tpu.memory_space<vmem>>) target(%dma_start3A_27 : memref<48x128xf32, #tpu.memory_space<vmem_shared>>) target_semaphore(%arg11 : memref<!tpu.dma_semaphore, #tpu.memory_space<semaphore_mem>>)
    %add3A_28 = arith.constant 96 : i32
    %add3A_29 = arith.addi %mul3A_15, %add3A_28 : i32
    %dma_start3A_30 = arith.constant 0 : i32
    %dma_start3A_31 = tpu.memref_slice %arg5[%add3A_29, %dma_start3A_30] : memref<10000x128xf32, #tpu.memory_space<vmem_shared>> -> memref<48x128xf32, #tpu.memory_space<vmem_shared>>
    %dma_start3A_32 = arith.constant 0 : i32
    %dma_start3A_33 = tpu.memref_slice %arg5[%add3A_29, %dma_start3A_32] : memref<10000x128xf32, #tpu.memory_space<vmem_shared>> -> memref<48x128xf32, #tpu.memory_space<vmem_shared>>
    tpu.enqueue_dma source(%arg6 : memref<48x128xf32, #tpu.memory_space<vmem>>) target(%dma_start3A_33 : memref<48x128xf32, #tpu.memory_space<vmem_shared>>) target_semaphore(%arg11 : memref<!tpu.dma_semaphore, #tpu.memory_space<semaphore_mem>>)
    %add3A_34 = arith.constant 144 : i32
    %add3A_35 = arith.addi %mul3A_15, %add3A_34 : i32
    %dma_start3A_36 = arith.constant 0 : i32
    %dma_start3A_37 = tpu.memref_slice %arg5[%add3A_35, %dma_start3A_36] : memref<10000x128xf32, #tpu.memory_space<vmem_shared>> -> memref<48x128xf32, #tpu.memory_space<vmem_shared>>
    %dma_start3A_38 = arith.constant 0 : i32
    %dma_start3A_39 = tpu.memref_slice %arg5[%add3A_35, %dma_start3A_38] : memref<10000x128xf32, #tpu.memory_space<vmem_shared>> -> memref<48x128xf32, #tpu.memory_space<vmem_shared>>
    tpu.enqueue_dma source(%arg6 : memref<48x128xf32, #tpu.memory_space<vmem>>) target(%dma_start3A_39 : memref<48x128xf32, #tpu.memory_space<vmem_shared>>) target_semaphore(%arg11 : memref<!tpu.dma_semaphore, #tpu.memory_space<semaphore_mem>>)
    %add3A_40 = arith.constant 192 : i32
    %add3A_41 = arith.addi %mul3A_15, %add3A_40 : i32
    %dma_start3A_42 = arith.constant 0 : i32
    %dma_start3A_43 = tpu.memref_slice %arg5[%add3A_41, %dma_start3A_42] : memref<10000x128xf32, #tpu.memory_space<vmem_shared>> -> memref<48x128xf32, #tpu.memory_space<vmem_shared>>
    %dma_start3A_44 = arith.constant 0 : i32
    %dma_start3A_45 = tpu.memref_slice %arg5[%add3A_41, %dma_start3A_44] : memref<10000x128xf32, #tpu.memory_space<vmem_shared>> -> memref<48x128xf32, #tpu.memory_space<vmem_shared>>
    tpu.enqueue_dma source(%arg6 : memref<48x128xf32, #tpu.memory_space<vmem>>) target(%dma_start3A_45 : memref<48x128xf32, #tpu.memory_space<vmem_shared>>) target_semaphore(%arg11 : memref<!tpu.dma_semaphore, #tpu.memory_space<semaphore_mem>>)
    %add3A_46 = arith.constant 240 : i32
    %add3A_47 = arith.addi %mul3A_15, %add3A_46 : i32
    %dma_start3A_48 = arith.constant 0 : i32
    %dma_start3A_49 = tpu.memref_slice %arg5[%add3A_47, %dma_start3A_48] : memref<10000x128xf32, #tpu.memory_space<vmem_shared>> -> memref<48x128xf32, #tpu.memory_space<vmem_shared>>
    %dma_start3A_50 = arith.constant 0 : i32
    %dma_start3A_51 = tpu.memref_slice %arg5[%add3A_47, %dma_start3A_50] : memref<10000x128xf32, #tpu.memory_space<vmem_shared>> -> memref<48x128xf32, #tpu.memory_space<vmem_shared>>
    tpu.enqueue_dma source(%arg6 : memref<48x128xf32, #tpu.memory_space<vmem>>) target(%dma_start3A_51 : memref<48x128xf32, #tpu.memory_space<vmem_shared>>) target_semaphore(%arg11 : memref<!tpu.dma_semaphore, #tpu.memory_space<semaphore_mem>>)
    %add3A_52 = arith.constant 288 : i32
    %add3A_53 = arith.addi %mul3A_15, %add3A_52 : i32
    %dma_start3A_54 = arith.constant 0 : i32
    %dma_start3A_55 = tpu.memref_slice %arg5[%add3A_53, %dma_start3A_54] : memref<10000x128xf32, #tpu.memory_space<vmem_shared>> -> memref<48x128xf32, #tpu.memory_space<vmem_shared>>
    %dma_start3A_56 = arith.constant 0 : i32
    %dma_start3A_57 = tpu.memref_slice %arg5[%add3A_53, %dma_start3A_56] : memref<10000x128xf32, #tpu.memory_space<vmem_shared>> -> memref<48x128xf32, #tpu.memory_space<vmem_shared>>
    tpu.enqueue_dma source(%arg6 : memref<48x128xf32, #tpu.memory_space<vmem>>) target(%dma_start3A_57 : memref<48x128xf32, #tpu.memory_space<vmem_shared>>) target_semaphore(%arg11 : memref<!tpu.dma_semaphore, #tpu.memory_space<semaphore_mem>>)
    %add3A_58 = arith.constant 336 : i32
    %add3A_59 = arith.addi %mul3A_15, %add3A_58 : i32
    %dma_start3A_60 = arith.constant 0 : i32
    %dma_start3A_61 = tpu.memref_slice %arg5[%add3A_59, %dma_start3A_60] : memref<10000x128xf32, #tpu.memory_space<vmem_shared>> -> memref<48x128xf32, #tpu.memory_space<vmem_shared>>
    %dma_start3A_62 = arith.constant 0 : i32
    %dma_start3A_63 = tpu.memref_slice %arg5[%add3A_59, %dma_start3A_62] : memref<10000x128xf32, #tpu.memory_space<vmem_shared>> -> memref<48x128xf32, #tpu.memory_space<vmem_shared>>
    tpu.enqueue_dma source(%arg6 : memref<48x128xf32, #tpu.memory_space<vmem>>) target(%dma_start3A_63 : memref<48x128xf32, #tpu.memory_space<vmem_shared>>) target_semaphore(%arg11 : memref<!tpu.dma_semaphore, #tpu.memory_space<semaphore_mem>>)
    %add3A_64 = arith.constant 384 : i32
    %add3A_65 = arith.addi %mul3A_15, %add3A_64 : i32
    %dma_start3A_66 = arith.constant 0 : i32
    %dma_start3A_67 = tpu.memref_slice %arg5[%add3A_65, %dma_start3A_66] : memref<10000x128xf32, #tpu.memory_space<vmem_shared>> -> memref<48x128xf32, #tpu.memory_space<vmem_shared>>
    %dma_start3A_68 = arith.constant 0 : i32
    %dma_start3A_69 = tpu.memref_slice %arg5[%add3A_65, %dma_start3A_68] : memref<10000x128xf32, #tpu.memory_space<vmem_shared>> -> memref<48x128xf32, #tpu.memory_space<vmem_shared>>
    tpu.enqueue_dma source(%arg6 : memref<48x128xf32, #tpu.memory_space<vmem>>) target(%dma_start3A_69 : memref<48x128xf32, #tpu.memory_space<vmem_shared>>) target_semaphore(%arg11 : memref<!tpu.dma_semaphore, #tpu.memory_space<semaphore_mem>>)
    %add3A_70 = arith.constant 432 : i32
    %add3A_71 = arith.addi %mul3A_15, %add3A_70 : i32
    %dma_start3A_72 = arith.constant 0 : i32
    %dma_start3A_73 = tpu.memref_slice %arg5[%add3A_71, %dma_start3A_72] : memref<10000x128xf32, #tpu.memory_space<vmem_shared>> -> memref<48x128xf32, #tpu.memory_space<vmem_shared>>
    %dma_start3A_74 = arith.constant 0 : i32
    %dma_start3A_75 = tpu.memref_slice %arg5[%add3A_71, %dma_start3A_74] : memref<10000x128xf32, #tpu.memory_space<vmem_shared>> -> memref<48x128xf32, #tpu.memory_space<vmem_shared>>
    tpu.enqueue_dma source(%arg6 : memref<48x128xf32, #tpu.memory_space<vmem>>) target(%dma_start3A_75 : memref<48x128xf32, #tpu.memory_space<vmem_shared>>) target_semaphore(%arg11 : memref<!tpu.dma_semaphore, #tpu.memory_space<semaphore_mem>>)
    %add3A_76 = arith.constant 480 : i32
    %add3A_77 = arith.addi %mul3A_15, %add3A_76 : i32
    %dma_start3A_78 = arith.constant 0 : i32
    %dma_start3A_79 = tpu.memref_slice %arg5[%add3A_77, %dma_start3A_78] : memref<10000x128xf32, #tpu.memory_space<vmem_shared>> -> memref<48x128xf32, #tpu.memory_space<vmem_shared>>
    %dma_start3A_80 = arith.constant 0 : i32
    %dma_start3A_81 = tpu.memref_slice %arg5[%add3A_77, %dma_start3A_80] : memref<10000x128xf32, #tpu.memory_space<vmem_shared>> -> memref<48x128xf32, #tpu.memory_space<vmem_shared>>
    tpu.enqueue_dma source(%arg6 : memref<48x128xf32, #tpu.memory_space<vmem>>) target(%dma_start3A_81 : memref<48x128xf32, #tpu.memory_space<vmem_shared>>) target_semaphore(%arg11 : memref<!tpu.dma_semaphore, #tpu.memory_space<semaphore_mem>>)
    %add3A_82 = arith.constant 528 : i32
    %add3A_83 = arith.addi %mul3A_15, %add3A_82 : i32
    %dma_start3A_84 = arith.constant 0 : i32
    %dma_start3A_85 = tpu.memref_slice %arg5[%add3A_83, %dma_start3A_84] : memref<10000x128xf32, #tpu.memory_space<vmem_shared>> -> memref<48x128xf32, #tpu.memory_space<vmem_shared>>
    %dma_start3A_86 = arith.constant 0 : i32
    %dma_start3A_87 = tpu.memref_slice %arg5[%add3A_83, %dma_start3A_86] : memref<10000x128xf32, #tpu.memory_space<vmem_shared>> -> memref<48x128xf32, #tpu.memory_space<vmem_shared>>
    tpu.enqueue_dma source(%arg6 : memref<48x128xf32, #tpu.memory_space<vmem>>) target(%dma_start3A_87 : memref<48x128xf32, #tpu.memory_space<vmem_shared>>) target_semaphore(%arg11 : memref<!tpu.dma_semaphore, #tpu.memory_space<semaphore_mem>>)
    %add3A_88 = arith.constant 576 : i32
    %add3A_89 = arith.addi %mul3A_15, %add3A_88 : i32
    %dma_start3A_90 = arith.constant 0 : i32
    %dma_start3A_91 = tpu.memref_slice %arg5[%add3A_89, %dma_start3A_90] : memref<10000x128xf32, #tpu.memory_space<vmem_shared>> -> memref<48x128xf32, #tpu.memory_space<vmem_shared>>
    %dma_start3A_92 = arith.constant 0 : i32
    %dma_start3A_93 = tpu.memref_slice %arg5[%add3A_89, %dma_start3A_92] : memref<10000x128xf32, #tpu.memory_space<vmem_shared>> -> memref<48x128xf32, #tpu.memory_space<vmem_shared>>
    tpu.enqueue_dma source(%arg6 : memref<48x128xf32, #tpu.memory_space<vmem>>) target(%dma_start3A_93 : memref<48x128xf32, #tpu.memory_space<vmem_shared>>) target_semaphore(%arg11 : memref<!tpu.dma_semaphore, #tpu.memory_space<semaphore_mem>>)
    %eq3A = arith.constant 15 : i32
    %eq3A_94 = arith.cmpi eq, %arg1, %eq3A : i32
    %convert_element_type3A = arith.extui %eq3A_94 : i1 to i32
    %cond3A = arith.constant 0 : i32
    %cond3A_95 = arith.cmpi ne, %convert_element_type3A, %cond3A : i32
    scf.if %cond3A_95 {
      %dma_start3A_213 = arith.constant 0 : i32
      %dma_start3A_214 = arith.constant 0 : i32
      %dma_start3A_215 = tpu.memref_slice %arg6[%dma_start3A_213, %dma_start3A_214] : memref<48x128xf32, #tpu.memory_space<vmem>> -> memref<16x128xf32, #tpu.memory_space<vmem>>
      %dma_start3A_216 = arith.constant 9984 : i32
      %dma_start3A_217 = arith.constant 0 : i32
      %dma_start3A_218 = tpu.memref_slice %arg5[%dma_start3A_216, %dma_start3A_217] : memref<10000x128xf32, #tpu.memory_space<vmem_shared>> -> memref<16x128xf32, #tpu.memory_space<vmem_shared>>
      %dma_start3A_219 = arith.constant 9984 : i32
      %dma_start3A_220 = arith.constant 0 : i32
      %dma_start3A_221 = tpu.memref_slice %arg5[%dma_start3A_219, %dma_start3A_220] : memref<10000x128xf32, #tpu.memory_space<vmem_shared>> -> memref<16x128xf32, #tpu.memory_space<vmem_shared>>
      %dma_start3A_222 = arith.constant 0 : i32
      %dma_start3A_223 = arith.constant 0 : i32
      %dma_start3A_224 = tpu.memref_slice %arg6[%dma_start3A_222, %dma_start3A_223] : memref<48x128xf32, #tpu.memory_space<vmem>> -> memref<16x128xf32, #tpu.memory_space<vmem>>
      tpu.enqueue_dma source(%dma_start3A_224 : memref<16x128xf32, #tpu.memory_space<vmem>>) target(%dma_start3A_221 : memref<16x128xf32, #tpu.memory_space<vmem_shared>>) target_semaphore(%arg11 : memref<!tpu.dma_semaphore, #tpu.memory_space<semaphore_mem>>)
    } else {
    }
    %add3A_96 = arith.constant 0 : i32
    %add3A_97 = arith.addi %mul3A_15, %add3A_96 : i32
    %dma_wait3A = arith.constant 0 : i32
    %dma_wait3A_98 = tpu.memref_slice %arg5[%add3A_97, %dma_wait3A] : memref<10000x128xf32, #tpu.memory_space<vmem_shared>> -> memref<48x128xf32, #tpu.memory_space<vmem_shared>>
    %dma_wait3A_99 = arith.constant 0 : i32
    %dma_wait3A_100 = tpu.memref_slice %arg5[%add3A_97, %dma_wait3A_99] : memref<10000x128xf32, #tpu.memory_space<vmem_shared>> -> memref<48x128xf32, #tpu.memory_space<vmem_shared>>
    tpu.wait_dma2 semaphore(%arg11 : memref<!tpu.dma_semaphore, #tpu.memory_space<semaphore_mem>>) src(%arg6 : memref<48x128xf32, #tpu.memory_space<vmem>>) dst(%dma_wait3A_100 : memref<48x128xf32, #tpu.memory_space<vmem_shared>>)
    %add3A_101 = arith.constant 48 : i32
    %add3A_102 = arith.addi %mul3A_15, %add3A_101 : i32
    %dma_wait3A_103 = arith.constant 0 : i32
    %dma_wait3A_104 = tpu.memref_slice %arg5[%add3A_102, %dma_wait3A_103] : memref<10000x128xf32, #tpu.memory_space<vmem_shared>> -> memref<48x128xf32, #tpu.memory_space<vmem_shared>>
    %dma_wait3A_105 = arith.constant 0 : i32
    %dma_wait3A_106 = tpu.memref_slice %arg5[%add3A_102, %dma_wait3A_105] : memref<10000x128xf32, #tpu.memory_space<vmem_shared>> -> memref<48x128xf32, #tpu.memory_space<vmem_shared>>
    tpu.wait_dma2 semaphore(%arg11 : memref<!tpu.dma_semaphore, #tpu.memory_space<semaphore_mem>>) src(%arg6 : memref<48x128xf32, #tpu.memory_space<vmem>>) dst(%dma_wait3A_106 : memref<48x128xf32, #tpu.memory_space<vmem_shared>>)
    %add3A_107 = arith.constant 96 : i32
    %add3A_108 = arith.addi %mul3A_15, %add3A_107 : i32
    %dma_wait3A_109 = arith.constant 0 : i32
    %dma_wait3A_110 = tpu.memref_slice %arg5[%add3A_108, %dma_wait3A_109] : memref<10000x128xf32, #tpu.memory_space<vmem_shared>> -> memref<48x128xf32, #tpu.memory_space<vmem_shared>>
    %dma_wait3A_111 = arith.constant 0 : i32
    %dma_wait3A_112 = tpu.memref_slice %arg5[%add3A_108, %dma_wait3A_111] : memref<10000x128xf32, #tpu.memory_space<vmem_shared>> -> memref<48x128xf32, #tpu.memory_space<vmem_shared>>
    tpu.wait_dma2 semaphore(%arg11 : memref<!tpu.dma_semaphore, #tpu.memory_space<semaphore_mem>>) src(%arg6 : memref<48x128xf32, #tpu.memory_space<vmem>>) dst(%dma_wait3A_112 : memref<48x128xf32, #tpu.memory_space<vmem_shared>>)
    %add3A_113 = arith.constant 144 : i32
    %add3A_114 = arith.addi %mul3A_15, %add3A_113 : i32
    %dma_wait3A_115 = arith.constant 0 : i32
    %dma_wait3A_116 = tpu.memref_slice %arg5[%add3A_114, %dma_wait3A_115] : memref<10000x128xf32, #tpu.memory_space<vmem_shared>> -> memref<48x128xf32, #tpu.memory_space<vmem_shared>>
    %dma_wait3A_117 = arith.constant 0 : i32
    %dma_wait3A_118 = tpu.memref_slice %arg5[%add3A_114, %dma_wait3A_117] : memref<10000x128xf32, #tpu.memory_space<vmem_shared>> -> memref<48x128xf32, #tpu.memory_space<vmem_shared>>
    tpu.wait_dma2 semaphore(%arg11 : memref<!tpu.dma_semaphore, #tpu.memory_space<semaphore_mem>>) src(%arg6 : memref<48x128xf32, #tpu.memory_space<vmem>>) dst(%dma_wait3A_118 : memref<48x128xf32, #tpu.memory_space<vmem_shared>>)
    %add3A_119 = arith.constant 192 : i32
    %add3A_120 = arith.addi %mul3A_15, %add3A_119 : i32
    %dma_wait3A_121 = arith.constant 0 : i32
    %dma_wait3A_122 = tpu.memref_slice %arg5[%add3A_120, %dma_wait3A_121] : memref<10000x128xf32, #tpu.memory_space<vmem_shared>> -> memref<48x128xf32, #tpu.memory_space<vmem_shared>>
    %dma_wait3A_123 = arith.constant 0 : i32
    %dma_wait3A_124 = tpu.memref_slice %arg5[%add3A_120, %dma_wait3A_123] : memref<10000x128xf32, #tpu.memory_space<vmem_shared>> -> memref<48x128xf32, #tpu.memory_space<vmem_shared>>
    tpu.wait_dma2 semaphore(%arg11 : memref<!tpu.dma_semaphore, #tpu.memory_space<semaphore_mem>>) src(%arg6 : memref<48x128xf32, #tpu.memory_space<vmem>>) dst(%dma_wait3A_124 : memref<48x128xf32, #tpu.memory_space<vmem_shared>>)
    %add3A_125 = arith.constant 240 : i32
    %add3A_126 = arith.addi %mul3A_15, %add3A_125 : i32
    %dma_wait3A_127 = arith.constant 0 : i32
    %dma_wait3A_128 = tpu.memref_slice %arg5[%add3A_126, %dma_wait3A_127] : memref<10000x128xf32, #tpu.memory_space<vmem_shared>> -> memref<48x128xf32, #tpu.memory_space<vmem_shared>>
    %dma_wait3A_129 = arith.constant 0 : i32
    %dma_wait3A_130 = tpu.memref_slice %arg5[%add3A_126, %dma_wait3A_129] : memref<10000x128xf32, #tpu.memory_space<vmem_shared>> -> memref<48x128xf32, #tpu.memory_space<vmem_shared>>
    tpu.wait_dma2 semaphore(%arg11 : memref<!tpu.dma_semaphore, #tpu.memory_space<semaphore_mem>>) src(%arg6 : memref<48x128xf32, #tpu.memory_space<vmem>>) dst(%dma_wait3A_130 : memref<48x128xf32, #tpu.memory_space<vmem_shared>>)
    %add3A_131 = arith.constant 288 : i32
    %add3A_132 = arith.addi %mul3A_15, %add3A_131 : i32
    %dma_wait3A_133 = arith.constant 0 : i32
    %dma_wait3A_134 = tpu.memref_slice %arg5[%add3A_132, %dma_wait3A_133] : memref<10000x128xf32, #tpu.memory_space<vmem_shared>> -> memref<48x128xf32, #tpu.memory_space<vmem_shared>>
    %dma_wait3A_135 = arith.constant 0 : i32
    %dma_wait3A_136 = tpu.memref_slice %arg5[%add3A_132, %dma_wait3A_135] : memref<10000x128xf32, #tpu.memory_space<vmem_shared>> -> memref<48x128xf32, #tpu.memory_space<vmem_shared>>
    tpu.wait_dma2 semaphore(%arg11 : memref<!tpu.dma_semaphore, #tpu.memory_space<semaphore_mem>>) src(%arg6 : memref<48x128xf32, #tpu.memory_space<vmem>>) dst(%dma_wait3A_136 : memref<48x128xf32, #tpu.memory_space<vmem_shared>>)
    %add3A_137 = arith.constant 336 : i32
    %add3A_138 = arith.addi %mul3A_15, %add3A_137 : i32
    %dma_wait3A_139 = arith.constant 0 : i32
    %dma_wait3A_140 = tpu.memref_slice %arg5[%add3A_138, %dma_wait3A_139] : memref<10000x128xf32, #tpu.memory_space<vmem_shared>> -> memref<48x128xf32, #tpu.memory_space<vmem_shared>>
    %dma_wait3A_141 = arith.constant 0 : i32
    %dma_wait3A_142 = tpu.memref_slice %arg5[%add3A_138, %dma_wait3A_141] : memref<10000x128xf32, #tpu.memory_space<vmem_shared>> -> memref<48x128xf32, #tpu.memory_space<vmem_shared>>
    tpu.wait_dma2 semaphore(%arg11 : memref<!tpu.dma_semaphore, #tpu.memory_space<semaphore_mem>>) src(%arg6 : memref<48x128xf32, #tpu.memory_space<vmem>>) dst(%dma_wait3A_142 : memref<48x128xf32, #tpu.memory_space<vmem_shared>>)
    %add3A_143 = arith.constant 384 : i32
    %add3A_144 = arith.addi %mul3A_15, %add3A_143 : i32
    %dma_wait3A_145 = arith.constant 0 : i32
    %dma_wait3A_146 = tpu.memref_slice %arg5[%add3A_144, %dma_wait3A_145] : memref<10000x128xf32, #tpu.memory_space<vmem_shared>> -> memref<48x128xf32, #tpu.memory_space<vmem_shared>>
    %dma_wait3A_147 = arith.constant 0 : i32
    %dma_wait3A_148 = tpu.memref_slice %arg5[%add3A_144, %dma_wait3A_147] : memref<10000x128xf32, #tpu.memory_space<vmem_shared>> -> memref<48x128xf32, #tpu.memory_space<vmem_shared>>
    tpu.wait_dma2 semaphore(%arg11 : memref<!tpu.dma_semaphore, #tpu.memory_space<semaphore_mem>>) src(%arg6 : memref<48x128xf32, #tpu.memory_space<vmem>>) dst(%dma_wait3A_148 : memref<48x128xf32, #tpu.memory_space<vmem_shared>>)
    %add3A_149 = arith.constant 432 : i32
    %add3A_150 = arith.addi %mul3A_15, %add3A_149 : i32
    %dma_wait3A_151 = arith.constant 0 : i32
    %dma_wait3A_152 = tpu.memref_slice %arg5[%add3A_150, %dma_wait3A_151] : memref<10000x128xf32, #tpu.memory_space<vmem_shared>> -> memref<48x128xf32, #tpu.memory_space<vmem_shared>>
    %dma_wait3A_153 = arith.constant 0 : i32
    %dma_wait3A_154 = tpu.memref_slice %arg5[%add3A_150, %dma_wait3A_153] : memref<10000x128xf32, #tpu.memory_space<vmem_shared>> -> memref<48x128xf32, #tpu.memory_space<vmem_shared>>
    tpu.wait_dma2 semaphore(%arg11 : memref<!tpu.dma_semaphore, #tpu.memory_space<semaphore_mem>>) src(%arg6 : memref<48x128xf32, #tpu.memory_space<vmem>>) dst(%dma_wait3A_154 : memref<48x128xf32, #tpu.memory_space<vmem_shared>>)
    %add3A_155 = arith.constant 480 : i32
    %add3A_156 = arith.addi %mul3A_15, %add3A_155 : i32
    %dma_wait3A_157 = arith.constant 0 : i32
    %dma_wait3A_158 = tpu.memref_slice %arg5[%add3A_156, %dma_wait3A_157] : memref<10000x128xf32, #tpu.memory_space<vmem_shared>> -> memref<48x128xf32, #tpu.memory_space<vmem_shared>>
    %dma_wait3A_159 = arith.constant 0 : i32
    %dma_wait3A_160 = tpu.memref_slice %arg5[%add3A_156, %dma_wait3A_159] : memref<10000x128xf32, #tpu.memory_space<vmem_shared>> -> memref<48x128xf32, #tpu.memory_space<vmem_shared>>
    tpu.wait_dma2 semaphore(%arg11 : memref<!tpu.dma_semaphore, #tpu.memory_space<semaphore_mem>>) src(%arg6 : memref<48x128xf32, #tpu.memory_space<vmem>>) dst(%dma_wait3A_160 : memref<48x128xf32, #tpu.memory_space<vmem_shared>>)
    %add3A_161 = arith.constant 528 : i32
    %add3A_162 = arith.addi %mul3A_15, %add3A_161 : i32
    %dma_wait3A_163 = arith.constant 0 : i32
    %dma_wait3A_164 = tpu.memref_slice %arg5[%add3A_162, %dma_wait3A_163] : memref<10000x128xf32, #tpu.memory_space<vmem_shared>> -> memref<48x128xf32, #tpu.memory_space<vmem_shared>>
    %dma_wait3A_165 = arith.constant 0 : i32
    %dma_wait3A_166 = tpu.memref_slice %arg5[%add3A_162, %dma_wait3A_165] : memref<10000x128xf32, #tpu.memory_space<vmem_shared>> -> memref<48x128xf32, #tpu.memory_space<vmem_shared>>
    tpu.wait_dma2 semaphore(%arg11 : memref<!tpu.dma_semaphore, #tpu.memory_space<semaphore_mem>>) src(%arg6 : memref<48x128xf32, #tpu.memory_space<vmem>>) dst(%dma_wait3A_166 : memref<48x128xf32, #tpu.memory_space<vmem_shared>>)
    %add3A_167 = arith.constant 576 : i32
    %add3A_168 = arith.addi %mul3A_15, %add3A_167 : i32
    %dma_wait3A_169 = arith.constant 0 : i32
    %dma_wait3A_170 = tpu.memref_slice %arg5[%add3A_168, %dma_wait3A_169] : memref<10000x128xf32, #tpu.memory_space<vmem_shared>> -> memref<48x128xf32, #tpu.memory_space<vmem_shared>>
    %dma_wait3A_171 = arith.constant 0 : i32
    %dma_wait3A_172 = tpu.memref_slice %arg5[%add3A_168, %dma_wait3A_171] : memref<10000x128xf32, #tpu.memory_space<vmem_shared>> -> memref<48x128xf32, #tpu.memory_space<vmem_shared>>
    tpu.wait_dma2 semaphore(%arg11 : memref<!tpu.dma_semaphore, #tpu.memory_space<semaphore_mem>>) src(%arg6 : memref<48x128xf32, #tpu.memory_space<vmem>>) dst(%dma_wait3A_172 : memref<48x128xf32, #tpu.memory_space<vmem_shared>>)
    %eq3A_173 = arith.constant 15 : i32
    %eq3A_174 = arith.cmpi eq, %arg1, %eq3A_173 : i32
    %convert_element_type3A_175 = arith.extui %eq3A_174 : i1 to i32
    %cond3A_176 = arith.constant 0 : i32
    %cond3A_177 = arith.cmpi ne, %convert_element_type3A_175, %cond3A_176 : i32
    scf.if %cond3A_177 {
      %dma_wait3A_213 = arith.constant 0 : i32
      %dma_wait3A_214 = arith.constant 0 : i32
      %dma_wait3A_215 = tpu.memref_slice %arg6[%dma_wait3A_213, %dma_wait3A_214] : memref<48x128xf32, #tpu.memory_space<vmem>> -> memref<16x128xf32, #tpu.memory_space<vmem>>
      %dma_wait3A_216 = arith.constant 9984 : i32
      %dma_wait3A_217 = arith.constant 0 : i32
      %dma_wait3A_218 = tpu.memref_slice %arg5[%dma_wait3A_216, %dma_wait3A_217] : memref<10000x128xf32, #tpu.memory_space<vmem_shared>> -> memref<16x128xf32, #tpu.memory_space<vmem_shared>>
      %dma_wait3A_219 = arith.constant 9984 : i32
      %dma_wait3A_220 = arith.constant 0 : i32
      %dma_wait3A_221 = tpu.memref_slice %arg5[%dma_wait3A_219, %dma_wait3A_220] : memref<10000x128xf32, #tpu.memory_space<vmem_shared>> -> memref<16x128xf32, #tpu.memory_space<vmem_shared>>
      %dma_wait3A_222 = arith.constant 0 : i32
      %dma_wait3A_223 = arith.constant 0 : i32
      %dma_wait3A_224 = tpu.memref_slice %arg6[%dma_wait3A_222, %dma_wait3A_223] : memref<48x128xf32, #tpu.memory_space<vmem>> -> memref<16x128xf32, #tpu.memory_space<vmem>>
      tpu.wait_dma2 semaphore(%arg11 : memref<!tpu.dma_semaphore, #tpu.memory_space<semaphore_mem>>) src(%dma_wait3A_224 : memref<16x128xf32, #tpu.memory_space<vmem>>) dst(%dma_wait3A_221 : memref<16x128xf32, #tpu.memory_space<vmem_shared>>)
    } else {
    }
    %dma_wait3A_178 = arith.constant 0 : i32
    %dma_wait3A_179 = arith.constant 0 : i32
    %dma_wait3A_180 = tpu.memref_slice %arg3[%add3A, %dma_wait3A_178, %dma_wait3A_179] : memref<32x10x128xi32, #tpu.memory_space<hbm>> -> memref<1x10x128xi32, #tpu.memory_space<hbm>>
    %dma_wait3A_181 = tpu.memref_squeeze %dma_wait3A_180 : memref<1x10x128xi32, #tpu.memory_space<hbm>> -> memref<10x128xi32, #tpu.memory_space<hbm>>
    %dma_wait3A_182 = arith.constant 0 : i32
    %dma_wait3A_183 = arith.constant 0 : i32
    %dma_wait3A_184 = tpu.memref_slice %arg3[%add3A, %dma_wait3A_182, %dma_wait3A_183] : memref<32x10x128xi32, #tpu.memory_space<hbm>> -> memref<1x10x128xi32, #tpu.memory_space<hbm>>
    %dma_wait3A_185 = tpu.memref_squeeze %dma_wait3A_184 : memref<1x10x128xi32, #tpu.memory_space<hbm>> -> memref<10x128xi32, #tpu.memory_space<hbm>>
    tpu.wait_dma2 semaphore(%arg10 : memref<!tpu.dma_semaphore, #tpu.memory_space<semaphore_mem>>) src(%dma_wait3A_185 : memref<10x128xi32, #tpu.memory_space<hbm>>) dst(%arg7 : memref<10x128xi32, #tpu.memory_space<vmem>>)
    %barrier3A = arith.constant 0 : index
    tpu.barrier barrier_id(%barrier3A)
    %add3A_186 = arith.constant 0 : i32
    %add3A_187 = arith.addi %mul3A_2, %add3A_186 : i32
    %mul3A_188 = arith.constant 128 : i32
    %mul3A_189 = arith.muli %add3A_187, %mul3A_188 : i32
    %dma_start3A_190 = arith.constant 0 : i32
    %dma_start3A_191 = tpu.memref_slice %arg2[%mul3A_189, %dma_start3A_190] : memref<40960x128xf32, #tpu.memory_space<hbm>> -> memref<128x128xf32, #tpu.memory_space<hbm>>
    %dma_start3A_192 = arith.constant 0 : i32
    %dma_start3A_193 = tpu.memref_slice %arg2[%mul3A_189, %dma_start3A_192] : memref<40960x128xf32, #tpu.memory_space<hbm>> -> memref<128x128xf32, #tpu.memory_space<hbm>>
    tpu.enqueue_dma source(%dma_start3A_193 : memref<128x128xf32, #tpu.memory_space<hbm>>) target(%arg8 : memref<128x128xf32, #tpu.memory_space<vmem>>) target_semaphore(%arg12 : memref<!tpu.dma_semaphore, #tpu.memory_space<semaphore_mem>>)
    %add3A_194 = arith.constant 1 : i32
    %add3A_195 = arith.addi %mul3A_2, %add3A_194 : i32
    %mul3A_196 = arith.constant 128 : i32
    %mul3A_197 = arith.muli %add3A_195, %mul3A_196 : i32
    %dma_start3A_198 = arith.constant 0 : i32
    %dma_start3A_199 = tpu.memref_slice %arg2[%mul3A_197, %dma_start3A_198] : memref<40960x128xf32, #tpu.memory_space<hbm>> -> memref<128x128xf32, #tpu.memory_space<hbm>>
    %dma_start3A_200 = arith.constant 0 : i32
    %dma_start3A_201 = tpu.memref_slice %arg2[%mul3A_197, %dma_start3A_200] : memref<40960x128xf32, #tpu.memory_space<hbm>> -> memref<128x128xf32, #tpu.memory_space<hbm>>
    tpu.enqueue_dma source(%dma_start3A_201 : memref<128x128xf32, #tpu.memory_space<hbm>>) target(%arg9 : memref<128x128xf32, #tpu.memory_space<vmem>>) target_semaphore(%arg13 : memref<!tpu.dma_semaphore, #tpu.memory_space<semaphore_mem>>)
    %scan3A_202 = arith.constant 0 : i32
    %scan3A_203 = arith.constant 5 : i32
    %scan3A_204 = arith.addi %scan3A_202, %scan3A_203 : i32
    %scan3A_205 = arith.constant 1 : i32
    scf.for %scan3A_213 = %scan3A_202 to %scan3A_204 step %scan3A_205  : i32 {
      %mul3A_214 = arith.constant 1 : i32
      %mul3A_215 = arith.muli %scan3A_213, %mul3A_214 : i32
      %add3A_216 = arith.constant 0 : i32
      %add3A_217 = arith.addi %add3A_216, %mul3A_215 : i32
      %mul3A_218 = arith.constant 2 : i32
      %mul3A_219 = arith.muli %add3A_217, %mul3A_218 : i32
      %add3A_220 = arith.addi %mul3A_2, %mul3A_219 : i32
      %add3A_221 = arith.constant 0 : i32
      %add3A_222 = arith.addi %add3A_220, %add3A_221 : i32
      %mul3A_223 = arith.constant 128 : i32
      %mul3A_224 = arith.muli %add3A_222, %mul3A_223 : i32
      %dma_wait3A_225 = arith.constant 0 : i32
      %dma_wait3A_226 = tpu.memref_slice %arg2[%mul3A_224, %dma_wait3A_225] : memref<40960x128xf32, #tpu.memory_space<hbm>> -> memref<128x128xf32, #tpu.memory_space<hbm>>
      %dma_wait3A_227 = arith.constant 0 : i32
      %dma_wait3A_228 = tpu.memref_slice %arg2[%mul3A_224, %dma_wait3A_227] : memref<40960x128xf32, #tpu.memory_space<hbm>> -> memref<128x128xf32, #tpu.memory_space<hbm>>
      tpu.wait_dma2 semaphore(%arg12 : memref<!tpu.dma_semaphore, #tpu.memory_space<semaphore_mem>>) src(%dma_wait3A_228 : memref<128x128xf32, #tpu.memory_space<hbm>>) dst(%arg8 : memref<128x128xf32, #tpu.memory_space<vmem>>)
      %add3A_229 = arith.constant 0 : i32
      %add3A_230 = arith.addi %mul3A_219, %add3A_229 : i32
      %dma_start3A_231 = arith.constant 0 : i32
      %dma_start3A_232 = tpu.memref_slice %arg7[%add3A_230, %dma_start3A_231] : memref<10x128xi32, #tpu.memory_space<vmem>> -> memref<1x128xi32, #tpu.memory_space<vmem>>
      %dma_start3A_233 = tpu.memref_squeeze %dma_start3A_232 : memref<1x128xi32, #tpu.memory_space<vmem>> -> memref<128xi32, #tpu.memory_space<vmem>>
      %dma_start3A_234 = arith.constant 0 : i32
      %dma_start3A_235 = arith.constant 0 : i32
      %dma_start3A_236 = tpu.memref_slice %arg5[%dma_start3A_234, %dma_start3A_235] : memref<10000x128xf32, #tpu.memory_space<vmem_shared>> -> memref<10000x128xf32, #tpu.memory_space<vmem_shared>>
      tpu.enqueue_indirect_dma source(%arg8 : memref<128x128xf32, #tpu.memory_space<vmem>>) target(%dma_start3A_236 : memref<10000x128xf32, #tpu.memory_space<vmem_shared>>) offsets(%dma_start3A_233 : memref<128xi32, #tpu.memory_space<vmem>>) semaphore(%arg14 : memref<!tpu.dma_semaphore, #tpu.memory_space<semaphore_mem>>) {add = true}
      %dma_wait3A_237 = arith.constant 0 : i32
      %dma_wait3A_238 = tpu.memref_slice %arg7[%add3A_230, %dma_wait3A_237] : memref<10x128xi32, #tpu.memory_space<vmem>> -> memref<1x128xi32, #tpu.memory_space<vmem>>
      %dma_wait3A_239 = tpu.memref_squeeze %dma_wait3A_238 : memref<1x128xi32, #tpu.memory_space<vmem>> -> memref<128xi32, #tpu.memory_space<vmem>>
      %dma_wait3A_240 = arith.constant 0 : i32
      %dma_wait3A_241 = arith.constant 0 : i32
      %dma_wait3A_242 = tpu.memref_slice %arg5[%dma_wait3A_240, %dma_wait3A_241] : memref<10000x128xf32, #tpu.memory_space<vmem_shared>> -> memref<10000x128xf32, #tpu.memory_space<vmem_shared>>
      tpu.wait_indirect_dma semaphore(%arg14 : memref<!tpu.dma_semaphore, #tpu.memory_space<semaphore_mem>>) src(%arg8 : memref<128x128xf32, #tpu.memory_space<vmem>>) dst(%dma_wait3A_242 : memref<10000x128xf32, #tpu.memory_space<vmem_shared>>)
      %lt3A = arith.constant 4 : i32
      %lt3A_243 = arith.cmpi slt, %add3A_217, %lt3A : i32
      %convert_element_type3A_244 = arith.extui %lt3A_243 : i1 to i32
      %cond3A_245 = arith.constant 0 : i32
      %cond3A_246 = arith.cmpi ne, %convert_element_type3A_244, %cond3A_245 : i32
      scf.if %cond3A_246 {
        %add3A_275 = arith.constant 2 : i32
        %add3A_276 = arith.addi %mul3A_219, %add3A_275 : i32
        %add3A_277 = arith.constant 0 : i32
        %add3A_278 = arith.addi %add3A_276, %add3A_277 : i32
        %add3A_279 = arith.addi %mul3A_2, %add3A_278 : i32
        %mul3A_280 = arith.constant 128 : i32
        %mul3A_281 = arith.muli %add3A_279, %mul3A_280 : i32
        %dma_start3A_282 = arith.constant 0 : i32
        %dma_start3A_283 = tpu.memref_slice %arg2[%mul3A_281, %dma_start3A_282] : memref<40960x128xf32, #tpu.memory_space<hbm>> -> memref<128x128xf32, #tpu.memory_space<hbm>>
        %dma_start3A_284 = arith.constant 0 : i32
        %dma_start3A_285 = tpu.memref_slice %arg2[%mul3A_281, %dma_start3A_284] : memref<40960x128xf32, #tpu.memory_space<hbm>> -> memref<128x128xf32, #tpu.memory_space<hbm>>
        tpu.enqueue_dma source(%dma_start3A_285 : memref<128x128xf32, #tpu.memory_space<hbm>>) target(%arg8 : memref<128x128xf32, #tpu.memory_space<vmem>>) target_semaphore(%arg12 : memref<!tpu.dma_semaphore, #tpu.memory_space<semaphore_mem>>)
      } else {
      }
      %add3A_247 = arith.addi %mul3A_2, %mul3A_219 : i32
      %add3A_248 = arith.constant 1 : i32
      %add3A_249 = arith.addi %add3A_247, %add3A_248 : i32
      %mul3A_250 = arith.constant 128 : i32
      %mul3A_251 = arith.muli %add3A_249, %mul3A_250 : i32
      %dma_wait3A_252 = arith.constant 0 : i32
      %dma_wait3A_253 = tpu.memref_slice %arg2[%mul3A_251, %dma_wait3A_252] : memref<40960x128xf32, #tpu.memory_space<hbm>> -> memref<128x128xf32, #tpu.memory_space<hbm>>
      %dma_wait3A_254 = arith.constant 0 : i32
      %dma_wait3A_255 = tpu.memref_slice %arg2[%mul3A_251, %dma_wait3A_254] : memref<40960x128xf32, #tpu.memory_space<hbm>> -> memref<128x128xf32, #tpu.memory_space<hbm>>
      tpu.wait_dma2 semaphore(%arg13 : memref<!tpu.dma_semaphore, #tpu.memory_space<semaphore_mem>>) src(%dma_wait3A_255 : memref<128x128xf32, #tpu.memory_space<hbm>>) dst(%arg9 : memref<128x128xf32, #tpu.memory_space<vmem>>)
      %add3A_256 = arith.constant 1 : i32
      %add3A_257 = arith.addi %mul3A_219, %add3A_256 : i32
      %dma_start3A_258 = arith.constant 0 : i32
      %dma_start3A_259 = tpu.memref_slice %arg7[%add3A_257, %dma_start3A_258] : memref<10x128xi32, #tpu.memory_space<vmem>> -> memref<1x128xi32, #tpu.memory_space<vmem>>
      %dma_start3A_260 = tpu.memref_squeeze %dma_start3A_259 : memref<1x128xi32, #tpu.memory_space<vmem>> -> memref<128xi32, #tpu.memory_space<vmem>>
      %dma_start3A_261 = arith.constant 0 : i32
      %dma_start3A_262 = arith.constant 0 : i32
      %dma_start3A_263 = tpu.memref_slice %arg5[%dma_start3A_261, %dma_start3A_262] : memref<10000x128xf32, #tpu.memory_space<vmem_shared>> -> memref<10000x128xf32, #tpu.memory_space<vmem_shared>>
      tpu.enqueue_indirect_dma source(%arg9 : memref<128x128xf32, #tpu.memory_space<vmem>>) target(%dma_start3A_263 : memref<10000x128xf32, #tpu.memory_space<vmem_shared>>) offsets(%dma_start3A_260 : memref<128xi32, #tpu.memory_space<vmem>>) semaphore(%arg14 : memref<!tpu.dma_semaphore, #tpu.memory_space<semaphore_mem>>) {add = true}
      %dma_wait3A_264 = arith.constant 0 : i32
      %dma_wait3A_265 = tpu.memref_slice %arg7[%add3A_257, %dma_wait3A_264] : memref<10x128xi32, #tpu.memory_space<vmem>> -> memref<1x128xi32, #tpu.memory_space<vmem>>
      %dma_wait3A_266 = tpu.memref_squeeze %dma_wait3A_265 : memref<1x128xi32, #tpu.memory_space<vmem>> -> memref<128xi32, #tpu.memory_space<vmem>>
      %dma_wait3A_267 = arith.constant 0 : i32
      %dma_wait3A_268 = arith.constant 0 : i32
      %dma_wait3A_269 = tpu.memref_slice %arg5[%dma_wait3A_267, %dma_wait3A_268] : memref<10000x128xf32, #tpu.memory_space<vmem_shared>> -> memref<10000x128xf32, #tpu.memory_space<vmem_shared>>
      tpu.wait_indirect_dma semaphore(%arg14 : memref<!tpu.dma_semaphore, #tpu.memory_space<semaphore_mem>>) src(%arg9 : memref<128x128xf32, #tpu.memory_space<vmem>>) dst(%dma_wait3A_269 : memref<10000x128xf32, #tpu.memory_space<vmem_shared>>)
      %lt3A_270 = arith.constant 4 : i32
      %lt3A_271 = arith.cmpi slt, %add3A_217, %lt3A_270 : i32
      %convert_element_type3A_272 = arith.extui %lt3A_271 : i1 to i32
      %cond3A_273 = arith.constant 0 : i32
      %cond3A_274 = arith.cmpi ne, %convert_element_type3A_272, %cond3A_273 : i32
      scf.if %cond3A_274 {
        %add3A_275 = arith.constant 2 : i32
        %add3A_276 = arith.addi %mul3A_219, %add3A_275 : i32
        %add3A_277 = arith.constant 1 : i32
        %add3A_278 = arith.addi %add3A_276, %add3A_277 : i32
        %add3A_279 = arith.addi %mul3A_2, %add3A_278 : i32
        %mul3A_280 = arith.constant 128 : i32
        %mul3A_281 = arith.muli %add3A_279, %mul3A_280 : i32
        %dma_start3A_282 = arith.constant 0 : i32
        %dma_start3A_283 = tpu.memref_slice %arg2[%mul3A_281, %dma_start3A_282] : memref<40960x128xf32, #tpu.memory_space<hbm>> -> memref<128x128xf32, #tpu.memory_space<hbm>>
        %dma_start3A_284 = arith.constant 0 : i32
        %dma_start3A_285 = tpu.memref_slice %arg2[%mul3A_281, %dma_start3A_284] : memref<40960x128xf32, #tpu.memory_space<hbm>> -> memref<128x128xf32, #tpu.memory_space<hbm>>
        tpu.enqueue_dma source(%dma_start3A_285 : memref<128x128xf32, #tpu.memory_space<hbm>>) target(%arg9 : memref<128x128xf32, #tpu.memory_space<vmem>>) target_semaphore(%arg13 : memref<!tpu.dma_semaphore, #tpu.memory_space<semaphore_mem>>)
      } else {
      }
    }
    %scan3A_206 = arith.constant 5 : i32
    %barrier3A_207 = arith.constant 0 : index
    tpu.barrier barrier_id(%barrier3A_207)
    "tpu.region"() ({
      %run_scoped3A = tpu.sem_alloc : memref<!tpu.dma_semaphore, #tpu.memory_space<semaphore_mem>>
      %dma_start3A_213 = arith.constant 0 : i32
      %dma_start3A_214 = tpu.memref_slice %arg4[%arg0, %mul3A_15, %dma_start3A_213] : memref<2x10000x128xf32, #tpu.memory_space<hbm>> -> memref<1x624x128xf32, #tpu.memory_space<hbm>>
      %dma_start3A_215 = tpu.memref_squeeze %dma_start3A_214 : memref<1x624x128xf32, #tpu.memory_space<hbm>> -> memref<624x128xf32, #tpu.memory_space<hbm>>
      %dma_start3A_216 = arith.constant 0 : i32
      %dma_start3A_217 = tpu.memref_slice %arg5[%mul3A_15, %dma_start3A_216] : memref<10000x128xf32, #tpu.memory_space<vmem_shared>> -> memref<624x128xf32, #tpu.memory_space<vmem_shared>>
      tpu.enqueue_dma source(%dma_start3A_217 : memref<624x128xf32, #tpu.memory_space<vmem_shared>>) target(%dma_start3A_215 : memref<624x128xf32, #tpu.memory_space<hbm>>) target_semaphore(%run_scoped3A : memref<!tpu.dma_semaphore, #tpu.memory_space<semaphore_mem>>)
      %dma_wait3A_218 = arith.constant 0 : i32
      %dma_wait3A_219 = tpu.memref_slice %arg4[%arg0, %mul3A_15, %dma_wait3A_218] : memref<2x10000x128xf32, #tpu.memory_space<hbm>> -> memref<1x624x128xf32, #tpu.memory_space<hbm>>
      %dma_wait3A_220 = tpu.memref_squeeze %dma_wait3A_219 : memref<1x624x128xf32, #tpu.memory_space<hbm>> -> memref<624x128xf32, #tpu.memory_space<hbm>>
      %dma_wait3A_221 = arith.constant 0 : i32
      %dma_wait3A_222 = tpu.memref_slice %arg5[%mul3A_15, %dma_wait3A_221] : memref<10000x128xf32, #tpu.memory_space<vmem_shared>> -> memref<624x128xf32, #tpu.memory_space<vmem_shared>>
      tpu.wait_dma2 semaphore(%run_scoped3A : memref<!tpu.dma_semaphore, #tpu.memory_space<semaphore_mem>>) src(%dma_wait3A_222 : memref<624x128xf32, #tpu.memory_space<vmem_shared>>) dst(%dma_wait3A_220 : memref<624x128xf32, #tpu.memory_space<hbm>>)
      tpu.yield
    }) : () -> ()
    %eq3A_208 = arith.constant 15 : i32
    %eq3A_209 = arith.cmpi eq, %arg1, %eq3A_208 : i32
    %convert_element_type3A_210 = arith.extui %eq3A_209 : i1 to i32
    %cond3A_211 = arith.constant 0 : i32
    %cond3A_212 = arith.cmpi ne, %convert_element_type3A_210, %cond3A_211 : i32
    scf.if %cond3A_212 {
      "tpu.region"() ({
        %run_scoped3A = tpu.sem_alloc : memref<!tpu.dma_semaphore, #tpu.memory_space<semaphore_mem>>
        %dma_start3A_213 = arith.constant 9984 : i32
        %dma_start3A_214 = arith.constant 0 : i32
        %dma_start3A_215 = tpu.memref_slice %arg4[%arg0, %dma_start3A_213, %dma_start3A_214] : memref<2x10000x128xf32, #tpu.memory_space<hbm>> -> memref<1x16x128xf32, #tpu.memory_space<hbm>>
        %dma_start3A_216 = tpu.memref_squeeze %dma_start3A_215 : memref<1x16x128xf32, #tpu.memory_space<hbm>> -> memref<16x128xf32, #tpu.memory_space<hbm>>
        %dma_start3A_217 = arith.constant 9984 : i32
        %dma_start3A_218 = arith.constant 0 : i32
        %dma_start3A_219 = tpu.memref_slice %arg5[%dma_start3A_217, %dma_start3A_218] : memref<10000x128xf32, #tpu.memory_space<vmem_shared>> -> memref<16x128xf32, #tpu.memory_space<vmem_shared>>
        tpu.enqueue_dma source(%dma_start3A_219 : memref<16x128xf32, #tpu.memory_space<vmem_shared>>) target(%dma_start3A_216 : memref<16x128xf32, #tpu.memory_space<hbm>>) target_semaphore(%run_scoped3A : memref<!tpu.dma_semaphore, #tpu.memory_space<semaphore_mem>>)
        %dma_wait3A_220 = arith.constant 9984 : i32
        %dma_wait3A_221 = arith.constant 0 : i32
        %dma_wait3A_222 = tpu.memref_slice %arg4[%arg0, %dma_wait3A_220, %dma_wait3A_221] : memref<2x10000x128xf32, #tpu.memory_space<hbm>> -> memref<1x16x128xf32, #tpu.memory_space<hbm>>
        %dma_wait3A_223 = tpu.memref_squeeze %dma_wait3A_222 : memref<1x16x128xf32, #tpu.memory_space<hbm>> -> memref<16x128xf32, #tpu.memory_space<hbm>>
        %dma_wait3A_224 = arith.constant 9984 : i32
        %dma_wait3A_225 = arith.constant 0 : i32
        %dma_wait3A_226 = tpu.memref_slice %arg5[%dma_wait3A_224, %dma_wait3A_225] : memref<10000x128xf32, #tpu.memory_space<vmem_shared>> -> memref<16x128xf32, #tpu.memory_space<vmem_shared>>
        tpu.wait_dma2 semaphore(%run_scoped3A : memref<!tpu.dma_semaphore, #tpu.memory_space<semaphore_mem>>) src(%dma_wait3A_226 : memref<16x128xf32, #tpu.memory_space<vmem_shared>>) dst(%dma_wait3A_223 : memref<16x128xf32, #tpu.memory_space<hbm>>)
        tpu.yield
      }) : () -> ()
    } else {
    }
    return
  }
}

#map = affine_map<(d0, d1) -> (0, 0)>
#map1 = affine_map<(d0, d1) -> (0, 0, 0)>
module attributes {stable_mosaic.version = 14 : i64} {
  func.func @_gather_body(%arg0: i32, %arg1: i32, %arg2: memref<10000x128xf32, #tpu.memory_space<hbm>>, %arg3: memref<32x20x128xi32, #tpu.memory_space<hbm>>, %arg4: memref<81920x128xf32, #tpu.memory_space<hbm>>, %arg5: memref<10000x128xf32, #tpu.memory_space<vmem_shared>>, %arg6: memref<20x128xi32, #tpu.memory_space<vmem>>, %arg7: memref<128x128xf32, #tpu.memory_space<vmem>>, %arg8: memref<128x128xf32, #tpu.memory_space<vmem>>, %arg9: memref<!tpu.dma_semaphore, #tpu.memory_space<semaphore_mem>>, %arg10: memref<!tpu.dma_semaphore, #tpu.memory_space<semaphore_mem>>, %arg11: memref<!tpu.dma_semaphore, #tpu.memory_space<semaphore_mem>>, %arg12: memref<!tpu.dma_semaphore, #tpu.memory_space<semaphore_mem>>, %arg13: memref<!tpu.dma_semaphore, #tpu.memory_space<semaphore_mem>>, %arg14: memref<!tpu.dma_semaphore, #tpu.memory_space<semaphore_mem>>) attributes {dimension_semantics = [#tpu.dimension_semantics<core_parallel>, #tpu.dimension_semantics<subcore_parallel>], iteration_bounds = array<i64: 2, 16>, scalar_prefetch = 0 : i64, scratch_operands = 10 : i64, tpu.core_type = #tpu.core_type<sc_vector_subcore>, window_params = [{transform_indices = #map}, {transform_indices = #map1}, {transform_indices = #map}]} {
    %mul3A = arith.constant 2 : i32
    %mul3A_0 = arith.muli %arg1, %mul3A : i32
    %add3A = arith.addi %mul3A_0, %arg0 : i32
    %mul3A_1 = arith.constant 20 : i32
    %mul3A_2 = arith.muli %add3A, %mul3A_1 : i32
    %dma_start3A = arith.constant 0 : i32
    %dma_start3A_3 = arith.constant 0 : i32
    %dma_start3A_4 = tpu.memref_slice %arg3[%add3A, %dma_start3A, %dma_start3A_3] : memref<32x20x128xi32, #tpu.memory_space<hbm>> -> memref<1x20x128xi32, #tpu.memory_space<hbm>>
    %dma_start3A_5 = tpu.memref_squeeze %dma_start3A_4 : memref<1x20x128xi32, #tpu.memory_space<hbm>> -> memref<20x128xi32, #tpu.memory_space<hbm>>
    %dma_start3A_6 = arith.constant 0 : i32
    %dma_start3A_7 = arith.constant 0 : i32
    %dma_start3A_8 = tpu.memref_slice %arg3[%add3A, %dma_start3A_6, %dma_start3A_7] : memref<32x20x128xi32, #tpu.memory_space<hbm>> -> memref<1x20x128xi32, #tpu.memory_space<hbm>>
    %dma_start3A_9 = tpu.memref_squeeze %dma_start3A_8 : memref<1x20x128xi32, #tpu.memory_space<hbm>> -> memref<20x128xi32, #tpu.memory_space<hbm>>
    tpu.enqueue_dma source(%dma_start3A_9 : memref<20x128xi32, #tpu.memory_space<hbm>>) target(%arg6 : memref<20x128xi32, #tpu.memory_space<vmem>>) target_semaphore(%arg9 : memref<!tpu.dma_semaphore, #tpu.memory_space<semaphore_mem>>)
    %mul3A_10 = arith.constant 624 : i32
    %mul3A_11 = arith.muli %arg1, %mul3A_10 : i32
    %dma_start3A_12 = arith.constant 0 : i32
    %dma_start3A_13 = tpu.memref_slice %arg5[%mul3A_11, %dma_start3A_12] : memref<10000x128xf32, #tpu.memory_space<vmem_shared>> -> memref<624x128xf32, #tpu.memory_space<vmem_shared>>
    %dma_start3A_14 = arith.constant 0 : i32
    %dma_start3A_15 = tpu.memref_slice %arg2[%mul3A_11, %dma_start3A_14] : memref<10000x128xf32, #tpu.memory_space<hbm>> -> memref<624x128xf32, #tpu.memory_space<hbm>>
    tpu.enqueue_dma source(%dma_start3A_15 : memref<624x128xf32, #tpu.memory_space<hbm>>) target(%dma_start3A_13 : memref<624x128xf32, #tpu.memory_space<vmem_shared>>) target_semaphore(%arg10 : memref<!tpu.dma_semaphore, #tpu.memory_space<semaphore_mem>>)
    %eq3A = arith.constant 15 : i32
    %eq3A_16 = arith.cmpi eq, %arg1, %eq3A : i32
    %convert_element_type3A = arith.extui %eq3A_16 : i1 to i32
    %cond3A = arith.constant 0 : i32
    %cond3A_17 = arith.cmpi ne, %convert_element_type3A, %cond3A : i32
    scf.if %cond3A_17 {
      %dma_start3A_52 = arith.constant 9984 : i32
      %dma_start3A_53 = arith.constant 0 : i32
      %dma_start3A_54 = tpu.memref_slice %arg5[%dma_start3A_52, %dma_start3A_53] : memref<10000x128xf32, #tpu.memory_space<vmem_shared>> -> memref<16x128xf32, #tpu.memory_space<vmem_shared>>
      %dma_start3A_55 = arith.constant 9984 : i32
      %dma_start3A_56 = arith.constant 0 : i32
      %dma_start3A_57 = tpu.memref_slice %arg2[%dma_start3A_55, %dma_start3A_56] : memref<10000x128xf32, #tpu.memory_space<hbm>> -> memref<16x128xf32, #tpu.memory_space<hbm>>
      tpu.enqueue_dma source(%dma_start3A_57 : memref<16x128xf32, #tpu.memory_space<hbm>>) target(%dma_start3A_54 : memref<16x128xf32, #tpu.memory_space<vmem_shared>>) target_semaphore(%arg10 : memref<!tpu.dma_semaphore, #tpu.memory_space<semaphore_mem>>)
    } else {
    }
    %dma_wait3A = arith.constant 0 : i32
    %dma_wait3A_18 = tpu.memref_slice %arg5[%mul3A_11, %dma_wait3A] : memref<10000x128xf32, #tpu.memory_space<vmem_shared>> -> memref<624x128xf32, #tpu.memory_space<vmem_shared>>
    %dma_wait3A_19 = arith.constant 0 : i32
    %dma_wait3A_20 = tpu.memref_slice %arg2[%mul3A_11, %dma_wait3A_19] : memref<10000x128xf32, #tpu.memory_space<hbm>> -> memref<624x128xf32, #tpu.memory_space<hbm>>
    tpu.wait_dma2 semaphore(%arg10 : memref<!tpu.dma_semaphore, #tpu.memory_space<semaphore_mem>>) src(%dma_wait3A_20 : memref<624x128xf32, #tpu.memory_space<hbm>>) dst(%dma_wait3A_18 : memref<624x128xf32, #tpu.memory_space<vmem_shared>>)
    %eq3A_21 = arith.constant 15 : i32
    %eq3A_22 = arith.cmpi eq, %arg1, %eq3A_21 : i32
    %convert_element_type3A_23 = arith.extui %eq3A_22 : i1 to i32
    %cond3A_24 = arith.constant 0 : i32
    %cond3A_25 = arith.cmpi ne, %convert_element_type3A_23, %cond3A_24 : i32
    scf.if %cond3A_25 {
      %dma_wait3A_52 = arith.constant 9984 : i32
      %dma_wait3A_53 = arith.constant 0 : i32
      %dma_wait3A_54 = tpu.memref_slice %arg5[%dma_wait3A_52, %dma_wait3A_53] : memref<10000x128xf32, #tpu.memory_space<vmem_shared>> -> memref<16x128xf32, #tpu.memory_space<vmem_shared>>
      %dma_wait3A_55 = arith.constant 9984 : i32
      %dma_wait3A_56 = arith.constant 0 : i32
      %dma_wait3A_57 = tpu.memref_slice %arg2[%dma_wait3A_55, %dma_wait3A_56] : memref<10000x128xf32, #tpu.memory_space<hbm>> -> memref<16x128xf32, #tpu.memory_space<hbm>>
      tpu.wait_dma2 semaphore(%arg10 : memref<!tpu.dma_semaphore, #tpu.memory_space<semaphore_mem>>) src(%dma_wait3A_57 : memref<16x128xf32, #tpu.memory_space<hbm>>) dst(%dma_wait3A_54 : memref<16x128xf32, #tpu.memory_space<vmem_shared>>)
    } else {
    }
    %dma_wait3A_26 = arith.constant 0 : i32
    %dma_wait3A_27 = arith.constant 0 : i32
    %dma_wait3A_28 = tpu.memref_slice %arg3[%add3A, %dma_wait3A_26, %dma_wait3A_27] : memref<32x20x128xi32, #tpu.memory_space<hbm>> -> memref<1x20x128xi32, #tpu.memory_space<hbm>>
    %dma_wait3A_29 = tpu.memref_squeeze %dma_wait3A_28 : memref<1x20x128xi32, #tpu.memory_space<hbm>> -> memref<20x128xi32, #tpu.memory_space<hbm>>
    %dma_wait3A_30 = arith.constant 0 : i32
    %dma_wait3A_31 = arith.constant 0 : i32
    %dma_wait3A_32 = tpu.memref_slice %arg3[%add3A, %dma_wait3A_30, %dma_wait3A_31] : memref<32x20x128xi32, #tpu.memory_space<hbm>> -> memref<1x20x128xi32, #tpu.memory_space<hbm>>
    %dma_wait3A_33 = tpu.memref_squeeze %dma_wait3A_32 : memref<1x20x128xi32, #tpu.memory_space<hbm>> -> memref<20x128xi32, #tpu.memory_space<hbm>>
    tpu.wait_dma2 semaphore(%arg9 : memref<!tpu.dma_semaphore, #tpu.memory_space<semaphore_mem>>) src(%dma_wait3A_33 : memref<20x128xi32, #tpu.memory_space<hbm>>) dst(%arg6 : memref<20x128xi32, #tpu.memory_space<vmem>>)
    %barrier3A = arith.constant 0 : index
    tpu.barrier barrier_id(%barrier3A)
    %dma_start3A_34 = arith.constant 0 : i32
    %dma_start3A_35 = arith.constant 0 : i32
    %dma_start3A_36 = tpu.memref_slice %arg6[%dma_start3A_34, %dma_start3A_35] : memref<20x128xi32, #tpu.memory_space<vmem>> -> memref<1x128xi32, #tpu.memory_space<vmem>>
    %dma_start3A_37 = tpu.memref_squeeze %dma_start3A_36 : memref<1x128xi32, #tpu.memory_space<vmem>> -> memref<128xi32, #tpu.memory_space<vmem>>
    %dma_start3A_38 = arith.constant 0 : i32
    %dma_start3A_39 = arith.constant 0 : i32
    %dma_start3A_40 = tpu.memref_slice %arg5[%dma_start3A_38, %dma_start3A_39] : memref<10000x128xf32, #tpu.memory_space<vmem_shared>> -> memref<10000x128xf32, #tpu.memory_space<vmem_shared>>
    tpu.enqueue_indirect_dma source(%dma_start3A_40 : memref<10000x128xf32, #tpu.memory_space<vmem_shared>>) target(%arg7 : memref<128x128xf32, #tpu.memory_space<vmem>>) offsets(%dma_start3A_37 : memref<128xi32, #tpu.memory_space<vmem>>) semaphore(%arg11 : memref<!tpu.dma_semaphore, #tpu.memory_space<semaphore_mem>>)
    %dma_start3A_41 = arith.constant 1 : i32
    %dma_start3A_42 = arith.constant 0 : i32
    %dma_start3A_43 = tpu.memref_slice %arg6[%dma_start3A_41, %dma_start3A_42] : memref<20x128xi32, #tpu.memory_space<vmem>> -> memref<1x128xi32, #tpu.memory_space<vmem>>
    %dma_start3A_44 = tpu.memref_squeeze %dma_start3A_43 : memref<1x128xi32, #tpu.memory_space<vmem>> -> memref<128xi32, #tpu.memory_space<vmem>>
    %dma_start3A_45 = arith.constant 0 : i32
    %dma_start3A_46 = arith.constant 0 : i32
    %dma_start3A_47 = tpu.memref_slice %arg5[%dma_start3A_45, %dma_start3A_46] : memref<10000x128xf32, #tpu.memory_space<vmem_shared>> -> memref<10000x128xf32, #tpu.memory_space<vmem_shared>>
    tpu.enqueue_indirect_dma source(%dma_start3A_47 : memref<10000x128xf32, #tpu.memory_space<vmem_shared>>) target(%arg8 : memref<128x128xf32, #tpu.memory_space<vmem>>) offsets(%dma_start3A_44 : memref<128xi32, #tpu.memory_space<vmem>>) semaphore(%arg12 : memref<!tpu.dma_semaphore, #tpu.memory_space<semaphore_mem>>)
    %scan3A = arith.constant 0 : i32
    %scan3A_48 = arith.constant 10 : i32
    %scan3A_49 = arith.addi %scan3A, %scan3A_48 : i32
    %scan3A_50 = arith.constant 1 : i32
    scf.for %scan3A_52 = %scan3A to %scan3A_49 step %scan3A_50  : i32 {
      %mul3A_53 = arith.constant 1 : i32
      %mul3A_54 = arith.muli %scan3A_52, %mul3A_53 : i32
      %add3A_55 = arith.constant 0 : i32
      %add3A_56 = arith.addi %add3A_55, %mul3A_54 : i32
      %mul3A_57 = arith.constant 2 : i32
      %mul3A_58 = arith.muli %add3A_56, %mul3A_57 : i32
      %add3A_59 = arith.constant 0 : i32
      %add3A_60 = arith.addi %mul3A_58, %add3A_59 : i32
      %dma_wait3A_61 = arith.constant 0 : i32
      %dma_wait3A_62 = tpu.memref_slice %arg6[%add3A_60, %dma_wait3A_61] : memref<20x128xi32, #tpu.memory_space<vmem>> -> memref<1x128xi32, #tpu.memory_space<vmem>>
      %dma_wait3A_63 = tpu.memref_squeeze %dma_wait3A_62 : memref<1x128xi32, #tpu.memory_space<vmem>> -> memref<128xi32, #tpu.memory_space<vmem>>
      %dma_wait3A_64 = arith.constant 0 : i32
      %dma_wait3A_65 = arith.constant 0 : i32
      %dma_wait3A_66 = tpu.memref_slice %arg5[%dma_wait3A_64, %dma_wait3A_65] : memref<10000x128xf32, #tpu.memory_space<vmem_shared>> -> memref<10000x128xf32, #tpu.memory_space<vmem_shared>>
      tpu.wait_indirect_dma semaphore(%arg11 : memref<!tpu.dma_semaphore, #tpu.memory_space<semaphore_mem>>) src(%dma_wait3A_66 : memref<10000x128xf32, #tpu.memory_space<vmem_shared>>) dst(%arg7 : memref<128x128xf32, #tpu.memory_space<vmem>>)
      %add3A_67 = arith.constant 0 : i32
      %add3A_68 = arith.addi %mul3A_58, %add3A_67 : i32
      %add3A_69 = arith.addi %mul3A_2, %add3A_68 : i32
      %mul3A_70 = arith.constant 128 : i32
      %mul3A_71 = arith.muli %add3A_69, %mul3A_70 : i32
      %dma_start3A_72 = arith.constant 0 : i32
      %dma_start3A_73 = tpu.memref_slice %arg4[%mul3A_71, %dma_start3A_72] : memref<81920x128xf32, #tpu.memory_space<hbm>> -> memref<128x128xf32, #tpu.memory_space<hbm>>
      %dma_start3A_74 = arith.constant 0 : i32
      %dma_start3A_75 = tpu.memref_slice %arg4[%mul3A_71, %dma_start3A_74] : memref<81920x128xf32, #tpu.memory_space<hbm>> -> memref<128x128xf32, #tpu.memory_space<hbm>>
      tpu.enqueue_dma source(%arg7 : memref<128x128xf32, #tpu.memory_space<vmem>>) target(%dma_start3A_75 : memref<128x128xf32, #tpu.memory_space<hbm>>) target_semaphore(%arg13 : memref<!tpu.dma_semaphore, #tpu.memory_space<semaphore_mem>>)
      %add3A_76 = arith.constant 1 : i32
      %add3A_77 = arith.addi %mul3A_58, %add3A_76 : i32
      %dma_wait3A_78 = arith.constant 0 : i32
      %dma_wait3A_79 = tpu.memref_slice %arg6[%add3A_77, %dma_wait3A_78] : memref<20x128xi32, #tpu.memory_space<vmem>> -> memref<1x128xi32, #tpu.memory_space<vmem>>
      %dma_wait3A_80 = tpu.memref_squeeze %dma_wait3A_79 : memref<1x128xi32, #tpu.memory_space<vmem>> -> memref<128xi32, #tpu.memory_space<vmem>>
      %dma_wait3A_81 = arith.constant 0 : i32
      %dma_wait3A_82 = arith.constant 0 : i32
      %dma_wait3A_83 = tpu.memref_slice %arg5[%dma_wait3A_81, %dma_wait3A_82] : memref<10000x128xf32, #tpu.memory_space<vmem_shared>> -> memref<10000x128xf32, #tpu.memory_space<vmem_shared>>
      tpu.wait_indirect_dma semaphore(%arg12 : memref<!tpu.dma_semaphore, #tpu.memory_space<semaphore_mem>>) src(%dma_wait3A_83 : memref<10000x128xf32, #tpu.memory_space<vmem_shared>>) dst(%arg8 : memref<128x128xf32, #tpu.memory_space<vmem>>)
      %add3A_84 = arith.constant 1 : i32
      %add3A_85 = arith.addi %mul3A_58, %add3A_84 : i32
      %add3A_86 = arith.addi %mul3A_2, %add3A_85 : i32
      %mul3A_87 = arith.constant 128 : i32
      %mul3A_88 = arith.muli %add3A_86, %mul3A_87 : i32
      %dma_start3A_89 = arith.constant 0 : i32
      %dma_start3A_90 = tpu.memref_slice %arg4[%mul3A_88, %dma_start3A_89] : memref<81920x128xf32, #tpu.memory_space<hbm>> -> memref<128x128xf32, #tpu.memory_space<hbm>>
      %dma_start3A_91 = arith.constant 0 : i32
      %dma_start3A_92 = tpu.memref_slice %arg4[%mul3A_88, %dma_start3A_91] : memref<81920x128xf32, #tpu.memory_space<hbm>> -> memref<128x128xf32, #tpu.memory_space<hbm>>
      tpu.enqueue_dma source(%arg8 : memref<128x128xf32, #tpu.memory_space<vmem>>) target(%dma_start3A_92 : memref<128x128xf32, #tpu.memory_space<hbm>>) target_semaphore(%arg14 : memref<!tpu.dma_semaphore, #tpu.memory_space<semaphore_mem>>)
      %add3A_93 = arith.addi %mul3A_2, %mul3A_58 : i32
      %add3A_94 = arith.constant 0 : i32
      %add3A_95 = arith.addi %add3A_93, %add3A_94 : i32
      %mul3A_96 = arith.constant 128 : i32
      %mul3A_97 = arith.muli %add3A_95, %mul3A_96 : i32
      %dma_wait3A_98 = arith.constant 0 : i32
      %dma_wait3A_99 = tpu.memref_slice %arg4[%mul3A_97, %dma_wait3A_98] : memref<81920x128xf32, #tpu.memory_space<hbm>> -> memref<128x128xf32, #tpu.memory_space<hbm>>
      %dma_wait3A_100 = arith.constant 0 : i32
      %dma_wait3A_101 = tpu.memref_slice %arg4[%mul3A_97, %dma_wait3A_100] : memref<81920x128xf32, #tpu.memory_space<hbm>> -> memref<128x128xf32, #tpu.memory_space<hbm>>
      tpu.wait_dma2 semaphore(%arg13 : memref<!tpu.dma_semaphore, #tpu.memory_space<semaphore_mem>>) src(%arg7 : memref<128x128xf32, #tpu.memory_space<vmem>>) dst(%dma_wait3A_101 : memref<128x128xf32, #tpu.memory_space<hbm>>)
      %lt3A = arith.constant 9 : i32
      %lt3A_102 = arith.cmpi slt, %add3A_56, %lt3A : i32
      %convert_element_type3A_103 = arith.extui %lt3A_102 : i1 to i32
      %cond3A_104 = arith.constant 0 : i32
      %cond3A_105 = arith.cmpi ne, %convert_element_type3A_103, %cond3A_104 : i32
      scf.if %cond3A_105 {
        %add3A_120 = arith.constant 2 : i32
        %add3A_121 = arith.addi %mul3A_58, %add3A_120 : i32
        %add3A_122 = arith.constant 0 : i32
        %add3A_123 = arith.addi %add3A_121, %add3A_122 : i32
        %dma_start3A_124 = arith.constant 0 : i32
        %dma_start3A_125 = tpu.memref_slice %arg6[%add3A_123, %dma_start3A_124] : memref<20x128xi32, #tpu.memory_space<vmem>> -> memref<1x128xi32, #tpu.memory_space<vmem>>
        %dma_start3A_126 = tpu.memref_squeeze %dma_start3A_125 : memref<1x128xi32, #tpu.memory_space<vmem>> -> memref<128xi32, #tpu.memory_space<vmem>>
        %dma_start3A_127 = arith.constant 0 : i32
        %dma_start3A_128 = arith.constant 0 : i32
        %dma_start3A_129 = tpu.memref_slice %arg5[%dma_start3A_127, %dma_start3A_128] : memref<10000x128xf32, #tpu.memory_space<vmem_shared>> -> memref<10000x128xf32, #tpu.memory_space<vmem_shared>>
        tpu.enqueue_indirect_dma source(%dma_start3A_129 : memref<10000x128xf32, #tpu.memory_space<vmem_shared>>) target(%arg7 : memref<128x128xf32, #tpu.memory_space<vmem>>) offsets(%dma_start3A_126 : memref<128xi32, #tpu.memory_space<vmem>>) semaphore(%arg11 : memref<!tpu.dma_semaphore, #tpu.memory_space<semaphore_mem>>)
      } else {
      }
      %add3A_106 = arith.addi %mul3A_2, %mul3A_58 : i32
      %add3A_107 = arith.constant 1 : i32
      %add3A_108 = arith.addi %add3A_106, %add3A_107 : i32
      %mul3A_109 = arith.constant 128 : i32
      %mul3A_110 = arith.muli %add3A_108, %mul3A_109 : i32
      %dma_wait3A_111 = arith.constant 0 : i32
      %dma_wait3A_112 = tpu.memref_slice %arg4[%mul3A_110, %dma_wait3A_111] : memref<81920x128xf32, #tpu.memory_space<hbm>> -> memref<128x128xf32, #tpu.memory_space<hbm>>
      %dma_wait3A_113 = arith.constant 0 : i32
      %dma_wait3A_114 = tpu.memref_slice %arg4[%mul3A_110, %dma_wait3A_113] : memref<81920x128xf32, #tpu.memory_space<hbm>> -> memref<128x128xf32, #tpu.memory_space<hbm>>
      tpu.wait_dma2 semaphore(%arg14 : memref<!tpu.dma_semaphore, #tpu.memory_space<semaphore_mem>>) src(%arg8 : memref<128x128xf32, #tpu.memory_space<vmem>>) dst(%dma_wait3A_114 : memref<128x128xf32, #tpu.memory_space<hbm>>)
      %lt3A_115 = arith.constant 9 : i32
      %lt3A_116 = arith.cmpi slt, %add3A_56, %lt3A_115 : i32
      %convert_element_type3A_117 = arith.extui %lt3A_116 : i1 to i32
      %cond3A_118 = arith.constant 0 : i32
      %cond3A_119 = arith.cmpi ne, %convert_element_type3A_117, %cond3A_118 : i32
      scf.if %cond3A_119 {
        %add3A_120 = arith.constant 2 : i32
        %add3A_121 = arith.addi %mul3A_58, %add3A_120 : i32
        %add3A_122 = arith.constant 1 : i32
        %add3A_123 = arith.addi %add3A_121, %add3A_122 : i32
        %dma_start3A_124 = arith.constant 0 : i32
        %dma_start3A_125 = tpu.memref_slice %arg6[%add3A_123, %dma_start3A_124] : memref<20x128xi32, #tpu.memory_space<vmem>> -> memref<1x128xi32, #tpu.memory_space<vmem>>
        %dma_start3A_126 = tpu.memref_squeeze %dma_start3A_125 : memref<1x128xi32, #tpu.memory_space<vmem>> -> memref<128xi32, #tpu.memory_space<vmem>>
        %dma_start3A_127 = arith.constant 0 : i32
        %dma_start3A_128 = arith.constant 0 : i32
        %dma_start3A_129 = tpu.memref_slice %arg5[%dma_start3A_127, %dma_start3A_128] : memref<10000x128xf32, #tpu.memory_space<vmem_shared>> -> memref<10000x128xf32, #tpu.memory_space<vmem_shared>>
        tpu.enqueue_indirect_dma source(%dma_start3A_129 : memref<10000x128xf32, #tpu.memory_space<vmem_shared>>) target(%arg8 : memref<128x128xf32, #tpu.memory_space<vmem>>) offsets(%dma_start3A_126 : memref<128xi32, #tpu.memory_space<vmem>>) semaphore(%arg12 : memref<!tpu.dma_semaphore, #tpu.memory_space<semaphore_mem>>)
      } else {
      }
    }
    %scan3A_51 = arith.constant 10 : i32
    return
  }
}

#map = affine_map<(d0, d1) -> (0, 0)>
#map1 = affine_map<(d0, d1) -> (0, 0, 0)>
module attributes {stable_mosaic.version = 14 : i64} {
  func.func @_scatter_body(%arg0: i32, %arg1: i32, %arg2: memref<40960x128xf32, #tpu.memory_space<hbm>>, %arg3: memref<32x10x128xi32, #tpu.memory_space<hbm>>, %arg4: memref<2x10000x128xf32, #tpu.memory_space<hbm>>, %arg5: memref<10000x128xf32, #tpu.memory_space<vmem_shared>>, %arg6: memref<48x128xf32, #tpu.memory_space<vmem>>, %arg7: memref<10x128xi32, #tpu.memory_space<vmem>>, %arg8: memref<128x128xf32, #tpu.memory_space<vmem>>, %arg9: memref<128x128xf32, #tpu.memory_space<vmem>>, %arg10: memref<!tpu.dma_semaphore, #tpu.memory_space<semaphore_mem>>, %arg11: memref<!tpu.dma_semaphore, #tpu.memory_space<semaphore_mem>>, %arg12: memref<!tpu.dma_semaphore, #tpu.memory_space<semaphore_mem>>, %arg13: memref<!tpu.dma_semaphore, #tpu.memory_space<semaphore_mem>>, %arg14: memref<!tpu.dma_semaphore, #tpu.memory_space<semaphore_mem>>) attributes {dimension_semantics = [#tpu.dimension_semantics<core_parallel>, #tpu.dimension_semantics<subcore_parallel>], iteration_bounds = array<i64: 2, 16>, scalar_prefetch = 0 : i64, scratch_operands = 10 : i64, tpu.core_type = #tpu.core_type<sc_vector_subcore>, window_params = [{transform_indices = #map}, {transform_indices = #map1}, {transform_indices = #map1}]} {
    %mul3A = arith.constant 2 : i32
    %mul3A_0 = arith.muli %arg1, %mul3A : i32
    %add3A = arith.addi %mul3A_0, %arg0 : i32
    %mul3A_1 = arith.constant 10 : i32
    %mul3A_2 = arith.muli %add3A, %mul3A_1 : i32
    %dma_start3A = arith.constant 0 : i32
    %dma_start3A_3 = arith.constant 0 : i32
    %dma_start3A_4 = tpu.memref_slice %arg3[%add3A, %dma_start3A, %dma_start3A_3] : memref<32x10x128xi32, #tpu.memory_space<hbm>> -> memref<1x10x128xi32, #tpu.memory_space<hbm>>
    %dma_start3A_5 = tpu.memref_squeeze %dma_start3A_4 : memref<1x10x128xi32, #tpu.memory_space<hbm>> -> memref<10x128xi32, #tpu.memory_space<hbm>>
    %dma_start3A_6 = arith.constant 0 : i32
    %dma_start3A_7 = arith.constant 0 : i32
    %dma_start3A_8 = tpu.memref_slice %arg3[%add3A, %dma_start3A_6, %dma_start3A_7] : memref<32x10x128xi32, #tpu.memory_space<hbm>> -> memref<1x10x128xi32, #tpu.memory_space<hbm>>
    %dma_start3A_9 = tpu.memref_squeeze %dma_start3A_8 : memref<1x10x128xi32, #tpu.memory_space<hbm>> -> memref<10x128xi32, #tpu.memory_space<hbm>>
    tpu.enqueue_dma source(%dma_start3A_9 : memref<10x128xi32, #tpu.memory_space<hbm>>) target(%arg7 : memref<10x128xi32, #tpu.memory_space<vmem>>) target_semaphore(%arg10 : memref<!tpu.dma_semaphore, #tpu.memory_space<semaphore_mem>>)
    %scan3A = arith.constant 0 : i32
    %scan3A_10 = arith.constant 48 : i32
    %scan3A_11 = arith.addi %scan3A, %scan3A_10 : i32
    %scan3A_12 = arith.constant 1 : i32
    scf.for %scan3A_213 = %scan3A to %scan3A_11 step %scan3A_12  : i32 {
      %mul3A_214 = arith.constant 1 : i32
      %mul3A_215 = arith.muli %scan3A_213, %mul3A_214 : i32
      %add3A_216 = arith.constant 0 : i32
      %add3A_217 = arith.addi %add3A_216, %mul3A_215 : i32
      %scan3A_218 = arith.constant 0 : i32
      %scan3A_219 = arith.constant 8 : i32
      %scan3A_220 = arith.addi %scan3A_218, %scan3A_219 : i32
      %scan3A_221 = arith.constant 1 : i32
      scf.for %scan3A_223 = %scan3A_218 to %scan3A_220 step %scan3A_221  : i32 {
        %mul3A_224 = arith.constant 16 : i32
        %mul3A_225 = arith.muli %scan3A_223, %mul3A_224 : i32
        %add3A_226 = arith.constant 0 : i32
        %add3A_227 = arith.addi %add3A_226, %mul3A_225 : i32
        %broadcast_in_dim3A = arith.constant 0.000000e+00 : f32
        %broadcast_in_dim3A_228 = vector.broadcast %broadcast_in_dim3A : f32 to vector<16xf32>
        %swap3A = arith.index_cast %add3A_217 : i32 to index
        %swap3A_229 = arith.index_cast %add3A_227 : i32 to index
        %swap3A_230 = tpu.vector_load %arg6[%swap3A, %swap3A_229] {strides = array<i32>} : memref<48x128xf32, #tpu.memory_space<vmem>>, vector<1x16xf32>,
        %swap3A_231 = vector.shape_cast %swap3A_230 : vector<1x16xf32> to vector<16xf32>
        %swap3A_232 = vector.shape_cast %broadcast_in_dim3A_228 : vector<16xf32> to vector<1x16xf32>
        tpu.vector_store %arg6[%swap3A, %swap3A_229], %swap3A_232 {strides = array<i32>} : memref<48x128xf32, #tpu.memory_space<vmem>>, vector<1x16xf32>,
      }
      %scan3A_222 = arith.constant 8 : i32
    }
    %scan3A_13 = arith.constant 48 : i32
    %mul3A_14 = arith.constant 624 : i32
    %mul3A_15 = arith.muli %arg1, %mul3A_14 : i32
    %add3A_16 = arith.constant 0 : i32
    %add3A_17 = arith.addi %mul3A_15, %add3A_16 : i32
    %dma_start3A_18 = arith.constant 0 : i32
    %dma_start3A_19 = tpu.memref_slice %arg5[%add3A_17, %dma_start3A_18] : memref<10000x128xf32, #tpu.memory_space<vmem_shared>> -> memref<48x128xf32, #tpu.memory_space<vmem_shared>>
    %dma_start3A_20 = arith.constant 0 : i32
    %dma_start3A_21 = tpu.memref_slice %arg5[%add3A_17, %dma_start3A_20] : memref<10000x128xf32, #tpu.memory_space<vmem_shared>> -> memref<48x128xf32, #tpu.memory_space<vmem_shared>>
    tpu.enqueue_dma source(%arg6 : memref<48x128xf32, #tpu.memory_space<vmem>>) target(%dma_start3A_21 : memref<48x128xf32, #tpu.memory_space<vmem_shared>>) target_semaphore(%arg11 : memref<!tpu.dma_semaphore, #tpu.memory_space<semaphore_mem>>)
    %add3A_22 = arith.constant 48 : i32
    %add3A_23 = arith.addi %mul3A_15, %add3A_22 : i32
    %dma_start3A_24 = arith.constant 0 : i32
    %dma_start3A_25 = tpu.memref_slice %arg5[%add3A_23, %dma_start3A_24] : memref<10000x128xf32, #tpu.memory_space<vmem_shared>> -> memref<48x128xf32, #tpu.memory_space<vmem_shared>>
    %dma_start3A_26 = arith.constant 0 : i32
    %dma_start3A_27 = tpu.memref_slice %arg5[%add3A_23, %dma_start3A_26] : memref<10000x128xf32, #tpu.memory_space<vmem_shared>> -> memref<48x128xf32, #tpu.memory_space<vmem_shared>>
    tpu.enqueue_dma source(%arg6 : memref<48x128xf32, #tpu.memory_space<vmem>>) target(%dma_start3A_27 : memref<48x128xf32, #tpu.memory_space<vmem_shared>>) target_semaphore(%arg11 : memref<!tpu.dma_semaphore, #tpu.memory_space<semaphore_mem>>)
    %add3A_28 = arith.constant 96 : i32
    %add3A_29 = arith.addi %mul3A_15, %add3A_28 : i32
    %dma_start3A_30 = arith.constant 0 : i32
    %dma_start3A_31 = tpu.memref_slice %arg5[%add3A_29, %dma_start3A_30] : memref<10000x128xf32, #tpu.memory_space<vmem_shared>> -> memref<48x128xf32, #tpu.memory_space<vmem_shared>>
    %dma_start3A_32 = arith.constant 0 : i32
    %dma_start3A_33 = tpu.memref_slice %arg5[%add3A_29, %dma_start3A_32] : memref<10000x128xf32, #tpu.memory_space<vmem_shared>> -> memref<48x128xf32, #tpu.memory_space<vmem_shared>>
    tpu.enqueue_dma source(%arg6 : memref<48x128xf32, #tpu.memory_space<vmem>>) target(%dma_start3A_33 : memref<48x128xf32, #tpu.memory_space<vmem_shared>>) target_semaphore(%arg11 : memref<!tpu.dma_semaphore, #tpu.memory_space<semaphore_mem>>)
    %add3A_34 = arith.constant 144 : i32
    %add3A_35 = arith.addi %mul3A_15, %add3A_34 : i32
    %dma_start3A_36 = arith.constant 0 : i32
    %dma_start3A_37 = tpu.memref_slice %arg5[%add3A_35, %dma_start3A_36] : memref<10000x128xf32, #tpu.memory_space<vmem_shared>> -> memref<48x128xf32, #tpu.memory_space<vmem_shared>>
    %dma_start3A_38 = arith.constant 0 : i32
    %dma_start3A_39 = tpu.memref_slice %arg5[%add3A_35, %dma_start3A_38] : memref<10000x128xf32, #tpu.memory_space<vmem_shared>> -> memref<48x128xf32, #tpu.memory_space<vmem_shared>>
    tpu.enqueue_dma source(%arg6 : memref<48x128xf32, #tpu.memory_space<vmem>>) target(%dma_start3A_39 : memref<48x128xf32, #tpu.memory_space<vmem_shared>>) target_semaphore(%arg11 : memref<!tpu.dma_semaphore, #tpu.memory_space<semaphore_mem>>)
    %add3A_40 = arith.constant 192 : i32
    %add3A_41 = arith.addi %mul3A_15, %add3A_40 : i32
    %dma_start3A_42 = arith.constant 0 : i32
    %dma_start3A_43 = tpu.memref_slice %arg5[%add3A_41, %dma_start3A_42] : memref<10000x128xf32, #tpu.memory_space<vmem_shared>> -> memref<48x128xf32, #tpu.memory_space<vmem_shared>>
    %dma_start3A_44 = arith.constant 0 : i32
    %dma_start3A_45 = tpu.memref_slice %arg5[%add3A_41, %dma_start3A_44] : memref<10000x128xf32, #tpu.memory_space<vmem_shared>> -> memref<48x128xf32, #tpu.memory_space<vmem_shared>>
    tpu.enqueue_dma source(%arg6 : memref<48x128xf32, #tpu.memory_space<vmem>>) target(%dma_start3A_45 : memref<48x128xf32, #tpu.memory_space<vmem_shared>>) target_semaphore(%arg11 : memref<!tpu.dma_semaphore, #tpu.memory_space<semaphore_mem>>)
    %add3A_46 = arith.constant 240 : i32
    %add3A_47 = arith.addi %mul3A_15, %add3A_46 : i32
    %dma_start3A_48 = arith.constant 0 : i32
    %dma_start3A_49 = tpu.memref_slice %arg5[%add3A_47, %dma_start3A_48] : memref<10000x128xf32, #tpu.memory_space<vmem_shared>> -> memref<48x128xf32, #tpu.memory_space<vmem_shared>>
    %dma_start3A_50 = arith.constant 0 : i32
    %dma_start3A_51 = tpu.memref_slice %arg5[%add3A_47, %dma_start3A_50] : memref<10000x128xf32, #tpu.memory_space<vmem_shared>> -> memref<48x128xf32, #tpu.memory_space<vmem_shared>>
    tpu.enqueue_dma source(%arg6 : memref<48x128xf32, #tpu.memory_space<vmem>>) target(%dma_start3A_51 : memref<48x128xf32, #tpu.memory_space<vmem_shared>>) target_semaphore(%arg11 : memref<!tpu.dma_semaphore, #tpu.memory_space<semaphore_mem>>)
    %add3A_52 = arith.constant 288 : i32
    %add3A_53 = arith.addi %mul3A_15, %add3A_52 : i32
    %dma_start3A_54 = arith.constant 0 : i32
    %dma_start3A_55 = tpu.memref_slice %arg5[%add3A_53, %dma_start3A_54] : memref<10000x128xf32, #tpu.memory_space<vmem_shared>> -> memref<48x128xf32, #tpu.memory_space<vmem_shared>>
    %dma_start3A_56 = arith.constant 0 : i32
    %dma_start3A_57 = tpu.memref_slice %arg5[%add3A_53, %dma_start3A_56] : memref<10000x128xf32, #tpu.memory_space<vmem_shared>> -> memref<48x128xf32, #tpu.memory_space<vmem_shared>>
    tpu.enqueue_dma source(%arg6 : memref<48x128xf32, #tpu.memory_space<vmem>>) target(%dma_start3A_57 : memref<48x128xf32, #tpu.memory_space<vmem_shared>>) target_semaphore(%arg11 : memref<!tpu.dma_semaphore, #tpu.memory_space<semaphore_mem>>)
    %add3A_58 = arith.constant 336 : i32
    %add3A_59 = arith.addi %mul3A_15, %add3A_58 : i32
    %dma_start3A_60 = arith.constant 0 : i32
    %dma_start3A_61 = tpu.memref_slice %arg5[%add3A_59, %dma_start3A_60] : memref<10000x128xf32, #tpu.memory_space<vmem_shared>> -> memref<48x128xf32, #tpu.memory_space<vmem_shared>>
    %dma_start3A_62 = arith.constant 0 : i32
    %dma_start3A_63 = tpu.memref_slice %arg5[%add3A_59, %dma_start3A_62] : memref<10000x128xf32, #tpu.memory_space<vmem_shared>> -> memref<48x128xf32, #tpu.memory_space<vmem_shared>>
    tpu.enqueue_dma source(%arg6 : memref<48x128xf32, #tpu.memory_space<vmem>>) target(%dma_start3A_63 : memref<48x128xf32, #tpu.memory_space<vmem_shared>>) target_semaphore(%arg11 : memref<!tpu.dma_semaphore, #tpu.memory_space<semaphore_mem>>)
    %add3A_64 = arith.constant 384 : i32
    %add3A_65 = arith.addi %mul3A_15, %add3A_64 : i32
    %dma_start3A_66 = arith.constant 0 : i32
    %dma_start3A_67 = tpu.memref_slice %arg5[%add3A_65, %dma_start3A_66] : memref<10000x128xf32, #tpu.memory_space<vmem_shared>> -> memref<48x128xf32, #tpu.memory_space<vmem_shared>>
    %dma_start3A_68 = arith.constant 0 : i32
    %dma_start3A_69 = tpu.memref_slice %arg5[%add3A_65, %dma_start3A_68] : memref<10000x128xf32, #tpu.memory_space<vmem_shared>> -> memref<48x128xf32, #tpu.memory_space<vmem_shared>>
    tpu.enqueue_dma source(%arg6 : memref<48x128xf32, #tpu.memory_space<vmem>>) target(%dma_start3A_69 : memref<48x128xf32, #tpu.memory_space<vmem_shared>>) target_semaphore(%arg11 : memref<!tpu.dma_semaphore, #tpu.memory_space<semaphore_mem>>)
    %add3A_70 = arith.constant 432 : i32
    %add3A_71 = arith.addi %mul3A_15, %add3A_70 : i32
    %dma_start3A_72 = arith.constant 0 : i32
    %dma_start3A_73 = tpu.memref_slice %arg5[%add3A_71, %dma_start3A_72] : memref<10000x128xf32, #tpu.memory_space<vmem_shared>> -> memref<48x128xf32, #tpu.memory_space<vmem_shared>>
    %dma_start3A_74 = arith.constant 0 : i32
    %dma_start3A_75 = tpu.memref_slice %arg5[%add3A_71, %dma_start3A_74] : memref<10000x128xf32, #tpu.memory_space<vmem_shared>> -> memref<48x128xf32, #tpu.memory_space<vmem_shared>>
    tpu.enqueue_dma source(%arg6 : memref<48x128xf32, #tpu.memory_space<vmem>>) target(%dma_start3A_75 : memref<48x128xf32, #tpu.memory_space<vmem_shared>>) target_semaphore(%arg11 : memref<!tpu.dma_semaphore, #tpu.memory_space<semaphore_mem>>)
    %add3A_76 = arith.constant 480 : i32
    %add3A_77 = arith.addi %mul3A_15, %add3A_76 : i32
    %dma_start3A_78 = arith.constant 0 : i32
    %dma_start3A_79 = tpu.memref_slice %arg5[%add3A_77, %dma_start3A_78] : memref<10000x128xf32, #tpu.memory_space<vmem_shared>> -> memref<48x128xf32, #tpu.memory_space<vmem_shared>>
    %dma_start3A_80 = arith.constant 0 : i32
    %dma_start3A_81 = tpu.memref_slice %arg5[%add3A_77, %dma_start3A_80] : memref<10000x128xf32, #tpu.memory_space<vmem_shared>> -> memref<48x128xf32, #tpu.memory_space<vmem_shared>>
    tpu.enqueue_dma source(%arg6 : memref<48x128xf32, #tpu.memory_space<vmem>>) target(%dma_start3A_81 : memref<48x128xf32, #tpu.memory_space<vmem_shared>>) target_semaphore(%arg11 : memref<!tpu.dma_semaphore, #tpu.memory_space<semaphore_mem>>)
    %add3A_82 = arith.constant 528 : i32
    %add3A_83 = arith.addi %mul3A_15, %add3A_82 : i32
    %dma_start3A_84 = arith.constant 0 : i32
    %dma_start3A_85 = tpu.memref_slice %arg5[%add3A_83, %dma_start3A_84] : memref<10000x128xf32, #tpu.memory_space<vmem_shared>> -> memref<48x128xf32, #tpu.memory_space<vmem_shared>>
    %dma_start3A_86 = arith.constant 0 : i32
    %dma_start3A_87 = tpu.memref_slice %arg5[%add3A_83, %dma_start3A_86] : memref<10000x128xf32, #tpu.memory_space<vmem_shared>> -> memref<48x128xf32, #tpu.memory_space<vmem_shared>>
    tpu.enqueue_dma source(%arg6 : memref<48x128xf32, #tpu.memory_space<vmem>>) target(%dma_start3A_87 : memref<48x128xf32, #tpu.memory_space<vmem_shared>>) target_semaphore(%arg11 : memref<!tpu.dma_semaphore, #tpu.memory_space<semaphore_mem>>)
    %add3A_88 = arith.constant 576 : i32
    %add3A_89 = arith.addi %mul3A_15, %add3A_88 : i32
    %dma_start3A_90 = arith.constant 0 : i32
    %dma_start3A_91 = tpu.memref_slice %arg5[%add3A_89, %dma_start3A_90] : memref<10000x128xf32, #tpu.memory_space<vmem_shared>> -> memref<48x128xf32, #tpu.memory_space<vmem_shared>>
    %dma_start3A_92 = arith.constant 0 : i32
    %dma_start3A_93 = tpu.memref_slice %arg5[%add3A_89, %dma_start3A_92] : memref<10000x128xf32, #tpu.memory_space<vmem_shared>> -> memref<48x128xf32, #tpu.memory_space<vmem_shared>>
    tpu.enqueue_dma source(%arg6 : memref<48x128xf32, #tpu.memory_space<vmem>>) target(%dma_start3A_93 : memref<48x128xf32, #tpu.memory_space<vmem_shared>>) target_semaphore(%arg11 : memref<!tpu.dma_semaphore, #tpu.memory_space<semaphore_mem>>)
    %eq3A = arith.constant 15 : i32
    %eq3A_94 = arith.cmpi eq, %arg1, %eq3A : i32
    %convert_element_type3A = arith.extui %eq3A_94 : i1 to i32
    %cond3A = arith.constant 0 : i32
    %cond3A_95 = arith.cmpi ne, %convert_element_type3A, %cond3A : i32
    scf.if %cond3A_95 {
      %dma_start3A_213 = arith.constant 0 : i32
      %dma_start3A_214 = arith.constant 0 : i32
      %dma_start3A_215 = tpu.memref_slice %arg6[%dma_start3A_213, %dma_start3A_214] : memref<48x128xf32, #tpu.memory_space<vmem>> -> memref<16x128xf32, #tpu.memory_space<vmem>>
      %dma_start3A_216 = arith.constant 9984 : i32
      %dma_start3A_217 = arith.constant 0 : i32
      %dma_start3A_218 = tpu.memref_slice %arg5[%dma_start3A_216, %dma_start3A_217] : memref<10000x128xf32, #tpu.memory_space<vmem_shared>> -> memref<16x128xf32, #tpu.memory_space<vmem_shared>>
      %dma_start3A_219 = arith.constant 9984 : i32
      %dma_start3A_220 = arith.constant 0 : i32
      %dma_start3A_221 = tpu.memref_slice %arg5[%dma_start3A_219, %dma_start3A_220] : memref<10000x128xf32, #tpu.memory_space<vmem_shared>> -> memref<16x128xf32, #tpu.memory_space<vmem_shared>>
      %dma_start3A_222 = arith.constant 0 : i32
      %dma_start3A_223 = arith.constant 0 : i32
      %dma_start3A_224 = tpu.memref_slice %arg6[%dma_start3A_222, %dma_start3A_223] : memref<48x128xf32, #tpu.memory_space<vmem>> -> memref<16x128xf32, #tpu.memory_space<vmem>>
      tpu.enqueue_dma source(%dma_start3A_224 : memref<16x128xf32, #tpu.memory_space<vmem>>) target(%dma_start3A_221 : memref<16x128xf32, #tpu.memory_space<vmem_shared>>) target_semaphore(%arg11 : memref<!tpu.dma_semaphore, #tpu.memory_space<semaphore_mem>>)
    } else {
    }
    %add3A_96 = arith.constant 0 : i32
    %add3A_97 = arith.addi %mul3A_15, %add3A_96 : i32
    %dma_wait3A = arith.constant 0 : i32
    %dma_wait3A_98 = tpu.memref_slice %arg5[%add3A_97, %dma_wait3A] : memref<10000x128xf32, #tpu.memory_space<vmem_shared>> -> memref<48x128xf32, #tpu.memory_space<vmem_shared>>
    %dma_wait3A_99 = arith.constant 0 : i32
    %dma_wait3A_100 = tpu.memref_slice %arg5[%add3A_97, %dma_wait3A_99] : memref<10000x128xf32, #tpu.memory_space<vmem_shared>> -> memref<48x128xf32, #tpu.memory_space<vmem_shared>>
    tpu.wait_dma2 semaphore(%arg11 : memref<!tpu.dma_semaphore, #tpu.memory_space<semaphore_mem>>) src(%arg6 : memref<48x128xf32, #tpu.memory_space<vmem>>) dst(%dma_wait3A_100 : memref<48x128xf32, #tpu.memory_space<vmem_shared>>)
    %add3A_101 = arith.constant 48 : i32
    %add3A_102 = arith.addi %mul3A_15, %add3A_101 : i32
    %dma_wait3A_103 = arith.constant 0 : i32
    %dma_wait3A_104 = tpu.memref_slice %arg5[%add3A_102, %dma_wait3A_103] : memref<10000x128xf32, #tpu.memory_space<vmem_shared>> -> memref<48x128xf32, #tpu.memory_space<vmem_shared>>
    %dma_wait3A_105 = arith.constant 0 : i32
    %dma_wait3A_106 = tpu.memref_slice %arg5[%add3A_102, %dma_wait3A_105] : memref<10000x128xf32, #tpu.memory_space<vmem_shared>> -> memref<48x128xf32, #tpu.memory_space<vmem_shared>>
    tpu.wait_dma2 semaphore(%arg11 : memref<!tpu.dma_semaphore, #tpu.memory_space<semaphore_mem>>) src(%arg6 : memref<48x128xf32, #tpu.memory_space<vmem>>) dst(%dma_wait3A_106 : memref<48x128xf32, #tpu.memory_space<vmem_shared>>)
    %add3A_107 = arith.constant 96 : i32
    %add3A_108 = arith.addi %mul3A_15, %add3A_107 : i32
    %dma_wait3A_109 = arith.constant 0 : i32
    %dma_wait3A_110 = tpu.memref_slice %arg5[%add3A_108, %dma_wait3A_109] : memref<10000x128xf32, #tpu.memory_space<vmem_shared>> -> memref<48x128xf32, #tpu.memory_space<vmem_shared>>
    %dma_wait3A_111 = arith.constant 0 : i32
    %dma_wait3A_112 = tpu.memref_slice %arg5[%add3A_108, %dma_wait3A_111] : memref<10000x128xf32, #tpu.memory_space<vmem_shared>> -> memref<48x128xf32, #tpu.memory_space<vmem_shared>>
    tpu.wait_dma2 semaphore(%arg11 : memref<!tpu.dma_semaphore, #tpu.memory_space<semaphore_mem>>) src(%arg6 : memref<48x128xf32, #tpu.memory_space<vmem>>) dst(%dma_wait3A_112 : memref<48x128xf32, #tpu.memory_space<vmem_shared>>)
    %add3A_113 = arith.constant 144 : i32
    %add3A_114 = arith.addi %mul3A_15, %add3A_113 : i32
    %dma_wait3A_115 = arith.constant 0 : i32
    %dma_wait3A_116 = tpu.memref_slice %arg5[%add3A_114, %dma_wait3A_115] : memref<10000x128xf32, #tpu.memory_space<vmem_shared>> -> memref<48x128xf32, #tpu.memory_space<vmem_shared>>
    %dma_wait3A_117 = arith.constant 0 : i32
    %dma_wait3A_118 = tpu.memref_slice %arg5[%add3A_114, %dma_wait3A_117] : memref<10000x128xf32, #tpu.memory_space<vmem_shared>> -> memref<48x128xf32, #tpu.memory_space<vmem_shared>>
    tpu.wait_dma2 semaphore(%arg11 : memref<!tpu.dma_semaphore, #tpu.memory_space<semaphore_mem>>) src(%arg6 : memref<48x128xf32, #tpu.memory_space<vmem>>) dst(%dma_wait3A_118 : memref<48x128xf32, #tpu.memory_space<vmem_shared>>)
    %add3A_119 = arith.constant 192 : i32
    %add3A_120 = arith.addi %mul3A_15, %add3A_119 : i32
    %dma_wait3A_121 = arith.constant 0 : i32
    %dma_wait3A_122 = tpu.memref_slice %arg5[%add3A_120, %dma_wait3A_121] : memref<10000x128xf32, #tpu.memory_space<vmem_shared>> -> memref<48x128xf32, #tpu.memory_space<vmem_shared>>
    %dma_wait3A_123 = arith.constant 0 : i32
    %dma_wait3A_124 = tpu.memref_slice %arg5[%add3A_120, %dma_wait3A_123] : memref<10000x128xf32, #tpu.memory_space<vmem_shared>> -> memref<48x128xf32, #tpu.memory_space<vmem_shared>>
    tpu.wait_dma2 semaphore(%arg11 : memref<!tpu.dma_semaphore, #tpu.memory_space<semaphore_mem>>) src(%arg6 : memref<48x128xf32, #tpu.memory_space<vmem>>) dst(%dma_wait3A_124 : memref<48x128xf32, #tpu.memory_space<vmem_shared>>)
    %add3A_125 = arith.constant 240 : i32
    %add3A_126 = arith.addi %mul3A_15, %add3A_125 : i32
    %dma_wait3A_127 = arith.constant 0 : i32
    %dma_wait3A_128 = tpu.memref_slice %arg5[%add3A_126, %dma_wait3A_127] : memref<10000x128xf32, #tpu.memory_space<vmem_shared>> -> memref<48x128xf32, #tpu.memory_space<vmem_shared>>
    %dma_wait3A_129 = arith.constant 0 : i32
    %dma_wait3A_130 = tpu.memref_slice %arg5[%add3A_126, %dma_wait3A_129] : memref<10000x128xf32, #tpu.memory_space<vmem_shared>> -> memref<48x128xf32, #tpu.memory_space<vmem_shared>>
    tpu.wait_dma2 semaphore(%arg11 : memref<!tpu.dma_semaphore, #tpu.memory_space<semaphore_mem>>) src(%arg6 : memref<48x128xf32, #tpu.memory_space<vmem>>) dst(%dma_wait3A_130 : memref<48x128xf32, #tpu.memory_space<vmem_shared>>)
    %add3A_131 = arith.constant 288 : i32
    %add3A_132 = arith.addi %mul3A_15, %add3A_131 : i32
    %dma_wait3A_133 = arith.constant 0 : i32
    %dma_wait3A_134 = tpu.memref_slice %arg5[%add3A_132, %dma_wait3A_133] : memref<10000x128xf32, #tpu.memory_space<vmem_shared>> -> memref<48x128xf32, #tpu.memory_space<vmem_shared>>
    %dma_wait3A_135 = arith.constant 0 : i32
    %dma_wait3A_136 = tpu.memref_slice %arg5[%add3A_132, %dma_wait3A_135] : memref<10000x128xf32, #tpu.memory_space<vmem_shared>> -> memref<48x128xf32, #tpu.memory_space<vmem_shared>>
    tpu.wait_dma2 semaphore(%arg11 : memref<!tpu.dma_semaphore, #tpu.memory_space<semaphore_mem>>) src(%arg6 : memref<48x128xf32, #tpu.memory_space<vmem>>) dst(%dma_wait3A_136 : memref<48x128xf32, #tpu.memory_space<vmem_shared>>)
    %add3A_137 = arith.constant 336 : i32
    %add3A_138 = arith.addi %mul3A_15, %add3A_137 : i32
    %dma_wait3A_139 = arith.constant 0 : i32
    %dma_wait3A_140 = tpu.memref_slice %arg5[%add3A_138, %dma_wait3A_139] : memref<10000x128xf32, #tpu.memory_space<vmem_shared>> -> memref<48x128xf32, #tpu.memory_space<vmem_shared>>
    %dma_wait3A_141 = arith.constant 0 : i32
    %dma_wait3A_142 = tpu.memref_slice %arg5[%add3A_138, %dma_wait3A_141] : memref<10000x128xf32, #tpu.memory_space<vmem_shared>> -> memref<48x128xf32, #tpu.memory_space<vmem_shared>>
    tpu.wait_dma2 semaphore(%arg11 : memref<!tpu.dma_semaphore, #tpu.memory_space<semaphore_mem>>) src(%arg6 : memref<48x128xf32, #tpu.memory_space<vmem>>) dst(%dma_wait3A_142 : memref<48x128xf32, #tpu.memory_space<vmem_shared>>)
    %add3A_143 = arith.constant 384 : i32
    %add3A_144 = arith.addi %mul3A_15, %add3A_143 : i32
    %dma_wait3A_145 = arith.constant 0 : i32
    %dma_wait3A_146 = tpu.memref_slice %arg5[%add3A_144, %dma_wait3A_145] : memref<10000x128xf32, #tpu.memory_space<vmem_shared>> -> memref<48x128xf32, #tpu.memory_space<vmem_shared>>
    %dma_wait3A_147 = arith.constant 0 : i32
    %dma_wait3A_148 = tpu.memref_slice %arg5[%add3A_144, %dma_wait3A_147] : memref<10000x128xf32, #tpu.memory_space<vmem_shared>> -> memref<48x128xf32, #tpu.memory_space<vmem_shared>>
    tpu.wait_dma2 semaphore(%arg11 : memref<!tpu.dma_semaphore, #tpu.memory_space<semaphore_mem>>) src(%arg6 : memref<48x128xf32, #tpu.memory_space<vmem>>) dst(%dma_wait3A_148 : memref<48x128xf32, #tpu.memory_space<vmem_shared>>)
    %add3A_149 = arith.constant 432 : i32
    %add3A_150 = arith.addi %mul3A_15, %add3A_149 : i32
    %dma_wait3A_151 = arith.constant 0 : i32
    %dma_wait3A_152 = tpu.memref_slice %arg5[%add3A_150, %dma_wait3A_151] : memref<10000x128xf32, #tpu.memory_space<vmem_shared>> -> memref<48x128xf32, #tpu.memory_space<vmem_shared>>
    %dma_wait3A_153 = arith.constant 0 : i32
    %dma_wait3A_154 = tpu.memref_slice %arg5[%add3A_150, %dma_wait3A_153] : memref<10000x128xf32, #tpu.memory_space<vmem_shared>> -> memref<48x128xf32, #tpu.memory_space<vmem_shared>>
    tpu.wait_dma2 semaphore(%arg11 : memref<!tpu.dma_semaphore, #tpu.memory_space<semaphore_mem>>) src(%arg6 : memref<48x128xf32, #tpu.memory_space<vmem>>) dst(%dma_wait3A_154 : memref<48x128xf32, #tpu.memory_space<vmem_shared>>)
    %add3A_155 = arith.constant 480 : i32
    %add3A_156 = arith.addi %mul3A_15, %add3A_155 : i32
    %dma_wait3A_157 = arith.constant 0 : i32
    %dma_wait3A_158 = tpu.memref_slice %arg5[%add3A_156, %dma_wait3A_157] : memref<10000x128xf32, #tpu.memory_space<vmem_shared>> -> memref<48x128xf32, #tpu.memory_space<vmem_shared>>
    %dma_wait3A_159 = arith.constant 0 : i32
    %dma_wait3A_160 = tpu.memref_slice %arg5[%add3A_156, %dma_wait3A_159] : memref<10000x128xf32, #tpu.memory_space<vmem_shared>> -> memref<48x128xf32, #tpu.memory_space<vmem_shared>>
    tpu.wait_dma2 semaphore(%arg11 : memref<!tpu.dma_semaphore, #tpu.memory_space<semaphore_mem>>) src(%arg6 : memref<48x128xf32, #tpu.memory_space<vmem>>) dst(%dma_wait3A_160 : memref<48x128xf32, #tpu.memory_space<vmem_shared>>)
    %add3A_161 = arith.constant 528 : i32
    %add3A_162 = arith.addi %mul3A_15, %add3A_161 : i32
    %dma_wait3A_163 = arith.constant 0 : i32
    %dma_wait3A_164 = tpu.memref_slice %arg5[%add3A_162, %dma_wait3A_163] : memref<10000x128xf32, #tpu.memory_space<vmem_shared>> -> memref<48x128xf32, #tpu.memory_space<vmem_shared>>
    %dma_wait3A_165 = arith.constant 0 : i32
    %dma_wait3A_166 = tpu.memref_slice %arg5[%add3A_162, %dma_wait3A_165] : memref<10000x128xf32, #tpu.memory_space<vmem_shared>> -> memref<48x128xf32, #tpu.memory_space<vmem_shared>>
    tpu.wait_dma2 semaphore(%arg11 : memref<!tpu.dma_semaphore, #tpu.memory_space<semaphore_mem>>) src(%arg6 : memref<48x128xf32, #tpu.memory_space<vmem>>) dst(%dma_wait3A_166 : memref<48x128xf32, #tpu.memory_space<vmem_shared>>)
    %add3A_167 = arith.constant 576 : i32
    %add3A_168 = arith.addi %mul3A_15, %add3A_167 : i32
    %dma_wait3A_169 = arith.constant 0 : i32
    %dma_wait3A_170 = tpu.memref_slice %arg5[%add3A_168, %dma_wait3A_169] : memref<10000x128xf32, #tpu.memory_space<vmem_shared>> -> memref<48x128xf32, #tpu.memory_space<vmem_shared>>
    %dma_wait3A_171 = arith.constant 0 : i32
    %dma_wait3A_172 = tpu.memref_slice %arg5[%add3A_168, %dma_wait3A_171] : memref<10000x128xf32, #tpu.memory_space<vmem_shared>> -> memref<48x128xf32, #tpu.memory_space<vmem_shared>>
    tpu.wait_dma2 semaphore(%arg11 : memref<!tpu.dma_semaphore, #tpu.memory_space<semaphore_mem>>) src(%arg6 : memref<48x128xf32, #tpu.memory_space<vmem>>) dst(%dma_wait3A_172 : memref<48x128xf32, #tpu.memory_space<vmem_shared>>)
    %eq3A_173 = arith.constant 15 : i32
    %eq3A_174 = arith.cmpi eq, %arg1, %eq3A_173 : i32
    %convert_element_type3A_175 = arith.extui %eq3A_174 : i1 to i32
    %cond3A_176 = arith.constant 0 : i32
    %cond3A_177 = arith.cmpi ne, %convert_element_type3A_175, %cond3A_176 : i32
    scf.if %cond3A_177 {
      %dma_wait3A_213 = arith.constant 0 : i32
      %dma_wait3A_214 = arith.constant 0 : i32
      %dma_wait3A_215 = tpu.memref_slice %arg6[%dma_wait3A_213, %dma_wait3A_214] : memref<48x128xf32, #tpu.memory_space<vmem>> -> memref<16x128xf32, #tpu.memory_space<vmem>>
      %dma_wait3A_216 = arith.constant 9984 : i32
      %dma_wait3A_217 = arith.constant 0 : i32
      %dma_wait3A_218 = tpu.memref_slice %arg5[%dma_wait3A_216, %dma_wait3A_217] : memref<10000x128xf32, #tpu.memory_space<vmem_shared>> -> memref<16x128xf32, #tpu.memory_space<vmem_shared>>
      %dma_wait3A_219 = arith.constant 9984 : i32
      %dma_wait3A_220 = arith.constant 0 : i32
      %dma_wait3A_221 = tpu.memref_slice %arg5[%dma_wait3A_219, %dma_wait3A_220] : memref<10000x128xf32, #tpu.memory_space<vmem_shared>> -> memref<16x128xf32, #tpu.memory_space<vmem_shared>>
      %dma_wait3A_222 = arith.constant 0 : i32
      %dma_wait3A_223 = arith.constant 0 : i32
      %dma_wait3A_224 = tpu.memref_slice %arg6[%dma_wait3A_222, %dma_wait3A_223] : memref<48x128xf32, #tpu.memory_space<vmem>> -> memref<16x128xf32, #tpu.memory_space<vmem>>
      tpu.wait_dma2 semaphore(%arg11 : memref<!tpu.dma_semaphore, #tpu.memory_space<semaphore_mem>>) src(%dma_wait3A_224 : memref<16x128xf32, #tpu.memory_space<vmem>>) dst(%dma_wait3A_221 : memref<16x128xf32, #tpu.memory_space<vmem_shared>>)
    } else {
    }
    %dma_wait3A_178 = arith.constant 0 : i32
    %dma_wait3A_179 = arith.constant 0 : i32
    %dma_wait3A_180 = tpu.memref_slice %arg3[%add3A, %dma_wait3A_178, %dma_wait3A_179] : memref<32x10x128xi32, #tpu.memory_space<hbm>> -> memref<1x10x128xi32, #tpu.memory_space<hbm>>
    %dma_wait3A_181 = tpu.memref_squeeze %dma_wait3A_180 : memref<1x10x128xi32, #tpu.memory_space<hbm>> -> memref<10x128xi32, #tpu.memory_space<hbm>>
    %dma_wait3A_182 = arith.constant 0 : i32
    %dma_wait3A_183 = arith.constant 0 : i32
    %dma_wait3A_184 = tpu.memref_slice %arg3[%add3A, %dma_wait3A_182, %dma_wait3A_183] : memref<32x10x128xi32, #tpu.memory_space<hbm>> -> memref<1x10x128xi32, #tpu.memory_space<hbm>>
    %dma_wait3A_185 = tpu.memref_squeeze %dma_wait3A_184 : memref<1x10x128xi32, #tpu.memory_space<hbm>> -> memref<10x128xi32, #tpu.memory_space<hbm>>
    tpu.wait_dma2 semaphore(%arg10 : memref<!tpu.dma_semaphore, #tpu.memory_space<semaphore_mem>>) src(%dma_wait3A_185 : memref<10x128xi32, #tpu.memory_space<hbm>>) dst(%arg7 : memref<10x128xi32, #tpu.memory_space<vmem>>)
    %barrier3A = arith.constant 0 : index
    tpu.barrier barrier_id(%barrier3A)
    %add3A_186 = arith.constant 0 : i32
    %add3A_187 = arith.addi %mul3A_2, %add3A_186 : i32
    %mul3A_188 = arith.constant 128 : i32
    %mul3A_189 = arith.muli %add3A_187, %mul3A_188 : i32
    %dma_start3A_190 = arith.constant 0 : i32
    %dma_start3A_191 = tpu.memref_slice %arg2[%mul3A_189, %dma_start3A_190] : memref<40960x128xf32, #tpu.memory_space<hbm>> -> memref<128x128xf32, #tpu.memory_space<hbm>>
    %dma_start3A_192 = arith.constant 0 : i32
    %dma_start3A_193 = tpu.memref_slice %arg2[%mul3A_189, %dma_start3A_192] : memref<40960x128xf32, #tpu.memory_space<hbm>> -> memref<128x128xf32, #tpu.memory_space<hbm>>
    tpu.enqueue_dma source(%dma_start3A_193 : memref<128x128xf32, #tpu.memory_space<hbm>>) target(%arg8 : memref<128x128xf32, #tpu.memory_space<vmem>>) target_semaphore(%arg12 : memref<!tpu.dma_semaphore, #tpu.memory_space<semaphore_mem>>)
    %add3A_194 = arith.constant 1 : i32
    %add3A_195 = arith.addi %mul3A_2, %add3A_194 : i32
    %mul3A_196 = arith.constant 128 : i32
    %mul3A_197 = arith.muli %add3A_195, %mul3A_196 : i32
    %dma_start3A_198 = arith.constant 0 : i32
    %dma_start3A_199 = tpu.memref_slice %arg2[%mul3A_197, %dma_start3A_198] : memref<40960x128xf32, #tpu.memory_space<hbm>> -> memref<128x128xf32, #tpu.memory_space<hbm>>
    %dma_start3A_200 = arith.constant 0 : i32
    %dma_start3A_201 = tpu.memref_slice %arg2[%mul3A_197, %dma_start3A_200] : memref<40960x128xf32, #tpu.memory_space<hbm>> -> memref<128x128xf32, #tpu.memory_space<hbm>>
    tpu.enqueue_dma source(%dma_start3A_201 : memref<128x128xf32, #tpu.memory_space<hbm>>) target(%arg9 : memref<128x128xf32, #tpu.memory_space<vmem>>) target_semaphore(%arg13 : memref<!tpu.dma_semaphore, #tpu.memory_space<semaphore_mem>>)
    %scan3A_202 = arith.constant 0 : i32
    %scan3A_203 = arith.constant 5 : i32
    %scan3A_204 = arith.addi %scan3A_202, %scan3A_203 : i32
    %scan3A_205 = arith.constant 1 : i32
    scf.for %scan3A_213 = %scan3A_202 to %scan3A_204 step %scan3A_205  : i32 {
      %mul3A_214 = arith.constant 1 : i32
      %mul3A_215 = arith.muli %scan3A_213, %mul3A_214 : i32
      %add3A_216 = arith.constant 0 : i32
      %add3A_217 = arith.addi %add3A_216, %mul3A_215 : i32
      %mul3A_218 = arith.constant 2 : i32
      %mul3A_219 = arith.muli %add3A_217, %mul3A_218 : i32
      %add3A_220 = arith.addi %mul3A_2, %mul3A_219 : i32
      %add3A_221 = arith.constant 0 : i32
      %add3A_222 = arith.addi %add3A_220, %add3A_221 : i32
      %mul3A_223 = arith.constant 128 : i32
      %mul3A_224 = arith.muli %add3A_222, %mul3A_223 : i32
      %dma_wait3A_225 = arith.constant 0 : i32
      %dma_wait3A_226 = tpu.memref_slice %arg2[%mul3A_224, %dma_wait3A_225] : memref<40960x128xf32, #tpu.memory_space<hbm>> -> memref<128x128xf32, #tpu.memory_space<hbm>>
      %dma_wait3A_227 = arith.constant 0 : i32
      %dma_wait3A_228 = tpu.memref_slice %arg2[%mul3A_224, %dma_wait3A_227] : memref<40960x128xf32, #tpu.memory_space<hbm>> -> memref<128x128xf32, #tpu.memory_space<hbm>>
      tpu.wait_dma2 semaphore(%arg12 : memref<!tpu.dma_semaphore, #tpu.memory_space<semaphore_mem>>) src(%dma_wait3A_228 : memref<128x128xf32, #tpu.memory_space<hbm>>) dst(%arg8 : memref<128x128xf32, #tpu.memory_space<vmem>>)
      %add3A_229 = arith.constant 0 : i32
      %add3A_230 = arith.addi %mul3A_219, %add3A_229 : i32
      %dma_start3A_231 = arith.constant 0 : i32
      %dma_start3A_232 = tpu.memref_slice %arg7[%add3A_230, %dma_start3A_231] : memref<10x128xi32, #tpu.memory_space<vmem>> -> memref<1x128xi32, #tpu.memory_space<vmem>>
      %dma_start3A_233 = tpu.memref_squeeze %dma_start3A_232 : memref<1x128xi32, #tpu.memory_space<vmem>> -> memref<128xi32, #tpu.memory_space<vmem>>
      %dma_start3A_234 = arith.constant 0 : i32
      %dma_start3A_235 = arith.constant 0 : i32
      %dma_start3A_236 = tpu.memref_slice %arg5[%dma_start3A_234, %dma_start3A_235] : memref<10000x128xf32, #tpu.memory_space<vmem_shared>> -> memref<10000x128xf32, #tpu.memory_space<vmem_shared>>
      tpu.enqueue_indirect_dma source(%arg8 : memref<128x128xf32, #tpu.memory_space<vmem>>) target(%dma_start3A_236 : memref<10000x128xf32, #tpu.memory_space<vmem_shared>>) offsets(%dma_start3A_233 : memref<128xi32, #tpu.memory_space<vmem>>) semaphore(%arg14 : memref<!tpu.dma_semaphore, #tpu.memory_space<semaphore_mem>>) {add = true}
      %dma_wait3A_237 = arith.constant 0 : i32
      %dma_wait3A_238 = tpu.memref_slice %arg7[%add3A_230, %dma_wait3A_237] : memref<10x128xi32, #tpu.memory_space<vmem>> -> memref<1x128xi32, #tpu.memory_space<vmem>>
      %dma_wait3A_239 = tpu.memref_squeeze %dma_wait3A_238 : memref<1x128xi32, #tpu.memory_space<vmem>> -> memref<128xi32, #tpu.memory_space<vmem>>
      %dma_wait3A_240 = arith.constant 0 : i32
      %dma_wait3A_241 = arith.constant 0 : i32
      %dma_wait3A_242 = tpu.memref_slice %arg5[%dma_wait3A_240, %dma_wait3A_241] : memref<10000x128xf32, #tpu.memory_space<vmem_shared>> -> memref<10000x128xf32, #tpu.memory_space<vmem_shared>>
      tpu.wait_indirect_dma semaphore(%arg14 : memref<!tpu.dma_semaphore, #tpu.memory_space<semaphore_mem>>) src(%arg8 : memref<128x128xf32, #tpu.memory_space<vmem>>) dst(%dma_wait3A_242 : memref<10000x128xf32, #tpu.memory_space<vmem_shared>>)
      %lt3A = arith.constant 4 : i32
      %lt3A_243 = arith.cmpi slt, %add3A_217, %lt3A : i32
      %convert_element_type3A_244 = arith.extui %lt3A_243 : i1 to i32
      %cond3A_245 = arith.constant 0 : i32
      %cond3A_246 = arith.cmpi ne, %convert_element_type3A_244, %cond3A_245 : i32
      scf.if %cond3A_246 {
        %add3A_275 = arith.constant 2 : i32
        %add3A_276 = arith.addi %mul3A_219, %add3A_275 : i32
        %add3A_277 = arith.constant 0 : i32
        %add3A_278 = arith.addi %add3A_276, %add3A_277 : i32
        %add3A_279 = arith.addi %mul3A_2, %add3A_278 : i32
        %mul3A_280 = arith.constant 128 : i32
        %mul3A_281 = arith.muli %add3A_279, %mul3A_280 : i32
        %dma_start3A_282 = arith.constant 0 : i32
        %dma_start3A_283 = tpu.memref_slice %arg2[%mul3A_281, %dma_start3A_282] : memref<40960x128xf32, #tpu.memory_space<hbm>> -> memref<128x128xf32, #tpu.memory_space<hbm>>
        %dma_start3A_284 = arith.constant 0 : i32
        %dma_start3A_285 = tpu.memref_slice %arg2[%mul3A_281, %dma_start3A_284] : memref<40960x128xf32, #tpu.memory_space<hbm>> -> memref<128x128xf32, #tpu.memory_space<hbm>>
        tpu.enqueue_dma source(%dma_start3A_285 : memref<128x128xf32, #tpu.memory_space<hbm>>) target(%arg8 : memref<128x128xf32, #tpu.memory_space<vmem>>) target_semaphore(%arg12 : memref<!tpu.dma_semaphore, #tpu.memory_space<semaphore_mem>>)
      } else {
      }
      %add3A_247 = arith.addi %mul3A_2, %mul3A_219 : i32
      %add3A_248 = arith.constant 1 : i32
      %add3A_249 = arith.addi %add3A_247, %add3A_248 : i32
      %mul3A_250 = arith.constant 128 : i32
      %mul3A_251 = arith.muli %add3A_249, %mul3A_250 : i32
      %dma_wait3A_252 = arith.constant 0 : i32
      %dma_wait3A_253 = tpu.memref_slice %arg2[%mul3A_251, %dma_wait3A_252] : memref<40960x128xf32, #tpu.memory_space<hbm>> -> memref<128x128xf32, #tpu.memory_space<hbm>>
      %dma_wait3A_254 = arith.constant 0 : i32
      %dma_wait3A_255 = tpu.memref_slice %arg2[%mul3A_251, %dma_wait3A_254] : memref<40960x128xf32, #tpu.memory_space<hbm>> -> memref<128x128xf32, #tpu.memory_space<hbm>>
      tpu.wait_dma2 semaphore(%arg13 : memref<!tpu.dma_semaphore, #tpu.memory_space<semaphore_mem>>) src(%dma_wait3A_255 : memref<128x128xf32, #tpu.memory_space<hbm>>) dst(%arg9 : memref<128x128xf32, #tpu.memory_space<vmem>>)
      %add3A_256 = arith.constant 1 : i32
      %add3A_257 = arith.addi %mul3A_219, %add3A_256 : i32
      %dma_start3A_258 = arith.constant 0 : i32
      %dma_start3A_259 = tpu.memref_slice %arg7[%add3A_257, %dma_start3A_258] : memref<10x128xi32, #tpu.memory_space<vmem>> -> memref<1x128xi32, #tpu.memory_space<vmem>>
      %dma_start3A_260 = tpu.memref_squeeze %dma_start3A_259 : memref<1x128xi32, #tpu.memory_space<vmem>> -> memref<128xi32, #tpu.memory_space<vmem>>
      %dma_start3A_261 = arith.constant 0 : i32
      %dma_start3A_262 = arith.constant 0 : i32
      %dma_start3A_263 = tpu.memref_slice %arg5[%dma_start3A_261, %dma_start3A_262] : memref<10000x128xf32, #tpu.memory_space<vmem_shared>> -> memref<10000x128xf32, #tpu.memory_space<vmem_shared>>
      tpu.enqueue_indirect_dma source(%arg9 : memref<128x128xf32, #tpu.memory_space<vmem>>) target(%dma_start3A_263 : memref<10000x128xf32, #tpu.memory_space<vmem_shared>>) offsets(%dma_start3A_260 : memref<128xi32, #tpu.memory_space<vmem>>) semaphore(%arg14 : memref<!tpu.dma_semaphore, #tpu.memory_space<semaphore_mem>>) {add = true}
      %dma_wait3A_264 = arith.constant 0 : i32
      %dma_wait3A_265 = tpu.memref_slice %arg7[%add3A_257, %dma_wait3A_264] : memref<10x128xi32, #tpu.memory_space<vmem>> -> memref<1x128xi32, #tpu.memory_space<vmem>>
      %dma_wait3A_266 = tpu.memref_squeeze %dma_wait3A_265 : memref<1x128xi32, #tpu.memory_space<vmem>> -> memref<128xi32, #tpu.memory_space<vmem>>
      %dma_wait3A_267 = arith.constant 0 : i32
      %dma_wait3A_268 = arith.constant 0 : i32
      %dma_wait3A_269 = tpu.memref_slice %arg5[%dma_wait3A_267, %dma_wait3A_268] : memref<10000x128xf32, #tpu.memory_space<vmem_shared>> -> memref<10000x128xf32, #tpu.memory_space<vmem_shared>>
      tpu.wait_indirect_dma semaphore(%arg14 : memref<!tpu.dma_semaphore, #tpu.memory_space<semaphore_mem>>) src(%arg9 : memref<128x128xf32, #tpu.memory_space<vmem>>) dst(%dma_wait3A_269 : memref<10000x128xf32, #tpu.memory_space<vmem_shared>>)
      %lt3A_270 = arith.constant 4 : i32
      %lt3A_271 = arith.cmpi slt, %add3A_217, %lt3A_270 : i32
      %convert_element_type3A_272 = arith.extui %lt3A_271 : i1 to i32
      %cond3A_273 = arith.constant 0 : i32
      %cond3A_274 = arith.cmpi ne, %convert_element_type3A_272, %cond3A_273 : i32
      scf.if %cond3A_274 {
        %add3A_275 = arith.constant 2 : i32
        %add3A_276 = arith.addi %mul3A_219, %add3A_275 : i32
        %add3A_277 = arith.constant 1 : i32
        %add3A_278 = arith.addi %add3A_276, %add3A_277 : i32
        %add3A_279 = arith.addi %mul3A_2, %add3A_278 : i32
        %mul3A_280 = arith.constant 128 : i32
        %mul3A_281 = arith.muli %add3A_279, %mul3A_280 : i32
        %dma_start3A_282 = arith.constant 0 : i32
        %dma_start3A_283 = tpu.memref_slice %arg2[%mul3A_281, %dma_start3A_282] : memref<40960x128xf32, #tpu.memory_space<hbm>> -> memref<128x128xf32, #tpu.memory_space<hbm>>
        %dma_start3A_284 = arith.constant 0 : i32
        %dma_start3A_285 = tpu.memref_slice %arg2[%mul3A_281, %dma_start3A_284] : memref<40960x128xf32, #tpu.memory_space<hbm>> -> memref<128x128xf32, #tpu.memory_space<hbm>>
        tpu.enqueue_dma source(%dma_start3A_285 : memref<128x128xf32, #tpu.memory_space<hbm>>) target(%arg9 : memref<128x128xf32, #tpu.memory_space<vmem>>) target_semaphore(%arg13 : memref<!tpu.dma_semaphore, #tpu.memory_space<semaphore_mem>>)
      } else {
      }
    }
    %scan3A_206 = arith.constant 5 : i32
    %barrier3A_207 = arith.constant 0 : index
    tpu.barrier barrier_id(%barrier3A_207)
    "tpu.region"() ({
      %run_scoped3A = tpu.sem_alloc : memref<!tpu.dma_semaphore, #tpu.memory_space<semaphore_mem>>
      %dma_start3A_213 = arith.constant 0 : i32
      %dma_start3A_214 = tpu.memref_slice %arg4[%arg0, %mul3A_15, %dma_start3A_213] : memref<2x10000x128xf32, #tpu.memory_space<hbm>> -> memref<1x624x128xf32, #tpu.memory_space<hbm>>
      %dma_start3A_215 = tpu.memref_squeeze %dma_start3A_214 : memref<1x624x128xf32, #tpu.memory_space<hbm>> -> memref<624x128xf32, #tpu.memory_space<hbm>>
      %dma_start3A_216 = arith.constant 0 : i32
      %dma_start3A_217 = tpu.memref_slice %arg5[%mul3A_15, %dma_start3A_216] : memref<10000x128xf32, #tpu.memory_space<vmem_shared>> -> memref<624x128xf32, #tpu.memory_space<vmem_shared>>
      tpu.enqueue_dma source(%dma_start3A_217 : memref<624x128xf32, #tpu.memory_space<vmem_shared>>) target(%dma_start3A_215 : memref<624x128xf32, #tpu.memory_space<hbm>>) target_semaphore(%run_scoped3A : memref<!tpu.dma_semaphore, #tpu.memory_space<semaphore_mem>>)
      %dma_wait3A_218 = arith.constant 0 : i32
      %dma_wait3A_219 = tpu.memref_slice %arg4[%arg0, %mul3A_15, %dma_wait3A_218] : memref<2x10000x128xf32, #tpu.memory_space<hbm>> -> memref<1x624x128xf32, #tpu.memory_space<hbm>>
      %dma_wait3A_220 = tpu.memref_squeeze %dma_wait3A_219 : memref<1x624x128xf32, #tpu.memory_space<hbm>> -> memref<624x128xf32, #tpu.memory_space<hbm>>
      %dma_wait3A_221 = arith.constant 0 : i32
      %dma_wait3A_222 = tpu.memref_slice %arg5[%mul3A_15, %dma_wait3A_221] : memref<10000x128xf32, #tpu.memory_space<vmem_shared>> -> memref<624x128xf32, #tpu.memory_space<vmem_shared>>
      tpu.wait_dma2 semaphore(%run_scoped3A : memref<!tpu.dma_semaphore, #tpu.memory_space<semaphore_mem>>) src(%dma_wait3A_222 : memref<624x128xf32, #tpu.memory_space<vmem_shared>>) dst(%dma_wait3A_220 : memref<624x128xf32, #tpu.memory_space<hbm>>)
      tpu.yield
    }) : () -> ()
    %eq3A_208 = arith.constant 15 : i32
    %eq3A_209 = arith.cmpi eq, %arg1, %eq3A_208 : i32
    %convert_element_type3A_210 = arith.extui %eq3A_209 : i1 to i32
    %cond3A_211 = arith.constant 0 : i32
    %cond3A_212 = arith.cmpi ne, %convert_element_type3A_210, %cond3A_211 : i32
    scf.if %cond3A_212 {
      "tpu.region"() ({
        %run_scoped3A = tpu.sem_alloc : memref<!tpu.dma_semaphore, #tpu.memory_space<semaphore_mem>>
        %dma_start3A_213 = arith.constant 9984 : i32
        %dma_start3A_214 = arith.constant 0 : i32
        %dma_start3A_215 = tpu.memref_slice %arg4[%arg0, %dma_start3A_213, %dma_start3A_214] : memref<2x10000x128xf32, #tpu.memory_space<hbm>> -> memref<1x16x128xf32, #tpu.memory_space<hbm>>
        %dma_start3A_216 = tpu.memref_squeeze %dma_start3A_215 : memref<1x16x128xf32, #tpu.memory_space<hbm>> -> memref<16x128xf32, #tpu.memory_space<hbm>>
        %dma_start3A_217 = arith.constant 9984 : i32
        %dma_start3A_218 = arith.constant 0 : i32
        %dma_start3A_219 = tpu.memref_slice %arg5[%dma_start3A_217, %dma_start3A_218] : memref<10000x128xf32, #tpu.memory_space<vmem_shared>> -> memref<16x128xf32, #tpu.memory_space<vmem_shared>>
        tpu.enqueue_dma source(%dma_start3A_219 : memref<16x128xf32, #tpu.memory_space<vmem_shared>>) target(%dma_start3A_216 : memref<16x128xf32, #tpu.memory_space<hbm>>) target_semaphore(%run_scoped3A : memref<!tpu.dma_semaphore, #tpu.memory_space<semaphore_mem>>)
        %dma_wait3A_220 = arith.constant 9984 : i32
        %dma_wait3A_221 = arith.constant 0 : i32
        %dma_wait3A_222 = tpu.memref_slice %arg4[%arg0, %dma_wait3A_220, %dma_wait3A_221] : memref<2x10000x128xf32, #tpu.memory_space<hbm>> -> memref<1x16x128xf32, #tpu.memory_space<hbm>>
        %dma_wait3A_223 = tpu.memref_squeeze %dma_wait3A_222 : memref<1x16x128xf32, #tpu.memory_space<hbm>> -> memref<16x128xf32, #tpu.memory_space<hbm>>
        %dma_wait3A_224 = arith.constant 9984 : i32
        %dma_wait3A_225 = arith.constant 0 : i32
        %dma_wait3A_226 = tpu.memref_slice %arg5[%dma_wait3A_224, %dma_wait3A_225] : memref<10000x128xf32, #tpu.memory_space<vmem_shared>> -> memref<16x128xf32, #tpu.memory_space<vmem_shared>>
        tpu.wait_dma2 semaphore(%run_scoped3A : memref<!tpu.dma_semaphore, #tpu.memory_space<semaphore_mem>>) src(%dma_wait3A_226 : memref<16x128xf32, #tpu.memory_space<vmem_shared>>) dst(%dma_wait3A_223 : memref<16x128xf32, #tpu.memory_space<hbm>>)
        tpu.yield
      }) : () -> ()
    } else {
    }
    return
  }
}

module attributes {stable_mosaic.version = 14 : i64} {
  func.func @_edge_mlp_body(%arg0: i32, %arg1: memref<320x128xf32, #tpu.memory_space<vmem>>, %arg2: memref<128x256xf32, #tpu.memory_space<vmem>>, %arg3: memref<1x256xf32, #tpu.memory_space<vmem>>, %arg4: memref<256x256xf32, #tpu.memory_space<vmem>>, %arg5: memref<1x256xf32, #tpu.memory_space<vmem>>, %arg6: memref<256x256xf32, #tpu.memory_space<vmem>>, %arg7: memref<1x256xf32, #tpu.memory_space<vmem>>, %arg8: memref<1x256xf32, #tpu.memory_space<vmem>>, %arg9: memref<1x1xf32, #tpu.memory_space<vmem>>, %arg10: memref<256x256xf32, #tpu.memory_space<vmem>>, %arg11: memref<320x256xf32, #tpu.memory_space<vmem>>) attributes {dimension_semantics = [#tpu.dimension_semantics<arbitrary>], iteration_bounds = array<i64: 32>, scalar_prefetch = 0 : i64, scratch_operands = 0 : i64, tpu.core_type = #tpu.core_type<tc>, window_params = [{transform_indices = @transform_0, window_bounds = array<i64: 320, 128>}, {pipeline_mode = #tpu.pipeline_mode<synchronous>, transform_indices = @transform_1, window_bounds = array<i64: 128, 256>}, {pipeline_mode = #tpu.pipeline_mode<synchronous>, transform_indices = @transform_2, window_bounds = array<i64: 1, 256>}, {pipeline_mode = #tpu.pipeline_mode<synchronous>, transform_indices = @transform_3, window_bounds = array<i64: 256, 256>}, {pipeline_mode = #tpu.pipeline_mode<synchronous>, transform_indices = @transform_4, window_bounds = array<i64: 1, 256>}, {pipeline_mode = #tpu.pipeline_mode<synchronous>, transform_indices = @transform_5, window_bounds = array<i64: 256, 256>}, {pipeline_mode = #tpu.pipeline_mode<synchronous>, transform_indices = @transform_6, window_bounds = array<i64: 1, 256>}, {pipeline_mode = #tpu.pipeline_mode<synchronous>, transform_indices = @transform_7, window_bounds = array<i64: 1, 256>}, {pipeline_mode = #tpu.pipeline_mode<synchronous>, transform_indices = @transform_8, window_bounds = array<i64: 1, 1>}, {pipeline_mode = #tpu.pipeline_mode<synchronous>, transform_indices = @transform_9, window_bounds = array<i64: 256, 256>}, {transform_indices = @transform_10, window_bounds = array<i64: 320, 256>}]} {
    %get3A = arith.constant 0 : index
    %get3A_0 = arith.constant 0 : index
    %get3A_1 = vector.load %arg1[%get3A, %get3A_0] : memref<320x128xf32, #tpu.memory_space<vmem>>, vector<320x128xf32>
    %get3A_2 = arith.constant 0 : index
    %get3A_3 = arith.constant 0 : index
    %get3A_4 = vector.load %arg9[%get3A_2, %get3A_3] : memref<1x1xf32, #tpu.memory_space<vmem>>, vector<1x1xf32>
    %get3A_5 = vector.extract %get3A_4[0, 0] : f32 from vector<1x1xf32>
    %add3A = arith.constant 1.000000e+00 : f32
    %add3A_6 = arith.addf %add3A, %get3A_5 : f32
    %mul3A = vector.broadcast %add3A_6 : f32 to vector<320x128xf32>
    %mul3A_7 = arith.mulf %get3A_1, %mul3A : vector<320x128xf32>
    %get3A_8 = arith.constant 0 : index
    %get3A_9 = arith.constant 0 : index
    %get3A_10 = vector.load %arg2[%get3A_8, %get3A_9] : memref<128x256xf32, #tpu.memory_space<vmem>>, vector<128x256xf32>
    %dot_general3A = arith.constant dense<0.000000e+00> : vector<320x256xf32>
    %dot_general3A_11 = tpu.matmul %mul3A_7, %get3A_10, %dot_general3A {dimension_numbers = #tpu.dot_dimension_numbers<[1], [0], [0], [1], [0, 0, 1, 1], [], []>, transpose_lhs_hint = false} : vector<320x128xf32>, vector<128x256xf32>, vector<320x256xf32> -> vector<320x256xf32>
    %get3A_12 = arith.constant 0 : index
    %get3A_13 = arith.constant 0 : index
    %get3A_14 = vector.load %arg3[%get3A_12, %get3A_13] : memref<1x256xf32, #tpu.memory_space<vmem>>, vector<1x256xf32>
    %add3A_15 = vector.broadcast %get3A_14 : vector<1x256xf32> to vector<320x256xf32>
    %add3A_16 = arith.addf %dot_general3A_11, %add3A_15 : vector<320x256xf32>
    %gt3A = arith.constant 0.000000e+00 : f32
    %gt3A_17 = vector.broadcast %gt3A : f32 to vector<320x256xf32>
    %gt3A_18 = arith.cmpf ogt, %add3A_16, %gt3A_17 : vector<320x256xf32>
    %mul3A_19 = arith.constant 0.00999999977 : f32
    %mul3A_20 = vector.broadcast %mul3A_19 : f32 to vector<320x256xf32>
    %mul3A_21 = arith.mulf %mul3A_20, %add3A_16 : vector<320x256xf32>
    %select_n3A = arith.select %gt3A_18, %add3A_16, %mul3A_21 : vector<320x256xi1>, vector<320x256xf32>
    %get3A_22 = arith.constant 0 : index
    %get3A_23 = arith.constant 0 : index
    %get3A_24 = vector.load %arg4[%get3A_22, %get3A_23] : memref<256x256xf32, #tpu.memory_space<vmem>>, vector<256x256xf32>
    %dot_general3A_25 = arith.constant dense<0.000000e+00> : vector<320x256xf32>
    %dot_general3A_26 = tpu.matmul %select_n3A, %get3A_24, %dot_general3A_25 {dimension_numbers = #tpu.dot_dimension_numbers<[1], [0], [0], [1], [0, 0, 1, 1], [], []>, transpose_lhs_hint = false} : vector<320x256xf32>, vector<256x256xf32>, vector<320x256xf32> -> vector<320x256xf32>
    %get3A_27 = arith.constant 0 : index
    %get3A_28 = arith.constant 0 : index
    %get3A_29 = vector.load %arg5[%get3A_27, %get3A_28] : memref<1x256xf32, #tpu.memory_space<vmem>>, vector<1x256xf32>
    %add3A_30 = vector.broadcast %get3A_29 : vector<1x256xf32> to vector<320x256xf32>
    %add3A_31 = arith.addf %dot_general3A_26, %add3A_30 : vector<320x256xf32>
    %get3A_32 = arith.constant 0 : index
    %get3A_33 = arith.constant 0 : index
    %get3A_34 = vector.load %arg6[%get3A_32, %get3A_33] : memref<256x256xf32, #tpu.memory_space<vmem>>, vector<256x256xf32>
    %dot_general3A_35 = arith.constant dense<0.000000e+00> : vector<320x256xf32>
    %dot_general3A_36 = tpu.matmul %add3A_31, %get3A_34, %dot_general3A_35 {dimension_numbers = #tpu.dot_dimension_numbers<[1], [0], [0], [1], [0, 0, 1, 1], [], []>, transpose_lhs_hint = false} : vector<320x256xf32>, vector<256x256xf32>, vector<320x256xf32> -> vector<320x256xf32>
    %sub3A = arith.subf %add3A_31, %dot_general3A_36 : vector<320x256xf32>
    %mul3A_37 = arith.mulf %sub3A, %sub3A : vector<320x256xf32>
    %get3A_38 = arith.constant 0 : index
    %get3A_39 = arith.constant 0 : index
    %get3A_40 = vector.load %arg6[%get3A_38, %get3A_39] : memref<256x256xf32, #tpu.memory_space<vmem>>, vector<256x256xf32>
    %dot_general3A_41 = arith.constant dense<0.000000e+00> : vector<320x256xf32>
    %dot_general3A_42 = tpu.matmul %mul3A_37, %get3A_40, %dot_general3A_41 {dimension_numbers = #tpu.dot_dimension_numbers<[1], [0], [0], [1], [0, 0, 1, 1], [], []>, transpose_lhs_hint = false} : vector<320x256xf32>, vector<256x256xf32>, vector<320x256xf32> -> vector<320x256xf32>
    %add3A_43 = arith.constant 9.99999974E-6 : f32
    %add3A_44 = vector.broadcast %add3A_43 : f32 to vector<320x256xf32>
    %add3A_45 = arith.addf %dot_general3A_42, %add3A_44 : vector<320x256xf32>
    %rsqrt3A = math.rsqrt %add3A_45 : vector<320x256xf32>
    %mul3A_46 = arith.mulf %sub3A, %rsqrt3A : vector<320x256xf32>
    %get3A_47 = arith.constant 0 : index
    %get3A_48 = arith.constant 0 : index
    %get3A_49 = vector.load %arg7[%get3A_47, %get3A_48] : memref<1x256xf32, #tpu.memory_space<vmem>>, vector<1x256xf32>
    %mul3A_50 = vector.broadcast %get3A_49 : vector<1x256xf32> to vector<320x256xf32>
    %mul3A_51 = arith.mulf %mul3A_46, %mul3A_50 : vector<320x256xf32>
    %get3A_52 = arith.constant 0 : index
    %get3A_53 = arith.constant 0 : index
    %get3A_54 = vector.load %arg8[%get3A_52, %get3A_53] : memref<1x256xf32, #tpu.memory_space<vmem>>, vector<1x256xf32>
    %add3A_55 = vector.broadcast %get3A_54 : vector<1x256xf32> to vector<320x256xf32>
    %add3A_56 = arith.addf %mul3A_51, %add3A_55 : vector<320x256xf32>
    %get3A_57 = arith.constant 0 : index
    %get3A_58 = arith.constant 0 : index
    %get3A_59 = vector.load %arg10[%get3A_57, %get3A_58] : memref<256x256xf32, #tpu.memory_space<vmem>>, vector<256x256xf32>
    %dot_general3A_60 = arith.constant dense<0.000000e+00> : vector<320x256xf32>
    %dot_general3A_61 = tpu.matmul %add3A_56, %get3A_59, %dot_general3A_60 {dimension_numbers = #tpu.dot_dimension_numbers<[1], [0], [0], [1], [0, 0, 1, 1], [], []>, transpose_lhs_hint = false} : vector<320x256xf32>, vector<256x256xf32>, vector<320x256xf32> -> vector<320x256xf32>
    %max3A = arith.constant 0.000000e+00 : f32
    %max3A_62 = vector.broadcast %max3A : f32 to vector<320x256xf32>
    %max3A_63 = arith.maximumf %dot_general3A_61, %max3A_62 : vector<320x256xf32>
    %swap3A = arith.constant 0 : index
    %swap3A_64 = arith.constant 0 : index
    %swap3A_65 = vector.load %arg11[%swap3A, %swap3A_64] : memref<320x256xf32, #tpu.memory_space<vmem>>, vector<320x256xf32>
    tpu.vector_store %arg11[%swap3A, %swap3A_64], %max3A_63 {strides = array<i32>} : memref<320x256xf32, #tpu.memory_space<vmem>>, vector<320x256xf32>,
    return
  }
  func.func @transform_0(%arg0: i32) -> (i32, i32) {
    %c0_i32 = arith.constant 0 : i32
    %c0_i32_0 = arith.constant 0 : i32
    return %arg0, %c0_i32 : i32, i32
  }
  func.func @transform_1(%arg0: i32) -> (i32, i32) {
    %c0_i32 = arith.constant 0 : i32
    %c0_i32_0 = arith.constant 0 : i32
    %c0_i32_1 = arith.constant 0 : i32
    return %c0_i32, %c0_i32_0 : i32, i32
  }
  func.func @transform_2(%arg0: i32) -> (i32, i32) {
    %c0_i32 = arith.constant 0 : i32
    %c0_i32_0 = arith.constant 0 : i32
    %c0_i32_1 = arith.constant 0 : i32
    return %c0_i32, %c0_i32_0 : i32, i32
  }
  func.func @transform_3(%arg0: i32) -> (i32, i32) {
    %c0_i32 = arith.constant 0 : i32
    %c0_i32_0 = arith.constant 0 : i32
    %c0_i32_1 = arith.constant 0 : i32
    return %c0_i32, %c0_i32_0 : i32, i32
  }
  func.func @transform_4(%arg0: i32) -> (i32, i32) {
    %c0_i32 = arith.constant 0 : i32
    %c0_i32_0 = arith.constant 0 : i32
    %c0_i32_1 = arith.constant 0 : i32
    return %c0_i32, %c0_i32_0 : i32, i32
  }
  func.func @transform_5(%arg0: i32) -> (i32, i32) {
    %c0_i32 = arith.constant 0 : i32
    %c0_i32_0 = arith.constant 0 : i32
    %c0_i32_1 = arith.constant 0 : i32
    return %c0_i32, %c0_i32_0 : i32, i32
  }
  func.func @transform_6(%arg0: i32) -> (i32, i32) {
    %c0_i32 = arith.constant 0 : i32
    %c0_i32_0 = arith.constant 0 : i32
    %c0_i32_1 = arith.constant 0 : i32
    return %c0_i32, %c0_i32_0 : i32, i32
  }
  func.func @transform_7(%arg0: i32) -> (i32, i32) {
    %c0_i32 = arith.constant 0 : i32
    %c0_i32_0 = arith.constant 0 : i32
    %c0_i32_1 = arith.constant 0 : i32
    return %c0_i32, %c0_i32_0 : i32, i32
  }
  func.func @transform_8(%arg0: i32) -> (i32, i32) {
    %c0_i32 = arith.constant 0 : i32
    %c0_i32_0 = arith.constant 0 : i32
    %c0_i32_1 = arith.constant 0 : i32
    return %c0_i32, %c0_i32_0 : i32, i32
  }
  func.func @transform_9(%arg0: i32) -> (i32, i32) {
    %c0_i32 = arith.constant 0 : i32
    %c0_i32_0 = arith.constant 0 : i32
    %c0_i32_1 = arith.constant 0 : i32
    return %c0_i32, %c0_i32_0 : i32, i32
  }
  func.func @transform_10(%arg0: i32) -> (i32, i32) {
    %c0_i32 = arith.constant 0 : i32
    %c0_i32_0 = arith.constant 0 : i32
    return %arg0, %c0_i32 : i32, i32
  }
}

module attributes {stable_mosaic.version = 14 : i64} {
  func.func @_msg_body(%arg0: i32, %arg1: memref<80x256xf32, #tpu.memory_space<vmem>>, %arg2: memref<640x128xf32, #tpu.memory_space<vmem>>, %arg3: memref<640x80xbf16, #tpu.memory_space<vmem>>, %arg4: memref<640x256xbf16, #tpu.memory_space<vmem>>, %arg5: memref<256x1024xbf16, #tpu.memory_space<vmem>>, %arg6: memref<128x1024xbf16, #tpu.memory_space<vmem>>, %arg7: memref<1024x128xbf16, #tpu.memory_space<vmem>>, %arg8: memref<1x1xf32, #tpu.memory_space<vmem>>, %arg9: memref<640x128xf32, #tpu.memory_space<vmem>>) attributes {dimension_semantics = [#tpu.dimension_semantics<arbitrary>], iteration_bounds = array<i64: 64>, scalar_prefetch = 0 : i64, scratch_operands = 0 : i64, tpu.core_type = #tpu.core_type<tc>, window_params = [{transform_indices = @transform_0, window_bounds = array<i64: 80, 256>}, {transform_indices = @transform_1, window_bounds = array<i64: 640, 128>}, {pipeline_mode = #tpu.pipeline_mode<synchronous>, transform_indices = @transform_2, window_bounds = array<i64: 640, 80>}, {pipeline_mode = #tpu.pipeline_mode<synchronous>, transform_indices = @transform_3, window_bounds = array<i64: 640, 256>}, {pipeline_mode = #tpu.pipeline_mode<synchronous>, transform_indices = @transform_4, window_bounds = array<i64: 256, 1024>}, {pipeline_mode = #tpu.pipeline_mode<synchronous>, transform_indices = @transform_5, window_bounds = array<i64: 128, 1024>}, {pipeline_mode = #tpu.pipeline_mode<synchronous>, transform_indices = @transform_6, window_bounds = array<i64: 1024, 128>}, {pipeline_mode = #tpu.pipeline_mode<synchronous>, transform_indices = @transform_7, window_bounds = array<i64: 1, 1>}, {transform_indices = @transform_8, window_bounds = array<i64: 640, 128>}]} {
    %get3A = arith.constant 0 : index
    %get3A_0 = arith.constant 0 : index
    %get3A_1 = vector.load %arg1[%get3A, %get3A_0] : memref<80x256xf32, #tpu.memory_space<vmem>>, vector<80x256xf32>
    %convert_element_type3A = arith.truncf %get3A_1 : vector<80x256xf32> to vector<80x256xbf16>
    %get3A_2 = arith.constant 0 : index
    %get3A_3 = arith.constant 0 : index
    %get3A_4 = vector.load %arg2[%get3A_2, %get3A_3] : memref<640x128xf32, #tpu.memory_space<vmem>>, vector<640x128xf32>
    %get3A_5 = arith.constant 0 : index
    %get3A_6 = arith.constant 0 : index
    %get3A_7 = vector.load %arg8[%get3A_5, %get3A_6] : memref<1x1xf32, #tpu.memory_space<vmem>>, vector<1x1xf32>
    %get3A_8 = vector.extract %get3A_7[0, 0] : f32 from vector<1x1xf32>
    %add3A = arith.constant 1.000000e+00 : f32
    %add3A_9 = arith.addf %add3A, %get3A_8 : f32
    %mul3A = vector.broadcast %add3A_9 : f32 to vector<640x128xf32>
    %mul3A_10 = arith.mulf %get3A_4, %mul3A : vector<640x128xf32>
    %convert_element_type3A_11 = arith.truncf %mul3A_10 : vector<640x128xf32> to vector<640x128xbf16>
    %get3A_12 = arith.constant 0 : index
    %get3A_13 = arith.constant 0 : index
    %get3A_14 = vector.load %arg3[%get3A_12, %get3A_13] : memref<640x80xbf16, #tpu.memory_space<vmem>>, vector<640x80xbf16>
    %dot_general3A = arith.constant dense<0.000000e+00> : vector<640x256xf32>
    %dot_general3A_15 = tpu.matmul %get3A_14, %convert_element_type3A, %dot_general3A {dimension_numbers = #tpu.dot_dimension_numbers<[1], [0], [0], [1], [0, 0, 1, 1], [], []>, transpose_lhs_hint = false} : vector<640x80xbf16>, vector<80x256xbf16>, vector<640x256xf32> -> vector<640x256xf32>
    %convert_element_type3A_16 = arith.truncf %dot_general3A_15 : vector<640x256xf32> to vector<640x256xbf16>
    %get3A_17 = arith.constant 0 : index
    %get3A_18 = arith.constant 0 : index
    %get3A_19 = vector.load %arg4[%get3A_17, %get3A_18] : memref<640x256xbf16, #tpu.memory_space<vmem>>, vector<640x256xbf16>
    %mul3A_20 = arith.mulf %convert_element_type3A_16, %get3A_19 : vector<640x256xbf16>
    %get3A_21 = arith.constant 0 : index
    %get3A_22 = arith.constant 0 : index
    %get3A_23 = vector.load %arg5[%get3A_21, %get3A_22] : memref<256x1024xbf16, #tpu.memory_space<vmem>>, vector<256x1024xbf16>
    %dot_general3A_24 = arith.constant dense<0.000000e+00> : vector<640x1024xf32>
    %dot_general3A_25 = tpu.matmul %mul3A_20, %get3A_23, %dot_general3A_24 {dimension_numbers = #tpu.dot_dimension_numbers<[1], [0], [0], [1], [0, 0, 1, 1], [], []>, transpose_lhs_hint = false} : vector<640x256xbf16>, vector<256x1024xbf16>, vector<640x1024xf32> -> vector<640x1024xf32>
    %get3A_26 = arith.constant 0 : index
    %get3A_27 = arith.constant 0 : index
    %get3A_28 = vector.load %arg6[%get3A_26, %get3A_27] : memref<128x1024xbf16, #tpu.memory_space<vmem>>, vector<128x1024xbf16>
    %dot_general3A_29 = arith.constant dense<0.000000e+00> : vector<640x1024xf32>
    %dot_general3A_30 = tpu.matmul %convert_element_type3A_11, %get3A_28, %dot_general3A_29 {dimension_numbers = #tpu.dot_dimension_numbers<[1], [0], [0], [1], [0, 0, 1, 1], [], []>, transpose_lhs_hint = false} : vector<640x128xbf16>, vector<128x1024xbf16>, vector<640x1024xf32> -> vector<640x1024xf32>
    %mul3A_31 = arith.mulf %dot_general3A_25, %dot_general3A_30 : vector<640x1024xf32>
    %convert_element_type3A_32 = arith.truncf %mul3A_31 : vector<640x1024xf32> to vector<640x1024xbf16>
    %get3A_33 = arith.constant 0 : index
    %get3A_34 = arith.constant 0 : index
    %get3A_35 = vector.load %arg7[%get3A_33, %get3A_34] : memref<1024x128xbf16, #tpu.memory_space<vmem>>, vector<1024x128xbf16>
    %dot_general3A_36 = arith.constant dense<0.000000e+00> : vector<640x128xf32>
    %dot_general3A_37 = tpu.matmul %convert_element_type3A_32, %get3A_35, %dot_general3A_36 {dimension_numbers = #tpu.dot_dimension_numbers<[1], [0], [0], [1], [0, 0, 1, 1], [], []>, transpose_lhs_hint = false} : vector<640x1024xbf16>, vector<1024x128xbf16>, vector<640x128xf32> -> vector<640x128xf32>
    %swap3A = arith.constant 0 : index
    %swap3A_38 = arith.constant 0 : index
    %swap3A_39 = vector.load %arg9[%swap3A, %swap3A_38] : memref<640x128xf32, #tpu.memory_space<vmem>>, vector<640x128xf32>
    tpu.vector_store %arg9[%swap3A, %swap3A_38], %dot_general3A_37 {strides = array<i32>} : memref<640x128xf32, #tpu.memory_space<vmem>>, vector<640x128xf32>,
    return
  }
  func.func @transform_0(%arg0: i32) -> (i32, i32) {
    %add3A = arith.constant 64 : i32
    %add3A_0 = arith.addi %arg0, %add3A : i32
    %c0_i32 = arith.constant 0 : i32
    %c0_i32_1 = arith.constant 0 : i32
    return %add3A_0, %c0_i32 : i32, i32
  }
  func.func @transform_1(%arg0: i32) -> (i32, i32) {
    %add3A = arith.constant 64 : i32
    %add3A_0 = arith.addi %arg0, %add3A : i32
    %c0_i32 = arith.constant 0 : i32
    %c0_i32_1 = arith.constant 0 : i32
    return %add3A_0, %c0_i32 : i32, i32
  }
  func.func @transform_2(%arg0: i32) -> (i32, i32) {
    %c0_i32 = arith.constant 0 : i32
    %c0_i32_0 = arith.constant 0 : i32
    %c0_i32_1 = arith.constant 0 : i32
    return %c0_i32, %c0_i32_0 : i32, i32
  }
  func.func @transform_3(%arg0: i32) -> (i32, i32) {
    %c0_i32 = arith.constant 0 : i32
    %c0_i32_0 = arith.constant 0 : i32
    %c0_i32_1 = arith.constant 0 : i32
    return %c0_i32, %c0_i32_0 : i32, i32
  }
  func.func @transform_4(%arg0: i32) -> (i32, i32) {
    %c0_i32 = arith.constant 0 : i32
    %c0_i32_0 = arith.constant 0 : i32
    %c0_i32_1 = arith.constant 0 : i32
    return %c0_i32, %c0_i32_0 : i32, i32
  }
  func.func @transform_5(%arg0: i32) -> (i32, i32) {
    %c0_i32 = arith.constant 0 : i32
    %c0_i32_0 = arith.constant 0 : i32
    %c0_i32_1 = arith.constant 0 : i32
    return %c0_i32, %c0_i32_0 : i32, i32
  }
  func.func @transform_6(%arg0: i32) -> (i32, i32) {
    %c0_i32 = arith.constant 0 : i32
    %c0_i32_0 = arith.constant 0 : i32
    %c0_i32_1 = arith.constant 0 : i32
    return %c0_i32, %c0_i32_0 : i32, i32
  }
  func.func @transform_7(%arg0: i32) -> (i32, i32) {
    %c0_i32 = arith.constant 0 : i32
    %c0_i32_0 = arith.constant 0 : i32
    %c0_i32_1 = arith.constant 0 : i32
    return %c0_i32, %c0_i32_0 : i32, i32
  }
  func.func @transform_8(%arg0: i32) -> (i32, i32) {
    %c0_i32 = arith.constant 0 : i32
    %c0_i32_0 = arith.constant 0 : i32
    return %arg0, %c0_i32 : i32, i32
  }
}

module attributes {stable_mosaic.version = 14 : i64} {
  func.func @_msg_body(%arg0: i32, %arg1: memref<80x256xf32, #tpu.memory_space<vmem>>, %arg2: memref<640x128xf32, #tpu.memory_space<vmem>>, %arg3: memref<640x80xbf16, #tpu.memory_space<vmem>>, %arg4: memref<640x256xbf16, #tpu.memory_space<vmem>>, %arg5: memref<256x1024xbf16, #tpu.memory_space<vmem>>, %arg6: memref<128x1024xbf16, #tpu.memory_space<vmem>>, %arg7: memref<1024x128xbf16, #tpu.memory_space<vmem>>, %arg8: memref<1x1xf32, #tpu.memory_space<vmem>>, %arg9: memref<640x128xf32, #tpu.memory_space<vmem>>) attributes {dimension_semantics = [#tpu.dimension_semantics<arbitrary>], iteration_bounds = array<i64: 64>, scalar_prefetch = 0 : i64, scratch_operands = 0 : i64, tpu.core_type = #tpu.core_type<tc>, window_params = [{transform_indices = @transform_0, window_bounds = array<i64: 80, 256>}, {transform_indices = @transform_1, window_bounds = array<i64: 640, 128>}, {pipeline_mode = #tpu.pipeline_mode<synchronous>, transform_indices = @transform_2, window_bounds = array<i64: 640, 80>}, {pipeline_mode = #tpu.pipeline_mode<synchronous>, transform_indices = @transform_3, window_bounds = array<i64: 640, 256>}, {pipeline_mode = #tpu.pipeline_mode<synchronous>, transform_indices = @transform_4, window_bounds = array<i64: 256, 1024>}, {pipeline_mode = #tpu.pipeline_mode<synchronous>, transform_indices = @transform_5, window_bounds = array<i64: 128, 1024>}, {pipeline_mode = #tpu.pipeline_mode<synchronous>, transform_indices = @transform_6, window_bounds = array<i64: 1024, 128>}, {pipeline_mode = #tpu.pipeline_mode<synchronous>, transform_indices = @transform_7, window_bounds = array<i64: 1, 1>}, {transform_indices = @transform_8, window_bounds = array<i64: 640, 128>}]} {
    %get3A = arith.constant 0 : index
    %get3A_0 = arith.constant 0 : index
    %get3A_1 = vector.load %arg1[%get3A, %get3A_0] : memref<80x256xf32, #tpu.memory_space<vmem>>, vector<80x256xf32>
    %convert_element_type3A = arith.truncf %get3A_1 : vector<80x256xf32> to vector<80x256xbf16>
    %get3A_2 = arith.constant 0 : index
    %get3A_3 = arith.constant 0 : index
    %get3A_4 = vector.load %arg2[%get3A_2, %get3A_3] : memref<640x128xf32, #tpu.memory_space<vmem>>, vector<640x128xf32>
    %get3A_5 = arith.constant 0 : index
    %get3A_6 = arith.constant 0 : index
    %get3A_7 = vector.load %arg8[%get3A_5, %get3A_6] : memref<1x1xf32, #tpu.memory_space<vmem>>, vector<1x1xf32>
    %get3A_8 = vector.extract %get3A_7[0, 0] : f32 from vector<1x1xf32>
    %add3A = arith.constant 1.000000e+00 : f32
    %add3A_9 = arith.addf %add3A, %get3A_8 : f32
    %mul3A = vector.broadcast %add3A_9 : f32 to vector<640x128xf32>
    %mul3A_10 = arith.mulf %get3A_4, %mul3A : vector<640x128xf32>
    %convert_element_type3A_11 = arith.truncf %mul3A_10 : vector<640x128xf32> to vector<640x128xbf16>
    %get3A_12 = arith.constant 0 : index
    %get3A_13 = arith.constant 0 : index
    %get3A_14 = vector.load %arg3[%get3A_12, %get3A_13] : memref<640x80xbf16, #tpu.memory_space<vmem>>, vector<640x80xbf16>
    %dot_general3A = arith.constant dense<0.000000e+00> : vector<640x256xf32>
    %dot_general3A_15 = tpu.matmul %get3A_14, %convert_element_type3A, %dot_general3A {dimension_numbers = #tpu.dot_dimension_numbers<[1], [0], [0], [1], [0, 0, 1, 1], [], []>, transpose_lhs_hint = false} : vector<640x80xbf16>, vector<80x256xbf16>, vector<640x256xf32> -> vector<640x256xf32>
    %convert_element_type3A_16 = arith.truncf %dot_general3A_15 : vector<640x256xf32> to vector<640x256xbf16>
    %get3A_17 = arith.constant 0 : index
    %get3A_18 = arith.constant 0 : index
    %get3A_19 = vector.load %arg4[%get3A_17, %get3A_18] : memref<640x256xbf16, #tpu.memory_space<vmem>>, vector<640x256xbf16>
    %mul3A_20 = arith.mulf %convert_element_type3A_16, %get3A_19 : vector<640x256xbf16>
    %get3A_21 = arith.constant 0 : index
    %get3A_22 = arith.constant 0 : index
    %get3A_23 = vector.load %arg5[%get3A_21, %get3A_22] : memref<256x1024xbf16, #tpu.memory_space<vmem>>, vector<256x1024xbf16>
    %dot_general3A_24 = arith.constant dense<0.000000e+00> : vector<640x1024xf32>
    %dot_general3A_25 = tpu.matmul %mul3A_20, %get3A_23, %dot_general3A_24 {dimension_numbers = #tpu.dot_dimension_numbers<[1], [0], [0], [1], [0, 0, 1, 1], [], []>, transpose_lhs_hint = false} : vector<640x256xbf16>, vector<256x1024xbf16>, vector<640x1024xf32> -> vector<640x1024xf32>
    %get3A_26 = arith.constant 0 : index
    %get3A_27 = arith.constant 0 : index
    %get3A_28 = vector.load %arg6[%get3A_26, %get3A_27] : memref<128x1024xbf16, #tpu.memory_space<vmem>>, vector<128x1024xbf16>
    %dot_general3A_29 = arith.constant dense<0.000000e+00> : vector<640x1024xf32>
    %dot_general3A_30 = tpu.matmul %convert_element_type3A_11, %get3A_28, %dot_general3A_29 {dimension_numbers = #tpu.dot_dimension_numbers<[1], [0], [0], [1], [0, 0, 1, 1], [], []>, transpose_lhs_hint = false} : vector<640x128xbf16>, vector<128x1024xbf16>, vector<640x1024xf32> -> vector<640x1024xf32>
    %mul3A_31 = arith.mulf %dot_general3A_25, %dot_general3A_30 : vector<640x1024xf32>
    %convert_element_type3A_32 = arith.truncf %mul3A_31 : vector<640x1024xf32> to vector<640x1024xbf16>
    %get3A_33 = arith.constant 0 : index
    %get3A_34 = arith.constant 0 : index
    %get3A_35 = vector.load %arg7[%get3A_33, %get3A_34] : memref<1024x128xbf16, #tpu.memory_space<vmem>>, vector<1024x128xbf16>
    %dot_general3A_36 = arith.constant dense<0.000000e+00> : vector<640x128xf32>
    %dot_general3A_37 = tpu.matmul %convert_element_type3A_32, %get3A_35, %dot_general3A_36 {dimension_numbers = #tpu.dot_dimension_numbers<[1], [0], [0], [1], [0, 0, 1, 1], [], []>, transpose_lhs_hint = false} : vector<640x1024xbf16>, vector<1024x128xbf16>, vector<640x128xf32> -> vector<640x128xf32>
    %swap3A = arith.constant 0 : index
    %swap3A_38 = arith.constant 0 : index
    %swap3A_39 = vector.load %arg9[%swap3A, %swap3A_38] : memref<640x128xf32, #tpu.memory_space<vmem>>, vector<640x128xf32>
    tpu.vector_store %arg9[%swap3A, %swap3A_38], %dot_general3A_37 {strides = array<i32>} : memref<640x128xf32, #tpu.memory_space<vmem>>, vector<640x128xf32>,
    return
  }
  func.func @transform_0(%arg0: i32) -> (i32, i32) {
    %add3A = arith.constant 0 : i32
    %add3A_0 = arith.addi %arg0, %add3A : i32
    %c0_i32 = arith.constant 0 : i32
    %c0_i32_1 = arith.constant 0 : i32
    return %add3A_0, %c0_i32 : i32, i32
  }
  func.func @transform_1(%arg0: i32) -> (i32, i32) {
    %add3A = arith.constant 0 : i32
    %add3A_0 = arith.addi %arg0, %add3A : i32
    %c0_i32 = arith.constant 0 : i32
    %c0_i32_1 = arith.constant 0 : i32
    return %add3A_0, %c0_i32 : i32, i32
  }
  func.func @transform_2(%arg0: i32) -> (i32, i32) {
    %c0_i32 = arith.constant 0 : i32
    %c0_i32_0 = arith.constant 0 : i32
    %c0_i32_1 = arith.constant 0 : i32
    return %c0_i32, %c0_i32_0 : i32, i32
  }
  func.func @transform_3(%arg0: i32) -> (i32, i32) {
    %c0_i32 = arith.constant 0 : i32
    %c0_i32_0 = arith.constant 0 : i32
    %c0_i32_1 = arith.constant 0 : i32
    return %c0_i32, %c0_i32_0 : i32, i32
  }
  func.func @transform_4(%arg0: i32) -> (i32, i32) {
    %c0_i32 = arith.constant 0 : i32
    %c0_i32_0 = arith.constant 0 : i32
    %c0_i32_1 = arith.constant 0 : i32
    return %c0_i32, %c0_i32_0 : i32, i32
  }
  func.func @transform_5(%arg0: i32) -> (i32, i32) {
    %c0_i32 = arith.constant 0 : i32
    %c0_i32_0 = arith.constant 0 : i32
    %c0_i32_1 = arith.constant 0 : i32
    return %c0_i32, %c0_i32_0 : i32, i32
  }
  func.func @transform_6(%arg0: i32) -> (i32, i32) {
    %c0_i32 = arith.constant 0 : i32
    %c0_i32_0 = arith.constant 0 : i32
    %c0_i32_1 = arith.constant 0 : i32
    return %c0_i32, %c0_i32_0 : i32, i32
  }
  func.func @transform_7(%arg0: i32) -> (i32, i32) {
    %c0_i32 = arith.constant 0 : i32
    %c0_i32_0 = arith.constant 0 : i32
    %c0_i32_1 = arith.constant 0 : i32
    return %c0_i32, %c0_i32_0 : i32, i32
  }
  func.func @transform_8(%arg0: i32) -> (i32, i32) {
    %c0_i32 = arith.constant 0 : i32
    %c0_i32_0 = arith.constant 0 : i32
    return %arg0, %c0_i32 : i32, i32
  }
}

module attributes {stable_mosaic.version = 14 : i64} {
  func.func @_final_body(%arg0: i32, %arg1: memref<1000x32xf32, #tpu.memory_space<vmem>>, %arg2: memref<1x1000x128xf32, #tpu.memory_space<vmem>>, %arg3: memref<1x1000x128xf32, #tpu.memory_space<vmem>>, %arg4: memref<1x1000x128xf32, #tpu.memory_space<vmem>>, %arg5: memref<1x1000x128xf32, #tpu.memory_space<vmem>>, %arg6: memref<1x1xf32, #tpu.memory_space<vmem>>, %arg7: memref<32x32xf32, #tpu.memory_space<vmem>>, %arg8: memref<1x32xf32, #tpu.memory_space<vmem>>, %arg9: memref<32x32xf32, #tpu.memory_space<vmem>>, %arg10: memref<1x32xf32, #tpu.memory_space<vmem>>, %arg11: memref<1x32xf32, #tpu.memory_space<vmem>>, %arg12: memref<1x32xf32, #tpu.memory_space<vmem>>, %arg13: memref<32x128xf32, #tpu.memory_space<vmem>>, %arg14: memref<1x128xf32, #tpu.memory_space<vmem>>, %arg15: memref<128x1xf32, #tpu.memory_space<vmem>>, %arg16: memref<1x1xf32, #tpu.memory_space<vmem>>, %arg17: memref<1x32xf32, #tpu.memory_space<vmem>>) attributes {dimension_semantics = [#tpu.dimension_semantics<arbitrary>], iteration_bounds = array<i64: 10>, scalar_prefetch = 0 : i64, scratch_operands = 0 : i64, tpu.core_type = #tpu.core_type<tc>, window_params = [{transform_indices = @transform_0, window_bounds = array<i64: 1000, 32>}, {transform_indices = @transform_1, window_bounds = array<i64: 1, 1000, 128>}, {transform_indices = @transform_2, window_bounds = array<i64: 1, 1000, 128>}, {transform_indices = @transform_3, window_bounds = array<i64: 1, 1000, 128>}, {transform_indices = @transform_4, window_bounds = array<i64: 1, 1000, 128>}, {pipeline_mode = #tpu.pipeline_mode<synchronous>, transform_indices = @transform_5, window_bounds = array<i64: 1, 1>}, {pipeline_mode = #tpu.pipeline_mode<synchronous>, transform_indices = @transform_6, window_bounds = array<i64: 32, 32>}, {pipeline_mode = #tpu.pipeline_mode<synchronous>, transform_indices = @transform_7, window_bounds = array<i64: 1, 32>}, {pipeline_mode = #tpu.pipeline_mode<synchronous>, transform_indices = @transform_8, window_bounds = array<i64: 32, 32>}, {pipeline_mode = #tpu.pipeline_mode<synchronous>, transform_indices = @transform_9, window_bounds = array<i64: 1, 32>}, {pipeline_mode = #tpu.pipeline_mode<synchronous>, transform_indices = @transform_10, window_bounds = array<i64: 1, 32>}, {pipeline_mode = #tpu.pipeline_mode<synchronous>, transform_indices = @transform_11, window_bounds = array<i64: 1, 32>}, {pipeline_mode = #tpu.pipeline_mode<synchronous>, transform_indices = @transform_12, window_bounds = array<i64: 32, 128>}, {pipeline_mode = #tpu.pipeline_mode<synchronous>, transform_indices = @transform_13, window_bounds = array<i64: 1, 128>}, {pipeline_mode = #tpu.pipeline_mode<synchronous>, transform_indices = @transform_14, window_bounds = array<i64: 128, 1>}, {pipeline_mode = #tpu.pipeline_mode<synchronous>, transform_indices = @transform_15, window_bounds = array<i64: 1, 1>}, {pipeline_mode = #tpu.pipeline_mode<synchronous>, transform_indices = @transform_16, window_bounds = array<i64: 1, 32>}]} {
    %get3A = arith.constant 0 : index
    %get3A_0 = arith.constant 0 : index
    %get3A_1 = arith.constant 0 : index
    %get3A_2 = vector.load %arg2[%get3A, %get3A_0, %get3A_1] : memref<1x1000x128xf32, #tpu.memory_space<vmem>>, vector<1x1000x128xf32>
    %get3A_3 = vector.shape_cast %get3A_2 : vector<1x1000x128xf32> to vector<1000x128xf32>
    %get3A_4 = arith.constant 0 : index
    %get3A_5 = arith.constant 0 : index
    %get3A_6 = arith.constant 0 : index
    %get3A_7 = vector.load %arg3[%get3A_4, %get3A_5, %get3A_6] : memref<1x1000x128xf32, #tpu.memory_space<vmem>>, vector<1x1000x128xf32>
    %get3A_8 = vector.shape_cast %get3A_7 : vector<1x1000x128xf32> to vector<1000x128xf32>
    %add3A = arith.addf %get3A_3, %get3A_8 : vector<1000x128xf32>
    %get3A_9 = arith.constant 0 : index
    %get3A_10 = arith.constant 0 : index
    %get3A_11 = arith.constant 0 : index
    %get3A_12 = vector.load %arg4[%get3A_9, %get3A_10, %get3A_11] : memref<1x1000x128xf32, #tpu.memory_space<vmem>>, vector<1x1000x128xf32>
    %get3A_13 = vector.shape_cast %get3A_12 : vector<1x1000x128xf32> to vector<1000x128xf32>
    %get3A_14 = arith.constant 0 : index
    %get3A_15 = arith.constant 0 : index
    %get3A_16 = arith.constant 0 : index
    %get3A_17 = vector.load %arg5[%get3A_14, %get3A_15, %get3A_16] : memref<1x1000x128xf32, #tpu.memory_space<vmem>>, vector<1x1000x128xf32>
    %get3A_18 = vector.shape_cast %get3A_17 : vector<1x1000x128xf32> to vector<1000x128xf32>
    %add3A_19 = arith.addf %get3A_13, %get3A_18 : vector<1000x128xf32>
    %add3A_20 = arith.addf %add3A, %add3A_19 : vector<1000x128xf32>
    %get3A_21 = arith.constant 0 : index
    %get3A_22 = arith.constant 0 : index
    %get3A_23 = vector.load %arg1[%get3A_21, %get3A_22] : memref<1000x32xf32, #tpu.memory_space<vmem>>, vector<1000x32xf32>
    %get3A_24 = arith.constant 0 : index
    %get3A_25 = arith.constant 0 : index
    %get3A_26 = vector.load %arg6[%get3A_24, %get3A_25] : memref<1x1xf32, #tpu.memory_space<vmem>>, vector<1x1xf32>
    %get3A_27 = vector.extract %get3A_26[0, 0] : f32 from vector<1x1xf32>
    %add3A_28 = arith.constant 1.000000e+00 : f32
    %add3A_29 = arith.addf %add3A_28, %get3A_27 : f32
    %mul3A = vector.broadcast %add3A_29 : f32 to vector<1000x32xf32>
    %mul3A_30 = arith.mulf %get3A_23, %mul3A : vector<1000x32xf32>
    %slice3A = vector.extract_strided_slice %add3A_20 {offsets = [0, 0], sizes = [1000, 32], strides = [1, 1]} : vector<1000x128xf32> to vector<1000x32xf32>
    %add3A_31 = arith.addf %mul3A_30, %slice3A : vector<1000x32xf32>
    %get3A_32 = arith.constant 0 : index
    %get3A_33 = arith.constant 0 : index
    %get3A_34 = vector.load %arg7[%get3A_32, %get3A_33] : memref<32x32xf32, #tpu.memory_space<vmem>>, vector<32x32xf32>
    %dot_general3A = arith.constant dense<0.000000e+00> : vector<1000x32xf32>
    %dot_general3A_35 = tpu.matmul %add3A_31, %get3A_34, %dot_general3A {dimension_numbers = #tpu.dot_dimension_numbers<[1], [0], [0], [1], [0, 0, 1, 1], [], []>, transpose_lhs_hint = false} : vector<1000x32xf32>, vector<32x32xf32>, vector<1000x32xf32> -> vector<1000x32xf32>
    %get3A_36 = arith.constant 0 : index
    %get3A_37 = arith.constant 0 : index
    %get3A_38 = vector.load %arg8[%get3A_36, %get3A_37] : memref<1x32xf32, #tpu.memory_space<vmem>>, vector<1x32xf32>
    %add3A_39 = vector.broadcast %get3A_38 : vector<1x32xf32> to vector<1000x32xf32>
    %add3A_40 = arith.addf %dot_general3A_35, %add3A_39 : vector<1000x32xf32>
    %gt3A = arith.constant 0.000000e+00 : f32
    %gt3A_41 = vector.broadcast %gt3A : f32 to vector<1000x32xf32>
    %gt3A_42 = arith.cmpf ogt, %add3A_40, %gt3A_41 : vector<1000x32xf32>
    %mul3A_43 = arith.constant 0.00999999977 : f32
    %mul3A_44 = vector.broadcast %mul3A_43 : f32 to vector<1000x32xf32>
    %mul3A_45 = arith.mulf %mul3A_44, %add3A_40 : vector<1000x32xf32>
    %select_n3A = arith.select %gt3A_42, %add3A_40, %mul3A_45 : vector<1000x32xi1>, vector<1000x32xf32>
    %get3A_46 = arith.constant 0 : index
    %get3A_47 = arith.constant 0 : index
    %get3A_48 = vector.load %arg9[%get3A_46, %get3A_47] : memref<32x32xf32, #tpu.memory_space<vmem>>, vector<32x32xf32>
    %dot_general3A_49 = arith.constant dense<0.000000e+00> : vector<1000x32xf32>
    %dot_general3A_50 = tpu.matmul %select_n3A, %get3A_48, %dot_general3A_49 {dimension_numbers = #tpu.dot_dimension_numbers<[1], [0], [0], [1], [0, 0, 1, 1], [], []>, transpose_lhs_hint = false} : vector<1000x32xf32>, vector<32x32xf32>, vector<1000x32xf32> -> vector<1000x32xf32>
    %get3A_51 = arith.constant 0 : index
    %get3A_52 = arith.constant 0 : index
    %get3A_53 = vector.load %arg10[%get3A_51, %get3A_52] : memref<1x32xf32, #tpu.memory_space<vmem>>, vector<1x32xf32>
    %add3A_54 = vector.broadcast %get3A_53 : vector<1x32xf32> to vector<1000x32xf32>
    %add3A_55 = arith.addf %dot_general3A_50, %add3A_54 : vector<1000x32xf32>
    %reduce_sum3A = arith.constant dense<0.000000e+00> : vector<1000xf32>
    %reduce_sum3A_56 = vector.multi_reduction <add>, %add3A_55, %reduce_sum3A [1] : vector<1000x32xf32> to vector<1000xf32>
    %broadcast_in_dim3A = vector.shape_cast %reduce_sum3A_56 : vector<1000xf32> to vector<1000x1xf32>
    %div3A = arith.constant 3.200000e+01 : f32
    %div3A_57 = vector.broadcast %div3A : f32 to vector<1000x1xf32>
    %div3A_58 = arith.divf %broadcast_in_dim3A, %div3A_57 : vector<1000x1xf32>
    %sub3A = vector.broadcast %div3A_58 : vector<1000x1xf32> to vector<1000x32xf32>
    %sub3A_59 = arith.subf %add3A_55, %sub3A : vector<1000x32xf32>
    %integer_pow3A = arith.mulf %sub3A_59, %sub3A_59 : vector<1000x32xf32>
    %reduce_sum3A_60 = arith.constant dense<0.000000e+00> : vector<1000xf32>
    %reduce_sum3A_61 = vector.multi_reduction <add>, %integer_pow3A, %reduce_sum3A_60 [1] : vector<1000x32xf32> to vector<1000xf32>
    %broadcast_in_dim3A_62 = vector.shape_cast %reduce_sum3A_61 : vector<1000xf32> to vector<1000x1xf32>
    %div3A_63 = arith.constant 3.200000e+01 : f32
    %div3A_64 = vector.broadcast %div3A_63 : f32 to vector<1000x1xf32>
    %div3A_65 = arith.divf %broadcast_in_dim3A_62, %div3A_64 : vector<1000x1xf32>
    %sub3A_66 = vector.broadcast %div3A_58 : vector<1000x1xf32> to vector<1000x32xf32>
    %sub3A_67 = arith.subf %add3A_55, %sub3A_66 : vector<1000x32xf32>
    %add3A_68 = arith.constant 9.99999974E-6 : f32
    %add3A_69 = vector.broadcast %add3A_68 : f32 to vector<1000x1xf32>
    %add3A_70 = arith.addf %div3A_65, %add3A_69 : vector<1000x1xf32>
    %rsqrt3A = math.rsqrt %add3A_70 : vector<1000x1xf32>
    %mul3A_71 = vector.broadcast %rsqrt3A : vector<1000x1xf32> to vector<1000x32xf32>
    %mul3A_72 = arith.mulf %sub3A_67, %mul3A_71 : vector<1000x32xf32>
    %get3A_73 = arith.constant 0 : index
    %get3A_74 = arith.constant 0 : index
    %get3A_75 = vector.load %arg11[%get3A_73, %get3A_74] : memref<1x32xf32, #tpu.memory_space<vmem>>, vector<1x32xf32>
    %mul3A_76 = vector.broadcast %get3A_75 : vector<1x32xf32> to vector<1000x32xf32>
    %mul3A_77 = arith.mulf %mul3A_72, %mul3A_76 : vector<1000x32xf32>
    %get3A_78 = arith.constant 0 : index
    %get3A_79 = arith.constant 0 : index
    %get3A_80 = vector.load %arg12[%get3A_78, %get3A_79] : memref<1x32xf32, #tpu.memory_space<vmem>>, vector<1x32xf32>
    %add3A_81 = vector.broadcast %get3A_80 : vector<1x32xf32> to vector<1000x32xf32>
    %add3A_82 = arith.addf %mul3A_77, %add3A_81 : vector<1000x32xf32>
    %reduce_sum3A_83 = arith.constant dense<0.000000e+00> : vector<32xf32>
    %reduce_sum3A_84 = vector.multi_reduction <add>, %add3A_82, %reduce_sum3A_83 [0] : vector<1000x32xf32> to vector<32xf32>
    %broadcast_in_dim3A_85 = vector.shape_cast %reduce_sum3A_84 : vector<32xf32> to vector<1x32xf32>
    %eq3A = arith.constant 0 : i32
    %eq3A_86 = arith.cmpi eq, %arg0, %eq3A : i32
    %convert_element_type3A = arith.extui %eq3A_86 : i1 to i32
    %cond3A = arith.constant 0 : i32
    %cond3A_87 = arith.cmpi ne, %convert_element_type3A, %cond3A : i32
    scf.if %cond3A_87 {
      %broadcast_in_dim3A_99 = arith.constant 0.000000e+00 : f32
      %broadcast_in_dim3A_100 = vector.broadcast %broadcast_in_dim3A_99 : f32 to vector<1x32xf32>
      %swap3A_101 = arith.constant 0 : index
      %swap3A_102 = arith.constant 0 : index
      %swap3A_103 = vector.load %arg17[%swap3A_101, %swap3A_102] : memref<1x32xf32, #tpu.memory_space<vmem>>, vector<1x32xf32>
      tpu.vector_store %arg17[%swap3A_101, %swap3A_102], %broadcast_in_dim3A_100 {strides = array<i32>} : memref<1x32xf32, #tpu.memory_space<vmem>>, vector<1x32xf32>,
    } else {
    }
    %get3A_88 = arith.constant 0 : index
    %get3A_89 = arith.constant 0 : index
    %get3A_90 = vector.load %arg17[%get3A_88, %get3A_89] : memref<1x32xf32, #tpu.memory_space<vmem>>, vector<1x32xf32>
    %add3A_91 = arith.addf %get3A_90, %broadcast_in_dim3A_85 : vector<1x32xf32>
    %swap3A = arith.constant 0 : index
    %swap3A_92 = arith.constant 0 : index
    %swap3A_93 = vector.load %arg17[%swap3A, %swap3A_92] : memref<1x32xf32, #tpu.memory_space<vmem>>, vector<1x32xf32>
    tpu.vector_store %arg17[%swap3A, %swap3A_92], %add3A_91 {strides = array<i32>} : memref<1x32xf32, #tpu.memory_space<vmem>>, vector<1x32xf32>,
    %eq3A_94 = arith.constant 9 : i32
    %eq3A_95 = arith.cmpi eq, %arg0, %eq3A_94 : i32
    %convert_element_type3A_96 = arith.extui %eq3A_95 : i1 to i32
    %cond3A_97 = arith.constant 0 : i32
    %cond3A_98 = arith.cmpi ne, %convert_element_type3A_96, %cond3A_97 : i32
    scf.if %cond3A_98 {
      %get3A_99 = arith.constant 0 : index
      %get3A_100 = arith.constant 0 : index
      %get3A_101 = vector.load %arg17[%get3A_99, %get3A_100] : memref<1x32xf32, #tpu.memory_space<vmem>>, vector<1x32xf32>
      %mul3A_102 = arith.constant 9.99999974E-5 : f32
      %mul3A_103 = vector.broadcast %mul3A_102 : f32 to vector<1x32xf32>
      %mul3A_104 = arith.mulf %get3A_101, %mul3A_103 : vector<1x32xf32>
      %get3A_105 = arith.constant 0 : index
      %get3A_106 = arith.constant 0 : index
      %get3A_107 = vector.load %arg13[%get3A_105, %get3A_106] : memref<32x128xf32, #tpu.memory_space<vmem>>, vector<32x128xf32>
      %dot_general3A_108 = arith.constant dense<0.000000e+00> : vector<1x128xf32>
      %dot_general3A_109 = tpu.matmul %mul3A_104, %get3A_107, %dot_general3A_108 {dimension_numbers = #tpu.dot_dimension_numbers<[1], [0], [0], [1], [0, 0, 1, 1], [], []>, transpose_lhs_hint = false} : vector<1x32xf32>, vector<32x128xf32>, vector<1x128xf32> -> vector<1x128xf32>
      %get3A_110 = arith.constant 0 : index
      %get3A_111 = arith.constant 0 : index
      %get3A_112 = vector.load %arg14[%get3A_110, %get3A_111] : memref<1x128xf32, #tpu.memory_space<vmem>>, vector<1x128xf32>
      %add3A_113 = arith.addf %dot_general3A_109, %get3A_112 : vector<1x128xf32>
      %tanh3A = math.tanh %add3A_113 : vector<1x128xf32>
      %get3A_114 = arith.constant 0 : index
      %get3A_115 = arith.constant 0 : index
      %get3A_116 = vector.load %arg15[%get3A_114, %get3A_115] : memref<128x1xf32, #tpu.memory_space<vmem>>, vector<128x1xf32>
      %dot_general3A_117 = arith.constant dense<0.000000e+00> : vector<1x1xf32>
      %dot_general3A_118 = tpu.matmul %tanh3A, %get3A_116, %dot_general3A_117 {dimension_numbers = #tpu.dot_dimension_numbers<[1], [0], [0], [1], [0, 0, 1, 1], [], []>, transpose_lhs_hint = false} : vector<1x128xf32>, vector<128x1xf32>, vector<1x1xf32> -> vector<1x1xf32>
      %get3A_119 = arith.constant 0 : index
      %get3A_120 = arith.constant 0 : index
      %get3A_121 = vector.load %arg16[%get3A_119, %get3A_120] : memref<1x1xf32, #tpu.memory_space<vmem>>, vector<1x1xf32>
      %add3A_122 = arith.addf %dot_general3A_118, %get3A_121 : vector<1x1xf32>
      %sub3A_123 = arith.subf %add3A_122, %add3A_122 : vector<1x1xf32>
      %exp3A = math.exp %sub3A_123 : vector<1x1xf32>
      %mul3A_124 = vector.broadcast %exp3A : vector<1x1xf32> to vector<1x32xf32>
      %mul3A_125 = arith.mulf %mul3A_124, %mul3A_104 : vector<1x32xf32>
      %swap3A_126 = arith.constant 0 : index
      %swap3A_127 = arith.constant 0 : index
      %swap3A_128 = vector.load %arg17[%swap3A_126, %swap3A_127] : memref<1x32xf32, #tpu.memory_space<vmem>>, vector<1x32xf32>
      tpu.vector_store %arg17[%swap3A_126, %swap3A_127], %mul3A_125 {strides = array<i32>} : memref<1x32xf32, #tpu.memory_space<vmem>>, vector<1x32xf32>,
    } else {
    }
    return
  }
  func.func @transform_0(%arg0: i32) -> (i32, i32) {
    %c0_i32 = arith.constant 0 : i32
    %c0_i32_0 = arith.constant 0 : i32
    return %arg0, %c0_i32 : i32, i32
  }
  func.func @transform_1(%arg0: i32) -> (i32, i32, i32) {
    %c0_i32 = arith.constant 0 : i32
    %c0_i32_0 = arith.constant 0 : i32
    %c0_i32_1 = arith.constant 0 : i32
    return %c0_i32, %arg0, %c0_i32_0 : i32, i32, i32
  }
  func.func @transform_2(%arg0: i32) -> (i32, i32, i32) {
    %c1_i32 = arith.constant 1 : i32
    %c0_i32 = arith.constant 0 : i32
    %c0_i32_0 = arith.constant 0 : i32
    return %c1_i32, %arg0, %c0_i32 : i32, i32, i32
  }
  func.func @transform_3(%arg0: i32) -> (i32, i32, i32) {
    %c0_i32 = arith.constant 0 : i32
    %c0_i32_0 = arith.constant 0 : i32
    %c0_i32_1 = arith.constant 0 : i32
    return %c0_i32, %arg0, %c0_i32_0 : i32, i32, i32
  }
  func.func @transform_4(%arg0: i32) -> (i32, i32, i32) {
    %c1_i32 = arith.constant 1 : i32
    %c0_i32 = arith.constant 0 : i32
    %c0_i32_0 = arith.constant 0 : i32
    return %c1_i32, %arg0, %c0_i32 : i32, i32, i32
  }
  func.func @transform_5(%arg0: i32) -> (i32, i32) {
    %c0_i32 = arith.constant 0 : i32
    %c0_i32_0 = arith.constant 0 : i32
    %c0_i32_1 = arith.constant 0 : i32
    return %c0_i32, %c0_i32_0 : i32, i32
  }
  func.func @transform_6(%arg0: i32) -> (i32, i32) {
    %c0_i32 = arith.constant 0 : i32
    %c0_i32_0 = arith.constant 0 : i32
    %c0_i32_1 = arith.constant 0 : i32
    return %c0_i32, %c0_i32_0 : i32, i32
  }
  func.func @transform_7(%arg0: i32) -> (i32, i32) {
    %c0_i32 = arith.constant 0 : i32
    %c0_i32_0 = arith.constant 0 : i32
    %c0_i32_1 = arith.constant 0 : i32
    return %c0_i32, %c0_i32_0 : i32, i32
  }
  func.func @transform_8(%arg0: i32) -> (i32, i32) {
    %c0_i32 = arith.constant 0 : i32
    %c0_i32_0 = arith.constant 0 : i32
    %c0_i32_1 = arith.constant 0 : i32
    return %c0_i32, %c0_i32_0 : i32, i32
  }
  func.func @transform_9(%arg0: i32) -> (i32, i32) {
    %c0_i32 = arith.constant 0 : i32
    %c0_i32_0 = arith.constant 0 : i32
    %c0_i32_1 = arith.constant 0 : i32
    return %c0_i32, %c0_i32_0 : i32, i32
  }
  func.func @transform_10(%arg0: i32) -> (i32, i32) {
    %c0_i32 = arith.constant 0 : i32
    %c0_i32_0 = arith.constant 0 : i32
    %c0_i32_1 = arith.constant 0 : i32
    return %c0_i32, %c0_i32_0 : i32, i32
  }
  func.func @transform_11(%arg0: i32) -> (i32, i32) {
    %c0_i32 = arith.constant 0 : i32
    %c0_i32_0 = arith.constant 0 : i32
    %c0_i32_1 = arith.constant 0 : i32
    return %c0_i32, %c0_i32_0 : i32, i32
  }
  func.func @transform_12(%arg0: i32) -> (i32, i32) {
    %c0_i32 = arith.constant 0 : i32
    %c0_i32_0 = arith.constant 0 : i32
    %c0_i32_1 = arith.constant 0 : i32
    return %c0_i32, %c0_i32_0 : i32, i32
  }
  func.func @transform_13(%arg0: i32) -> (i32, i32) {
    %c0_i32 = arith.constant 0 : i32
    %c0_i32_0 = arith.constant 0 : i32
    %c0_i32_1 = arith.constant 0 : i32
    return %c0_i32, %c0_i32_0 : i32, i32
  }
  func.func @transform_14(%arg0: i32) -> (i32, i32) {
    %c0_i32 = arith.constant 0 : i32
    %c0_i32_0 = arith.constant 0 : i32
    %c0_i32_1 = arith.constant 0 : i32
    return %c0_i32, %c0_i32_0 : i32, i32
  }
  func.func @transform_15(%arg0: i32) -> (i32, i32) {
    %c0_i32 = arith.constant 0 : i32
    %c0_i32_0 = arith.constant 0 : i32
    %c0_i32_1 = arith.constant 0 : i32
    return %c0_i32, %c0_i32_0 : i32, i32
  }
  func.func @transform_16(%arg0: i32) -> (i32, i32) {
    %c0_i32 = arith.constant 0 : i32
    %c0_i32_0 = arith.constant 0 : i32
    %c0_i32_1 = arith.constant 0 : i32
    return %c0_i32, %c0_i32_0 : i32, i32
  }
}

</mosaic_0001>

<sc_bundles>
// kernel: kernel.12.cloned.1.call-start
scs
__scs_entry_jumppad:
0x0: {  	(pc) =	sbr.rel $0x88, $3  }
0x1: {  	(tag) =	ssettag $0x0;
	lr =	simm.s32 $0x1  }
0x2: {  	[smem:$0x3F8A] =	sst lr;
	_ =	strace $0xD0000000  }
0x3: {  	_ = 	snop  }
0x4: {  	_ = 	snop  }
0x5: {  	_ = 	snop  }
0x6: {  	_ = 	snop  }
0x7: {  	_ = 	snop  }
__scs_overlays_trampoline_lowered:
0x8: {  	[smem:$0x3F99] =	sst s0  }
0x9: {  	[smem:$0x3F9A] =	sst s1  }
0xa: {  	[smem:$0x3F9B] =	sst s2  }
0xb: {  	[smem:$0x3F9C] =	sst s3  }
0xc: {  	[smem:$0x3F9D] =	sst s4  }
0xd: {  	[smem:$0x3F9E] =	sst s5  }
0xe: {  	[smem:$0x3F9F] =	sst s6  }
0xf: {  	[smem:$0x3FA0] =	sst s7  }
0x10: {  	[smem:$0x3FA1] =	sst s8  }
0x11: {  	[smem:$0x3FA2] =	sst s9;
	s0 =	simm.s32 @!p0 $0x0  }
0x12: {  	s1 =	sld [smem:$0x3F88];
	s0 =	simm.s32 @p0 $0x1  }
0x13: {  	[smem:$0x3FA3] =	sst s0;
	s0 =	simm.s32 @!p1 $0x0  }
0x14: {  	s2 =	sld [smem:$0x3F87];
	s0 =	simm.s32 @p1 $0x1  }
0x15: {  	[smem:$0x3FA4] =	sst s0;
	s0 =	simm.s32 @!p2 $0x0  }
0x16: {  	s3 =	sld [smem:$0x3FDB];
	s0 =	simm.s32 @p2 $0x1  }
0x17: {  	s4 =	simm.s32 $0x1BF5;
	[smem:$0x3FA6] =	sst s0  }
0x18: {  	s0 =	sld [smem:$0x3F89];
	_ =	swait.ge [sflag:s4], $0x0  }
0x19: {  	s7 =	sld [smem:$0x3F8A]  }
0x1a: {  	s8 =	sadd.s32 $0xFFFFE003, lr  }
0x1b: {  	s9 =	sadd.s32 $0xFFFFFEF7, lr;
	s5 =	simm.s32 $0xFFFFFFFF;
	p2 =	slt.u32 s8, $0xFFFFF086  }
0x1c: {  	p1 =	slt.u32 s9, $0xF7A;
	s5 =	simm.s32 @!p2 $0x0  }
0x1d: {  	s5 =	simm.s32 @p1 $0x1;
	p0 =	seq.s32 s7, s2  }
0x1e: {  	s7 =	smul.u32 @!p0 $0xF7A, s2;
	p2 =	seq.s32 @!p0 s5, $0x0  }
0x1f: {  	s9 =	smul.u32 $0xF7A, s1;
	s8 =	simm.s32 @!p0 $0x1BF5;
	p2 =	por !p2, p0  }
0x20: {  	[sflag:s8] =	ssyncset.s32 @!p0 $0xFFFFF086;
	s6 =	sadd.s32 @!p0 s3, s7;
	s7 =	simm.s32 @!p0 $0x108  }
0x21: {  	s3 =	sadd.s32 s3, s9;
	s6 =	sadd.s32 @!p0 $0x88, s6;
	s7 =	simm.s32 @p2 $0x1082  }
0x22: {  	[simem:s7], [sflag:s8] =	dma.local @!p0 [hbm:s6], $0xF7A  }
0x23: {  	s9 =	sor.u32 $0xD0000000, s2;
	s6 =	simm.s32 $0x108;
	_ =	swait.ge @!p0 [sflag:s8], $0x0  }
0x24: {  	s3 =	sadd.s32 $0x88, s3;
	s6 =	simm.s32 @!p1 $0x1082;
	[sflag:s4] =	ssyncset.s32 $0xFFFFF086  }
0x25: {  	[simem:s6], [sflag:s4] =	dma.local [hbm:s3], $0xF7A  }
0x26: {  	[smem:$0x3F8A] =	sst s1;
	(tag) =	ssettag s2;
	_ =	strace s9  }
0x27: {  	s1 =	sld [smem:$0x3F9A]  }
0x28: {  	s2 =	sld [smem:$0x3F9B]  }
0x29: {  	s4 =	sld [smem:$0x3F9D]  }
0x2a: {  	p0 =	seq.s32 s5, $0x0;
	s5 =	sld [smem:$0x3F9E]  }
0x2b: {  	s6 =	sld [smem:$0x3F9F]  }
0x2c: {  	s7 =	sld [smem:$0x3FA0]  }
0x2d: {  	s3 =	simm.s32 $0x108;
	s8 =	sld [smem:$0x3FA1]  }
0x2e: {  	s3 =	simm.s32 @!p0 $0x1082;
	s9 =	sld [smem:$0x3FA2]  }
0x2f: {  	lr =	sadd.s32 s0, s3;
	s0 =	sld [smem:$0x3F99]  }
0x30: {  	s3 =	sld [smem:$0x3F9C]  }
0x31: {  	[smem:$0x3FA5] =	sst s10  }
0x32: {  	s10 =	sld [smem:$0x3FA3];
	_ =	sdelay $0x3  }
0x33: {  	p0 =	seq.s32 s10, $0x1;
	s10 =	sld [smem:$0x3FA5];
	_ =	sdelay $0x3  }
0x34: {  	[smem:$0x3FA5] =	sst s10  }
0x35: {  	s10 =	sld [smem:$0x3FA4];
	_ =	sdelay $0x3  }
0x36: {  	p1 =	seq.s32 s10, $0x1;
	s10 =	sld [smem:$0x3FA5];
	_ =	sdelay $0x3  }
0x37: {  	[smem:$0x3FA5] =	sst s10  }
0x38: {  	s10 =	sld [smem:$0x3FA6]  }
0x39: {  	_ = 	snop;
	(pc) =	sbr.ind lr, $3  }
0x3a: {  	_ = 	snop  }
0x3b: {  	_ = 	snop  }
0x3c: {  	p2 =	seq.s32 s10, $0x1;
	s10 =	sld [smem:$0x3FA5]  }
0x3d: {  	_ =	shalt  }
0x3e: {  	_ =	shalt  }
0x3f: {  	_ =	shalt  }
0x40: {  	_ =	shalt  }
0x41: {  	_ =	shalt  }
0x42: {  	_ =	shalt  }
0x43: {  	_ =	shalt  }
0x44: {  	_ =	shalt  }
0x45: {  	_ =	shalt  }
0x46: {  	_ =	shalt  }
0x47: {  	_ =	shalt  }
0x48: {  	_ =	shalt  }
0x49: {  	_ =	shalt  }
0x4a: {  	_ =	shalt  }
0x4b: {  	_ =	shalt  }
0x4c: {  	_ =	shalt  }
0x4d: {  	_ =	shalt  }
0x4e: {  	_ =	shalt  }
0x4f: {  	_ =	shalt  }
0x50: {  	_ =	shalt  }
0x51: {  	_ =	shalt  }
0x52: {  	_ =	shalt  }
0x53: {  	_ =	shalt  }
0x54: {  	_ =	shalt  }
0x55: {  	_ =	shalt  }
0x56: {  	_ =	shalt  }
0x57: {  	_ =	shalt  }
0x58: {  	_ =	shalt  }
0x59: {  	_ =	shalt  }
0x5a: {  	_ =	shalt  }
0x5b: {  	_ =	shalt  }
0x5c: {  	_ =	shalt  }
0x5d: {  	_ =	shalt  }
0x5e: {  	_ =	shalt  }
0x5f: {  	_ =	shalt  }
0x60: {  	_ =	shalt  }
0x61: {  	_ =	shalt  }
0x62: {  	_ =	shalt  }
0x63: {  	_ =	shalt  }
0x64: {  	_ =	shalt  }
0x65: {  	_ =	shalt  }
0x66: {  	_ =	shalt  }
0x67: {  	_ =	shalt  }
0x68: {  	_ =	shalt  }
0x69: {  	_ =	shalt  }
0x6a: {  	_ =	shalt  }
0x6b: {  	_ =	shalt  }
0x6c: {  	_ =	shalt  }
0x6d: {  	_ =	shalt  }
0x6e: {  	_ =	shalt  }
0x6f: {  	_ =	shalt  }
0x70: {  	_ =	shalt  }
0x71: {  	_ =	shalt  }
0x72: {  	_ =	shalt  }
0x73: {  	_ =	shalt  }
0x74: {  	_ =	shalt  }
0x75: {  	_ =	shalt  }
0x76: {  	_ =	shalt  }
0x77: {  	_ =	shalt  }
0x78: {  	_ =	shalt  }
0x79: {  	_ =	shalt  }
0x7a: {  	_ =	shalt  }
0x7b: {  	_ =	shalt  }
0x7c: {  	_ =	shalt  }
0x7d: {  	_ =	shalt  }
0x7e: {  	_ =	shalt  }
0x7f: {  	_ =	shalt  }
0x80: {  	_ =	shalt  }
0x81: {  	_ =	shalt  }
0x82: {  	_ =	shalt  }
0x83: {  	_ =	shalt  }
0x84: {  	_ =	shalt  }
0x85: {  	_ =	shalt  }
0x86: {  	_ =	shalt  }
0x87: {  	_ =	shalt  }
.Lfunc_end0:
.L_simem_size_0:
called_computation.1_lowered:
.L_overlay_start_0:
0x88: {  	s2 =	sld [smem:$0x3FD9]  }
0x89: {  	s3 =	sld [smem:$0x3FFE];
	_ =	sdelay $0x1  }
0x8a: {  	s1 =	srdreg.scid  }
0x8b: {  	s0 =	sand.u32 $0x1, s1  }
0x8c: {  	s17 =	sshll.u32 s0, $0xA;
	s2 =	sadd.s32 s3, s2  }
0x8d: {  	s2 =	sadd.s32 s2, s17  }
0x8e: {  	[smem:$0x3FB1] =	sst s2  }
0x8f: {  	_ = 	snop  }
0x90: {  	(tm) =	ssettm $0x1  }
0x91: {  	s18 =	sld [smem:$0x3FFB];
	_ =	sdelay $0x3  }
0x92: {  	_ =	strace s18  }
0x93: {  	s2 =	sld [smem:$0x3FFC];
	_ =	sdelay $0x3  }
0x94: {  	_ =	strace s2  }
0x95: {  	s2 =	sld [smem:$0x3FFD];
	_ =	sdelay $0x3  }
0x96: {  	_ =	strace s2  }
0x97: {  	_ =	strace $0x8FFFFFFF  }
0x98: {  	s19 =	sld [smem:$0x3FDB];
	_ =	sdelay $0x1  }
0x99: {  	s20 =	simm.s32 $_scs_section_size  }
0x9a: {  	s4 =	simm.s32 $_size__tile_overlayer_lowered;
	s5 =	simm.s32 $_tile_overlayer_lowered  }
0x9b: {  	s6 =	simm.s32 $0x1BFF;
	s21 =	sshll.u32 s5, $0x1;
	s3 =	sadd.s32 s20, s19  }
0x9c: {  	s22 =	simm.s32 $0x0;
	s4 =	sshll.u32 s4, $0x1;
	s5 =	sadd.s32 s21, s3  }
0x9d: {  	[timem:s22], [sflag:s6] =	dma.local [hbm:s5], s4  }
0x9e: {  	_ =	swait.ge [sflag:s6], s4  }
0x9f: {  	s4 =	ssub.s32 $0x0, s4;
	[sflag:s6] =	ssyncset.done $0x0  }
0xa0: {  	[sflag:s6] =	ssyncadd.s32 s4;
	_ =	sdelay $0x1  }
0xa1: {  	s23 =	simm.s32 $0x1B8B  }
0xa2: {  	_ =	swait.ge [sflag:s23], $0x1  }
0xa3: {  	[sflag:s23] =	ssyncset.done $0x0  }
0xa4: {  	[sflag:s23] =	ssyncadd.s32 $0xFFFFFFFF  }
0xa5: {  	s4 =	sld [smem:$0x0]  }
0xa6: {  	s5 =	sand.u32 $0xFFFFFFFE, s1  }
0xa7: {  	p0 =	sne.s32 s1, s5  }
0xa8: {  	s5 =	sshll.u32 @p0 s5, $0xE  }
0xa9: {  	s5 =	sadd.s32 @p0 $0x11B8D, s5;
	s6 =	sshll.u32 @p0 s4, $0x11  }
0xaa: {  	s5 =	sor.u32 @p0 s6, s5  }
0xab: {  	[sflag:s5] =	ssyncadd.remote.s32 @p0 $0x1;
	_ =	sdelay $0x1  }
0xac: {  	s5 =	simm.s32 @p0 $0x1B8D  }
0xad: {  	_ =	swait.eq @p0 [sflag:s5], $0x1  }
0xae: {  	[sflag:s5] =	ssyncadd.s32 @p0 $0xFFFFFFFF  }
0xaf: {  	s6 =	sshll.u32 @!p0 s1, $0xE  }
0xb0: {  	s6 =	sor.u32 @!p0 $0x4000, s6;
	s5 =	simm.s32 @!p0 $0x1B8D  }
0xb1: {  	s4 =	sshll.u32 @!p0 s4, $0x11;
	s6 =	sadd.s32 @!p0 $0x11B8D, s6;
	_ =	swait.eq @!p0 [sflag:s5], $0x1  }
0xb2: {  	s4 =	sor.u32 @!p0 s4, s6;
	[sflag:s5] =	ssyncadd.s32 @!p0 $0xFFFFFFFF  }
0xb3: {  	s25 =	simm.s32 $0x1B8E;
	s24 =	sld [smem:$0x3FFE];
	[sflag:s4] =	ssyncadd.remote.s32 @!p0 $0x1  }
0xb4: {  	s26 =	simm.s32 $execute0_lowered;
	[smem:$0x3FD2] =	sst s25  }
0xb5: {  	s5 =	sshll.u32 s26, $0x1;
	_ =	strace $0x8000004C;
	[dreg:$0x1] =	wrdreg $0xFFFFFFFF  }
0xb6: {  	s28 =	simm.s32 $_size_execute0_lowered;
	s3 =	sadd.s32 s3, s5;
	[dreg:$0x0] =	wrdreg $0x0  }
0xb7: {  	s5 =	sshll.u32 s28, $0x1;
	[dreg:$0x2] =	wrdreg s3  }
0xb8: {  	[dreg:$0x3] =	wrdreg s5  }
0xb9: {  	[dreg:$0x4] =	wrdreg $0xC0  }
0xba: {  	_ =	task [dreg:s22], $0x5FFFF  }
0xbb: {  	[dreg:$0x1] =	wrdreg $0xFFFFFFFF  }
0xbc: {  	[dreg:$0x0] =	wrdreg $0x60  }
0xbd: {  	[dreg:$0x2] =	wrdreg s24  }
0xbe: {  	[dreg:$0x3] =	wrdreg $0x0  }
0xbf: {  	[dreg:$0x4] =	wrdreg $0x9  }
0xc0: {  	_ =	task.clear_ibuf [dreg:s22], $0x5FFFF;
	_ =	strace $0x9000004C  }
0xc1: {  	s29 =	simm.s32 $0x9;
	_ =	strace $0x8000004E  }
0xc2: {  	_ =	swait.ge [sflag:s29], $0x1  }
0xc3: {  	[sflag:s29] =	ssyncadd.s32 $0xFFFFFFFF  }
0xc4: {  	_ =	strace $0x9000004E  }
0xc5: {  	_ =	sfence  }
0xc6: {  	s30 =	sld [smem:$0x0];
	_ =	sdelay $0x2  }
0xc7: {  	s31 =	sshll.u32 s1, $0xD;
	s1 =	sshrl.u32 s1, $0x2  }
0xc8: {  	s4 =	sand.u32 $0x4000, s31;
	s1 =	sadd.s32 s1, s30  }
0xc9: {  	s0 =	sor.u32 s4, s0;
	s1 =	sshll.u32 s1, $0x11  }
0xca: {  	s0 =	sor.u32 s1, s0  }
0xcb: {  	s0 =	sadd.s32 $0x8F2B, s0  }
0xcc: {  	[sflag:s0] =	ssyncadd.remote.s32 $0x1  }
0xcd: {  	_ =	sfence.sel $0xFFFF  }
0xce: {  	[dreg:$0x0] =	wrdreg $0xFFFFFFFF;
	(pc) =	sbr.abs _section_cstart, $3  }
0xcf: {  	[dreg:$0x1] =	wrdreg $0xFFFFFFFF  }
0xd0: {  	_ =	task.clear_ibuf [dreg:s22], $0x2FFFF;
	_ =	strace $0x9FFFFFFF  }
0xd1: {  	(tm) =	ssettm $0x7FFFFFFF  }
tec
execute0_lowered:
.L_overlay_start_1:
0x0: {  	(tag) =	ssettag $0x1  }
0x1: {  	s0 =	rddreg [dreg:$0x0]  }
0x2: {  	s1 =	srdreg.scid;
	s9 =	stileid.u32  }
0x3: {  	s2 =	rddreg [dreg:$0x1];
	s3 =	simm.s32 $0x0;
	s11 =	simm.s32 $0x80  }
0x4: {  	s12 =	simm.s32 $0x5;
	s1 =	sand.u32 $0x1, s1;
	s6 =	smul.u32 $0x4E000, s9  }
0x5: {  	s4 =	sshll.u32 s9, $0x1;
	[smem:$0x7FF] =	sst s3;
	s23 =	smul.u32 $0x13800, s9  }
0x6: {  	p0 =	sne.s32 s9, $0xF;
	s9 =	simm.s32 $0x19880;
	s4 =	sor.u32 s1, s4  }
0x7: {  	_ =	strace $0x8000004D;
	s13 =	ssub.s32 $0x2, s1;
	s1 =	smul.u32 $0x138800, s1  }
0x8: {  	s5 =	smul.u32 $0x5000, s4;
	s4 =	sshll.u32 s4, $0x8;
	s8 =	sshrl.u32 s13, $0x1  }
0x9: {  	s6 =	sshrl.u32 s6, $0x2;
	s4 =	sadd.s32 s4, s0;
	s8 =	ssub.s32 s13, s8  }
0xa: {  	s21 =	sshrl.u32 s1, $0x3;
	s1 =	sadd.s32 s23, s1;
	s13 =	simm.s32 $0x4  }
0xb: {  	s7 =	sadd.s32 s5, s0;
	s4 =	sadd.s32 $0x2B000, s4;
	s5 =	sadd.s32 s6, s2  }
0xc: {  	s0 =	sadd.s32 $0x2D000, s0;
	[dreg:$0x3] =	wrdreg s4;
	s14 =	sadd.s32 $0x1800, s5  }
0xd: {  	s1 =	sshrl.u32 s1, $0x3;
	s15 =	sadd.s32 $0x3000, s5;
	[dreg:$0x4] =	wrdreg s14  }
0xe: {  	s6 =	simm.s32 $0x2;
	s16 =	sadd.s32 $0x4800, s5;
	[dreg:$0x5] =	wrdreg s15  }
0xf: {  	s17 =	sadd.s32 $0x6000, s5;
	s18 =	sadd.s32 $0x7800, s5;
	[dreg:$0x6] =	wrdreg s16  }
0x10: {  	s19 =	sadd.s32 $0x9000, s5;
	s20 =	sadd.s32 $0x285400, s7;
	[dreg:$0x7] =	wrdreg s17  }
0x11: {  	s22 =	sadd.s32 $0x285C00, s7;
	s4 =	sadd.s32 s0, s21;
	[dreg:$0x8] =	wrdreg s18  }
0x12: {  	s10 =	sadd.s32 $0xA800, s5;
	s24 =	sadd.s32 $0x286400, s7;
	[dreg:$0x9] =	wrdreg s19  }
0x13: {  	s25 =	sadd.s32 $0x286C00, s7;
	s26 =	sadd.s32 $0x287400, s7;
	[dreg:$0xa] =	wrdreg s20  }
0x14: {  	s21 =	sadd.s32 s0, s1;
	s23 =	sadd.s32 $0x289400, s7;
	[dreg:$0xb] =	wrdreg s22  }
0x15: {  	s28 =	sadd.s32 $0xD800, s5;
	s29 =	sadd.s32 $0xF000, s5;
	[dreg:$0xc] =	wrdreg s10  }
0x16: {  	s30 =	sadd.s32 $0x10800, s5;
	s31 =	sadd.s32 $0x12000, s5;
	[dreg:$0xe] =	wrdreg s24  }
0x17: {  	s1 =	sadd.s32 $0x138000, s2;
	s0 =	simm.s32 $0x15080;
	[dreg:$0xf] =	wrdreg s25  }
0x18: {  	s4 =	sadd.s32 $0x27000, s4;
	[dreg:$0x10] =	wrdreg s26;
	s19 =	sadd.s32 $0x287C00, s7  }
0x19: {  	s20 =	sadd.s32 $0x288400, s7;
	s22 =	sadd.s32 $0x288C00, s7;
	s24 =	smax.u32 s8, $0x1  }
0x1a: {  	s25 =	sadd.s32 $0x289C00, s7;
	s26 =	sadd.s32 $0xC000, s5;
	s7 =	simm.s32 $0x1  }
0x1b: {  	s8 =	simm.s32 $0x15880;
	s10 =	simm.s32 $0x3;
	s14 =	simm.s32 $0x6  }
0x1c: {  	v0 =	vimm.f32 $0.0e+00;
	s15 =	simm.s32 $0x0;
	[dreg:$0xd] =	wrdreg s4;
	s4 =	simm.s32 $0x13880  }
.LBB2_1:
0x1d: {  	s16 =	rddreg [dreg:$0x3]  }
0x1e: {  	[tilespmem:s0], [sflag:$0x1] =	stream.linear.gather [hbm4b:s16+s3], $0x500, $0x38;
	[tilespmem:$0x1D880] =	vst v63  }
0x1f: {  	s17 =	simm.s32 $0x3C0;
	s16 =	simm.s32 $0x70  }
.LBB2_2:
0x20: {  	p1 =	sne.s32 s17, $0x5FC0;
	[tilespmem:s16+$0x13880] =	vst v0  }
0x21: {  	[tilespmem:s16+$0x13810] =	vst v0  }
0x22: {  	[tilespmem:s16+$0x13820] =	vst v0  }
.Ltmp0:
0x23: {  	[tilespmem:s16+$0x13830] =	vst v0;
	(pc) =	sbr.rel @p1 .LBB2_2-.Ltmp0, $4  }
0x24: {  	[tilespmem:s16+$0x13840] =	vst v0  }
0x25: {  	[tilespmem:s16+$0x13850] =	vst v0  }
0x26: {  	[tilespmem:s16+$0x13860] =	vst v0  }
0x27: {  	[tilespmem:s16+$0x13870] =	vst v0;
	s16 =	sshra.s32 s17, $0x2;
	s17 =	sadd.s32 $0x200, s17  }
0x28: {  	[tilespmem:s16+$0x13880] =	vst v0  }
0x29: {  	[tilespmem:s16+$0x13810] =	vst v0  }
0x2a: {  	[tilespmem:s16+$0x13820] =	vst v0  }
0x2b: {  	[tilespmem:s16+$0x13830] =	vst v0  }
0x2c: {  	[tilespmem:s16+$0x13840] =	vst v0  }
0x2d: {  	[tilespmem:s16+$0x13850] =	vst v0  }
0x2e: {  	[tilespmem:s16+$0x13860] =	vst v0  }
0x2f: {  	[tilespmem:s16+$0x13870] =	vst v0  }
0x30: {  	[spmem:s5] =	stream.linear.scatter [tilespmem:s4], [sflag:$0x2], $0x1800, $0x38;
	[tilespmem:$0x1D880] =	vst v63  }
0x31: {  	s17 =	rddreg [dreg:$0x4]  }
0x32: {  	[spmem:s17] =	stream.linear.scatter [tilespmem:s4], [sflag:$0x2], $0x1800, $0x38;
	[tilespmem:$0x1D880] =	vst v63  }
0x33: {  	s18 =	rddreg [dreg:$0x5]  }
0x34: {  	[spmem:s18] =	stream.linear.scatter [tilespmem:s4], [sflag:$0x2], $0x1800, $0x38;
	[tilespmem:$0x1D880] =	vst v63  }
0x35: {  	s17 =	rddreg [dreg:$0x6]  }
0x36: {  	[spmem:s17] =	stream.linear.scatter [tilespmem:s4], [sflag:$0x2], $0x1800, $0x38;
	[tilespmem:$0x1D880] =	vst v63  }
0x37: {  	s18 =	rddreg [dreg:$0x7]  }
0x38: {  	[spmem:s18] =	stream.linear.scatter [tilespmem:s4], [sflag:$0x2], $0x1800, $0x38;
	[tilespmem:$0x1D880] =	vst v63  }
0x39: {  	s17 =	rddreg [dreg:$0x8]  }
0x3a: {  	[spmem:s17] =	stream.linear.scatter [tilespmem:s4], [sflag:$0x2], $0x1800, $0x38;
	[tilespmem:$0x1D880] =	vst v63  }
0x3b: {  	s18 =	rddreg [dreg:$0x9]  }
0x3c: {  	[spmem:s18] =	stream.linear.scatter [tilespmem:s4], [sflag:$0x2], $0x1800, $0x38;
	[tilespmem:$0x1D880] =	vst v63  }
0x3d: {  	s17 =	rddreg [dreg:$0xc]  }
0x3e: {  	[spmem:s17] =	stream.linear.scatter [tilespmem:s4], [sflag:$0x2], $0x1800, $0x38;
	[tilespmem:$0x1D880] =	vst v63  }
0x3f: {  	_ = 	snop  }
0x40: {  	[spmem:s26] =	stream.linear.scatter [tilespmem:s4], [sflag:$0x2], $0x1800, $0x38;
	[tilespmem:$0x1D880] =	vst v63  }
0x41: {  	_ = 	snop  }
0x42: {  	[spmem:s28] =	stream.linear.scatter [tilespmem:s4], [sflag:$0x2], $0x1800, $0x38;
	[tilespmem:$0x1D880] =	vst v63  }
0x43: {  	_ = 	snop  }
0x44: {  	[spmem:s29] =	stream.linear.scatter [tilespmem:s4], [sflag:$0x2], $0x1800, $0x38;
	[tilespmem:$0x1D880] =	vst v63  }
0x45: {  	_ = 	snop  }
0x46: {  	[spmem:s30] =	stream.linear.scatter [tilespmem:s4], [sflag:$0x2], $0x1800, $0x38;
	[tilespmem:$0x1D880] =	vst v63  }
0x47: {  	_ = 	snop  }
0x48: {  	[spmem:s31] =	stream.linear.scatter [tilespmem:s4], [sflag:$0x2], $0x1800, $0x38;
	[tilespmem:$0x1D880] =	vst v63  }
0x49: {  	s16 =	simm.s32 @!p0 $0x13880  }
0x4a: {  	[spmem:s1] =	stream.linear.scatter @!p0 [tilespmem:s16], [sflag:$0x2], $0x800, $0x38;
	[tilespmem:$0x1D880] =	vst v63  }
0x4b: {  	_ =	swait.ge [sflag:s6], $0x1800  }
0x4c: {  	[sflag:s6] =	ssyncset.done $0x0  }
0x4d: {  	[sflag:s6] =	ssyncadd.s32 $0xFFFFE800  }
0x4e: {  	_ =	swait.ge [sflag:s6], $0x1800  }
0x4f: {  	[sflag:s6] =	ssyncset.done $0x0  }
0x50: {  	[sflag:s6] =	ssyncadd.s32 $0xFFFFE800  }
0x51: {  	_ =	swait.ge [sflag:s6], $0x1800  }
0x52: {  	[sflag:s6] =	ssyncset.done $0x0  }
0x53: {  	[sflag:s6] =	ssyncadd.s32 $0xFFFFE800  }
0x54: {  	_ =	swait.ge [sflag:s6], $0x1800  }
0x55: {  	[sflag:s6] =	ssyncset.done $0x0  }
0x56: {  	[sflag:s6] =	ssyncadd.s32 $0xFFFFE800  }
0x57: {  	_ =	swait.ge [sflag:s6], $0x1800  }
0x58: {  	[sflag:s6] =	ssyncset.done $0x0  }
0x59: {  	[sflag:s6] =	ssyncadd.s32 $0xFFFFE800  }
0x5a: {  	_ =	swait.ge [sflag:s6], $0x1800  }
0x5b: {  	[sflag:s6] =	ssyncset.done $0x0  }
0x5c: {  	[sflag:s6] =	ssyncadd.s32 $0xFFFFE800  }
0x5d: {  	_ =	swait.ge [sflag:s6], $0x1800  }
0x5e: {  	[sflag:s6] =	ssyncset.done $0x0  }
0x5f: {  	[sflag:s6] =	ssyncadd.s32 $0xFFFFE800  }
0x60: {  	_ =	swait.ge [sflag:s6], $0x1800  }
0x61: {  	[sflag:s6] =	ssyncset.done $0x0  }
0x62: {  	[sflag:s6] =	ssyncadd.s32 $0xFFFFE800  }
0x63: {  	_ =	swait.ge [sflag:s6], $0x1800  }
0x64: {  	[sflag:s6] =	ssyncset.done $0x0  }
0x65: {  	[sflag:s6] =	ssyncadd.s32 $0xFFFFE800  }
0x66: {  	_ =	swait.ge [sflag:s6], $0x1800  }
0x67: {  	[sflag:s6] =	ssyncset.done $0x0  }
0x68: {  	[sflag:s6] =	ssyncadd.s32 $0xFFFFE800  }
0x69: {  	_ =	swait.ge [sflag:s6], $0x1800  }
0x6a: {  	[sflag:s6] =	ssyncset.done $0x0  }
0x6b: {  	[sflag:s6] =	ssyncadd.s32 $0xFFFFE800  }
0x6c: {  	_ =	swait.ge [sflag:s6], $0x1800  }
0x6d: {  	[sflag:s6] =	ssyncset.done $0x0  }
0x6e: {  	[sflag:s6] =	ssyncadd.s32 $0xFFFFE800  }
0x6f: {  	_ =	swait.ge [sflag:s6], $0x1800  }
0x70: {  	[sflag:s6] =	ssyncset.done $0x0  }
0x71: {  	s16 =	simm.s32 @!p0 $0x2;
	[sflag:s6] =	ssyncadd.s32 $0xFFFFE800  }
0x72: {  	_ =	swait.ge @!p0 [sflag:s16], $0x800  }
0x73: {  	[sflag:s16] =	ssyncset.done @!p0 $0x0  }
0x74: {  	[sflag:s16] =	ssyncadd.s32 @!p0 $0xFFFFF800  }
0x75: {  	_ =	swait.ge [sflag:s7], $0x500  }
0x76: {  	[sflag:s7] =	ssyncset.done $0x0  }
0x77: {  	[sflag:s7] =	ssyncadd.s32 $0xFFFFFB00  }
0x78: {  	[bflag:$0x0] =	sbarrier.arrive $0xFFFF  }
0x79: {  	s18 =	rddreg [dreg:$0xa]  }
0x7a: {  	[tilespmem:s8], [sflag:$0x3] =	stream.linear.gather [hbm4b:s18+s3], $0x4000, $0x38;
	[tilespmem:$0x1D880] =	vst v63  }
0x7b: {  	s17 =	rddreg [dreg:$0xb]  }
0x7c: {  	[tilespmem:s9], [sflag:$0x4] =	stream.linear.gather [hbm4b:s17+s3], $0x4000, $0x38;
	[tilespmem:$0x1D880] =	vst v63  }
0x7d: {  	_ =	swait.ge [sflag:s10], $0x4000  }
0x7e: {  	[sflag:s10] =	ssyncset.done $0x0  }
0x7f: {  	[sflag:s10] =	ssyncadd.s32 $0xFFFFC000  }
0x80: {  	[spmem:s2] =	stream.indirect.scatter.add.f32 [tilespmem:s8], [sflag:$0x5], $0x80, s0, s11, $0xb8;
	[tilespmem:$0x1D880] =	vst v63  }
0x81: {  	_ =	swait.ge [sflag:s12], $0x4000  }
0x82: {  	[sflag:s12] =	ssyncset.done $0x0  }
0x83: {  	s18 =	rddreg [dreg:$0xe];
	[sflag:s12] =	ssyncadd.s32 $0xFFFFC000  }
0x84: {  	[tilespmem:s8], [sflag:$0x3] =	stream.linear.gather [hbm4b:s18+s3], $0x4000, $0x38;
	[tilespmem:$0x1D880] =	vst v63  }
0x85: {  	_ =	swait.ge [sflag:s13], $0x4000  }
0x86: {  	[sflag:s13] =	ssyncset.done $0x0  }
0x87: {  	s17 =	simm.s32 $0x15100;
	[sflag:s13] =	ssyncadd.s32 $0xFFFFC000  }
0x88: {  	[spmem:s2] =	stream.indirect.scatter.add.f32 [tilespmem:s9], [sflag:$0x5], $0x80, s17, s11, $0xb8;
	[tilespmem:$0x1D880] =	vst v63  }
0x89: {  	_ =	swait.ge [sflag:s12], $0x4000  }
0x8a: {  	[sflag:s12] =	ssyncset.done $0x0  }
0x8b: {  	s18 =	rddreg [dreg:$0xf];
	[sflag:s12] =	ssyncadd.s32 $0xFFFFC000  }
0x8c: {  	[tilespmem:s9], [sflag:$0x4] =	stream.linear.gather [hbm4b:s18+s3], $0x4000, $0x38;
	[tilespmem:$0x1D880] =	vst v63  }
0x8d: {  	_ =	swait.ge [sflag:s10], $0x4000  }
0x8e: {  	[sflag:s10] =	ssyncset.done $0x0  }
0x8f: {  	s17 =	simm.s32 $0x15180;
	[sflag:s10] =	ssyncadd.s32 $0xFFFFC000  }
0x90: {  	[spmem:s2] =	stream.indirect.scatter.add.f32 [tilespmem:s8], [sflag:$0x5], $0x80, s17, s11, $0xb8;
	[tilespmem:$0x1D880] =	vst v63  }
0x91: {  	_ =	swait.ge [sflag:s12], $0x4000  }
0x92: {  	[sflag:s12] =	ssyncset.done $0x0  }
0x93: {  	s18 =	rddreg [dreg:$0x10];
	[sflag:s12] =	ssyncadd.s32 $0xFFFFC000  }
0x94: {  	[tilespmem:s8], [sflag:$0x3] =	stream.linear.gather [hbm4b:s18+s3], $0x4000, $0x38;
	[tilespmem:$0x1D880] =	vst v63  }
0x95: {  	_ =	swait.ge [sflag:s13], $0x4000  }
0x96: {  	[sflag:s13] =	ssyncset.done $0x0  }
0x97: {  	s17 =	simm.s32 $0x15200;
	[sflag:s13] =	ssyncadd.s32 $0xFFFFC000  }
0x98: {  	[spmem:s2] =	stream.indirect.scatter.add.f32 [tilespmem:s9], [sflag:$0x5], $0x80, s17, s11, $0xb8;
	[tilespmem:$0x1D880] =	vst v63  }
0x99: {  	_ =	swait.ge [sflag:s12], $0x4000  }
0x9a: {  	[sflag:s12] =	ssyncset.done $0x0  }
0x9b: {  	[sflag:s12] =	ssyncadd.s32 $0xFFFFC000  }
0x9c: {  	[tilespmem:s9], [sflag:$0x4] =	stream.linear.gather [hbm4b:s19+s3], $0x4000, $0x38;
	[tilespmem:$0x1D880] =	vst v63  }
0x9d: {  	_ =	swait.ge [sflag:s10], $0x4000  }
0x9e: {  	[sflag:s10] =	ssyncset.done $0x0  }
0x9f: {  	s18 =	simm.s32 $0x15280;
	[sflag:s10] =	ssyncadd.s32 $0xFFFFC000  }
0xa0: {  	[spmem:s2] =	stream.indirect.scatter.add.f32 [tilespmem:s8], [sflag:$0x5], $0x80, s18, s11, $0xb8;
	[tilespmem:$0x1D880] =	vst v63  }
0xa1: {  	_ =	swait.ge [sflag:s12], $0x4000  }
0xa2: {  	[sflag:s12] =	ssyncset.done $0x0  }
0xa3: {  	[sflag:s12] =	ssyncadd.s32 $0xFFFFC000  }
0xa4: {  	[tilespmem:s8], [sflag:$0x3] =	stream.linear.gather [hbm4b:s20+s3], $0x4000, $0x38;
	[tilespmem:$0x1D880] =	vst v63  }
0xa5: {  	_ =	swait.ge [sflag:s13], $0x4000  }
0xa6: {  	[sflag:s13] =	ssyncset.done $0x0  }
0xa7: {  	s17 =	simm.s32 $0x15300;
	[sflag:s13] =	ssyncadd.s32 $0xFFFFC000  }
0xa8: {  	[spmem:s2] =	stream.indirect.scatter.add.f32 [tilespmem:s9], [sflag:$0x5], $0x80, s17, s11, $0xb8;
	[tilespmem:$0x1D880] =	vst v63  }
0xa9: {  	_ =	swait.ge [sflag:s12], $0x4000  }
0xaa: {  	[sflag:s12] =	ssyncset.done $0x0  }
0xab: {  	[sflag:s12] =	ssyncadd.s32 $0xFFFFC000  }
0xac: {  	[tilespmem:s9], [sflag:$0x4] =	stream.linear.gather [hbm4b:s22+s3], $0x4000, $0x38;
	[tilespmem:$0x1D880] =	vst v63  }
0xad: {  	_ =	swait.ge [sflag:s10], $0x4000  }
0xae: {  	[sflag:s10] =	ssyncset.done $0x0  }
0xaf: {  	s18 =	simm.s32 $0x15380;
	[sflag:s10] =	ssyncadd.s32 $0xFFFFC000  }
0xb0: {  	[spmem:s2] =	stream.indirect.scatter.add.f32 [tilespmem:s8], [sflag:$0x5], $0x80, s18, s11, $0xb8;
	[tilespmem:$0x1D880] =	vst v63  }
0xb1: {  	_ =	swait.ge [sflag:s12], $0x4000  }
0xb2: {  	[sflag:s12] =	ssyncset.done $0x0  }
0xb3: {  	[sflag:s12] =	ssyncadd.s32 $0xFFFFC000  }
0xb4: {  	[tilespmem:s8], [sflag:$0x3] =	stream.linear.gather [hbm4b:s23+s3], $0x4000, $0x38;
	[tilespmem:$0x1D880] =	vst v63  }
0xb5: {  	_ =	swait.ge [sflag:s13], $0x4000  }
0xb6: {  	[sflag:s13] =	ssyncset.done $0x0  }
0xb7: {  	s17 =	simm.s32 $0x15400;
	[sflag:s13] =	ssyncadd.s32 $0xFFFFC000  }
0xb8: {  	[spmem:s2] =	stream.indirect.scatter.add.f32 [tilespmem:s9], [sflag:$0x5], $0x80, s17, s11, $0xb8;
	[tilespmem:$0x1D880] =	vst v63  }
0xb9: {  	_ =	swait.ge [sflag:s12], $0x4000  }
0xba: {  	[sflag:s12] =	ssyncset.done $0x0  }
0xbb: {  	[sflag:s12] =	ssyncadd.s32 $0xFFFFC000  }
0xbc: {  	[tilespmem:s9], [sflag:$0x4] =	stream.linear.gather [hbm4b:s25+s3], $0x4000, $0x38;
	[tilespmem:$0x1D880] =	vst v63  }
0xbd: {  	_ =	swait.ge [sflag:s10], $0x4000  }
0xbe: {  	[sflag:s10] =	ssyncset.done $0x0  }
0xbf: {  	s18 =	simm.s32 $0x15480;
	[sflag:s10] =	ssyncadd.s32 $0xFFFFC000  }
0xc0: {  	[spmem:s2] =	stream.indirect.scatter.add.f32 [tilespmem:s8], [sflag:$0x5], $0x80, s18, s11, $0xb8;
	[tilespmem:$0x1D880] =	vst v63  }
0xc1: {  	_ =	swait.ge [sflag:s12], $0x4000  }
0xc2: {  	[sflag:s12] =	ssyncset.done $0x0  }
0xc3: {  	[sflag:s12] =	ssyncadd.s32 $0xFFFFC000  }
0xc4: {  	_ =	swait.ge [sflag:s13], $0x4000  }
0xc5: {  	[sflag:s13] =	ssyncset.done $0x0  }
0xc6: {  	s17 =	simm.s32 $0x15500;
	[sflag:s13] =	ssyncadd.s32 $0xFFFFC000  }
0xc7: {  	[spmem:s2] =	stream.indirect.scatter.add.f32 [tilespmem:s9], [sflag:$0x5], $0x80, s17, s11, $0xb8;
	[tilespmem:$0x1D880] =	vst v63  }
0xc8: {  	_ =	swait.ge [sflag:s12], $0x4000  }
0xc9: {  	s18 =	stileid.u32;
	[sflag:s12] =	ssyncset.done $0x0  }
0xca: {  	s16 =	sshll.u32 s18, $0x6;
	[sflag:s12] =	ssyncadd.s32 $0xFFFFC000  }
0xcb: {  	s16 =	sor.u32 $0x1C06, s16;
	s17 =	sshrl.u32 s5, $0x3;
	[bflag:$0x0] =	sbarrier.arrive $0xFFFF  }
0xcc: {  	[hbm:s21], [sflag:s16] =	dma.local [spmem:s17], $0x2700  }
0xcd: {  	s15 =	sadd.s32 $0x1, s15;
	_ =	swait.ge [sflag:s14], $0x2700  }
0xce: {  	p1 =	sne.s32 s15, s24;
	[sflag:s14] =	ssyncset.done $0x0  }
0xcf: {  	s17 =	sshrl.u32 @!p0 s1, $0x3;
	s18 =	rddreg [dreg:$0xd];
	[sflag:s14] =	ssyncadd.s32 $0xFFFFD900  }
0xd0: {  	[hbm:s18], [sflag:s16] =	dma.local @!p0 [spmem:s17], $0x100  }
.Ltmp1:
0xd1: {  	_ = 	snop;
	(pc) =	sbr.rel @p1 .LBB2_1-.Ltmp1, $4  }
0xd2: {  	s16 =	simm.s32 @!p0 $0x6  }
0xd3: {  	_ =	swait.ge @!p0 [sflag:s16], $0x100  }
0xd4: {  	[sflag:s16] =	ssyncset.done @!p0 $0x0  }
0xd5: {  	[sflag:s16] =	ssyncadd.s32 @!p0 $0xFFFFFF00  }
0xd6: {  	_ =	sfence.sel $0x180000  }
0xd7: {  	[bflag:$0x0] =	sbarrier.arrive $0xFFFF  }
0xd8: {  	_ =	strace $0x9000004D  }
0xd9: {  	s0 =	stileid.u32;
	[bflag:$0x2] =	sbarrier.arrive $0xFFFF  }
0xda: {  	p0 =	sne.s32 s0, $0x0;
	s0 =	rddreg [dreg:$0x2]  }
0xdb: {  	s0 =	sadd.s32 @!p0 $0x100000, s0  }
0xdc: {  	[sflag:s0] =	ssyncadd.tile.s32 @!p0 $0x1;
	_ =	shalt  }
.Lfunc_end2:
_tile_overlayer_lowered:
.L_overlay_start_2:
0xdd: {  	(tag) =	ssettag $0x2  }
0xde: {  	s0 =	rddreg [dreg:$0x0];
	s2 =	stileid.u32  }
0xdf: {  	s1 =	rddreg [dreg:$0x1];
	p0 =	sne.s32 s2, $0x0  }
0xe0: {  	s3 =	rddreg [dreg:$0x2];
	[bflag:$0x3] =	sbarrier.arrive $0xFFFF;
	s2 =	simm.s32 @!p0 $0x1C06  }
0xe1: {  	[timem:s3], [sflag:s2] =	dma.local @!p0 [hbm:s0], s1  }
0xe2: {  	s0 =	simm.s32 @!p0 $0x6  }
0xe3: {  	_ =	swait.ge @!p0 [sflag:s0], s1  }
0xe4: {  	s1 =	ssub.s32 @!p0 $0x0, s1;
	[sflag:s0] =	ssyncset.done @!p0 $0x0  }
0xe5: {  	[sflag:s0] =	ssyncadd.s32 @!p0 s1  }
0xe6: {  	[bflag:$0x3] =	sbarrier.arrive $0xFFFF  }
0xe7: {  	_ =	shalt  }

// kernel: kernel.15.cloned.1.call-start
scs
__scs_entry_jumppad:
0x0: {  	(pc) =	sbr.rel $0x88, $3  }
0x1: {  	(tag) =	ssettag $0x0;
	lr =	simm.s32 $0x1  }
0x2: {  	[smem:$0x3F8A] =	sst lr;
	_ =	strace $0xD0000000  }
0x3: {  	_ = 	snop  }
0x4: {  	_ = 	snop  }
0x5: {  	_ = 	snop  }
0x6: {  	_ = 	snop  }
0x7: {  	_ = 	snop  }
__scs_overlays_trampoline_lowered:
0x8: {  	[smem:$0x3F99] =	sst s0  }
0x9: {  	[smem:$0x3F9A] =	sst s1  }
0xa: {  	[smem:$0x3F9B] =	sst s2  }
0xb: {  	[smem:$0x3F9C] =	sst s3  }
0xc: {  	[smem:$0x3F9D] =	sst s4  }
0xd: {  	[smem:$0x3F9E] =	sst s5  }
0xe: {  	[smem:$0x3F9F] =	sst s6  }
0xf: {  	[smem:$0x3FA0] =	sst s7  }
0x10: {  	[smem:$0x3FA1] =	sst s8  }
0x11: {  	[smem:$0x3FA2] =	sst s9;
	s0 =	simm.s32 @!p0 $0x0  }
0x12: {  	s1 =	sld [smem:$0x3F88];
	s0 =	simm.s32 @p0 $0x1  }
0x13: {  	[smem:$0x3FA3] =	sst s0;
	s0 =	simm.s32 @!p1 $0x0  }
0x14: {  	s2 =	sld [smem:$0x3F87];
	s0 =	simm.s32 @p1 $0x1  }
0x15: {  	[smem:$0x3FA4] =	sst s0;
	s0 =	simm.s32 @!p2 $0x0  }
0x16: {  	s3 =	sld [smem:$0x3FDB];
	s0 =	simm.s32 @p2 $0x1  }
0x17: {  	s4 =	simm.s32 $0x1BF5;
	[smem:$0x3FA6] =	sst s0  }
0x18: {  	s0 =	sld [smem:$0x3F89];
	_ =	swait.ge [sflag:s4], $0x0  }
0x19: {  	s7 =	sld [smem:$0x3F8A]  }
0x1a: {  	s8 =	sadd.s32 $0xFFFFE003, lr  }
0x1b: {  	s9 =	sadd.s32 $0xFFFFFEF7, lr;
	s5 =	simm.s32 $0xFFFFFFFF;
	p2 =	slt.u32 s8, $0xFFFFF086  }
0x1c: {  	p1 =	slt.u32 s9, $0xF7A;
	s5 =	simm.s32 @!p2 $0x0  }
0x1d: {  	s5 =	simm.s32 @p1 $0x1;
	p0 =	seq.s32 s7, s2  }
0x1e: {  	s7 =	smul.u32 @!p0 $0xF7A, s2;
	p2 =	seq.s32 @!p0 s5, $0x0  }
0x1f: {  	s9 =	smul.u32 $0xF7A, s1;
	s8 =	simm.s32 @!p0 $0x1BF5;
	p2 =	por !p2, p0  }
0x20: {  	[sflag:s8] =	ssyncset.s32 @!p0 $0xFFFFF086;
	s6 =	sadd.s32 @!p0 s3, s7;
	s7 =	simm.s32 @!p0 $0x108  }
0x21: {  	s3 =	sadd.s32 s3, s9;
	s6 =	sadd.s32 @!p0 $0x88, s6;
	s7 =	simm.s32 @p2 $0x1082  }
0x22: {  	[simem:s7], [sflag:s8] =	dma.local @!p0 [hbm:s6], $0xF7A  }
0x23: {  	s9 =	sor.u32 $0xD0000000, s2;
	s6 =	simm.s32 $0x108;
	_ =	swait.ge @!p0 [sflag:s8], $0x0  }
0x24: {  	s3 =	sadd.s32 $0x88, s3;
	s6 =	simm.s32 @!p1 $0x1082;
	[sflag:s4] =	ssyncset.s32 $0xFFFFF086  }
0x25: {  	[simem:s6], [sflag:s4] =	dma.local [hbm:s3], $0xF7A  }
0x26: {  	[smem:$0x3F8A] =	sst s1;
	(tag) =	ssettag s2;
	_ =	strace s9  }
0x27: {  	s1 =	sld [smem:$0x3F9A]  }
0x28: {  	s2 =	sld [smem:$0x3F9B]  }
0x29: {  	s4 =	sld [smem:$0x3F9D]  }
0x2a: {  	p0 =	seq.s32 s5, $0x0;
	s5 =	sld [smem:$0x3F9E]  }
0x2b: {  	s6 =	sld [smem:$0x3F9F]  }
0x2c: {  	s7 =	sld [smem:$0x3FA0]  }
0x2d: {  	s3 =	simm.s32 $0x108;
	s8 =	sld [smem:$0x3FA1]  }
0x2e: {  	s3 =	simm.s32 @!p0 $0x1082;
	s9 =	sld [smem:$0x3FA2]  }
0x2f: {  	lr =	sadd.s32 s0, s3;
	s0 =	sld [smem:$0x3F99]  }
0x30: {  	s3 =	sld [smem:$0x3F9C]  }
0x31: {  	[smem:$0x3FA5] =	sst s10  }
0x32: {  	s10 =	sld [smem:$0x3FA3];
	_ =	sdelay $0x3  }
0x33: {  	p0 =	seq.s32 s10, $0x1;
	s10 =	sld [smem:$0x3FA5];
	_ =	sdelay $0x3  }
0x34: {  	[smem:$0x3FA5] =	sst s10  }
0x35: {  	s10 =	sld [smem:$0x3FA4];
	_ =	sdelay $0x3  }
0x36: {  	p1 =	seq.s32 s10, $0x1;
	s10 =	sld [smem:$0x3FA5];
	_ =	sdelay $0x3  }
0x37: {  	[smem:$0x3FA5] =	sst s10  }
0x38: {  	s10 =	sld [smem:$0x3FA6]  }
0x39: {  	_ = 	snop;
	(pc) =	sbr.ind lr, $3  }
0x3a: {  	_ = 	snop  }
0x3b: {  	_ = 	snop  }
0x3c: {  	p2 =	seq.s32 s10, $0x1;
	s10 =	sld [smem:$0x3FA5]  }
0x3d: {  	_ =	shalt  }
0x3e: {  	_ =	shalt  }
0x3f: {  	_ =	shalt  }
0x40: {  	_ =	shalt  }
0x41: {  	_ =	shalt  }
0x42: {  	_ =	shalt  }
0x43: {  	_ =	shalt  }
0x44: {  	_ =	shalt  }
0x45: {  	_ =	shalt  }
0x46: {  	_ =	shalt  }
0x47: {  	_ =	shalt  }
0x48: {  	_ =	shalt  }
0x49: {  	_ =	shalt  }
0x4a: {  	_ =	shalt  }
0x4b: {  	_ =	shalt  }
0x4c: {  	_ =	shalt  }
0x4d: {  	_ =	shalt  }
0x4e: {  	_ =	shalt  }
0x4f: {  	_ =	shalt  }
0x50: {  	_ =	shalt  }
0x51: {  	_ =	shalt  }
0x52: {  	_ =	shalt  }
0x53: {  	_ =	shalt  }
0x54: {  	_ =	shalt  }
0x55: {  	_ =	shalt  }
0x56: {  	_ =	shalt  }
0x57: {  	_ =	shalt  }
0x58: {  	_ =	shalt  }
0x59: {  	_ =	shalt  }
0x5a: {  	_ =	shalt  }
0x5b: {  	_ =	shalt  }
0x5c: {  	_ =	shalt  }
0x5d: {  	_ =	shalt  }
0x5e: {  	_ =	shalt  }
0x5f: {  	_ =	shalt  }
0x60: {  	_ =	shalt  }
0x61: {  	_ =	shalt  }
0x62: {  	_ =	shalt  }
0x63: {  	_ =	shalt  }
0x64: {  	_ =	shalt  }
0x65: {  	_ =	shalt  }
0x66: {  	_ =	shalt  }
0x67: {  	_ =	shalt  }
0x68: {  	_ =	shalt  }
0x69: {  	_ =	shalt  }
0x6a: {  	_ =	shalt  }
0x6b: {  	_ =	shalt  }
0x6c: {  	_ =	shalt  }
0x6d: {  	_ =	shalt  }
0x6e: {  	_ =	shalt  }
0x6f: {  	_ =	shalt  }
0x70: {  	_ =	shalt  }
0x71: {  	_ =	shalt  }
0x72: {  	_ =	shalt  }
0x73: {  	_ =	shalt  }
0x74: {  	_ =	shalt  }
0x75: {  	_ =	shalt  }
0x76: {  	_ =	shalt  }
0x77: {  	_ =	shalt  }
0x78: {  	_ =	shalt  }
0x79: {  	_ =	shalt  }
0x7a: {  	_ =	shalt  }
0x7b: {  	_ =	shalt  }
0x7c: {  	_ =	shalt  }
0x7d: {  	_ =	shalt  }
0x7e: {  	_ =	shalt  }
0x7f: {  	_ =	shalt  }
0x80: {  	_ =	shalt  }
0x81: {  	_ =	shalt  }
0x82: {  	_ =	shalt  }
0x83: {  	_ =	shalt  }
0x84: {  	_ =	shalt  }
0x85: {  	_ =	shalt  }
0x86: {  	_ =	shalt  }
0x87: {  	_ =	shalt  }
.Lfunc_end0:
.L_simem_size_0:
called_computation.2_lowered:
.L_overlay_start_0:
0x88: {  	s2 =	sld [smem:$0x3FD9]  }
0x89: {  	s3 =	sld [smem:$0x3FFE];
	_ =	sdelay $0x1  }
0x8a: {  	s1 =	srdreg.scid  }
0x8b: {  	s0 =	sand.u32 $0x1, s1  }
0x8c: {  	s16 =	sshll.u32 s0, $0xA;
	s2 =	sadd.s32 s3, s2  }
0x8d: {  	s2 =	sadd.s32 s2, s16  }
0x8e: {  	[smem:$0x3FB1] =	sst s2  }
0x8f: {  	_ = 	snop  }
0x90: {  	(tm) =	ssettm $0x1  }
0x91: {  	s17 =	sld [smem:$0x3FFB];
	_ =	sdelay $0x3  }
0x92: {  	_ =	strace s17  }
0x93: {  	s2 =	sld [smem:$0x3FFC];
	_ =	sdelay $0x3  }
0x94: {  	_ =	strace s2  }
0x95: {  	s2 =	sld [smem:$0x3FFD];
	_ =	sdelay $0x3  }
0x96: {  	_ =	strace s2  }
0x97: {  	_ =	strace $0x8FFFFFFF  }
0x98: {  	s18 =	sld [smem:$0x3FDB];
	_ =	sdelay $0x1  }
0x99: {  	s19 =	simm.s32 $_scs_section_size  }
0x9a: {  	s4 =	simm.s32 $_size__tile_overlayer_lowered;
	s5 =	simm.s32 $_tile_overlayer_lowered  }
0x9b: {  	s22 =	simm.s32 $0x1BFF;
	s21 =	sshll.u32 s5, $0x1;
	s2 =	sadd.s32 s19, s18  }
0x9c: {  	s6 =	simm.s32 $0x0;
	s20 =	sshll.u32 s4, $0x1;
	s4 =	sadd.s32 s21, s2  }
0x9d: {  	[timem:s6], [sflag:s22] =	dma.local [hbm:s4], s20  }
0x9e: {  	_ =	swait.ge [sflag:s22], s20  }
0x9f: {  	s3 =	ssub.s32 $0x0, s20;
	[sflag:s22] =	ssyncset.done $0x0  }
0xa0: {  	[sflag:s22] =	ssyncadd.s32 s3;
	_ =	sdelay $0x1  }
0xa1: {  	s23 =	simm.s32 $0x1B8B  }
0xa2: {  	_ =	swait.ge [sflag:s23], $0x1  }
0xa3: {  	[sflag:s23] =	ssyncset.done $0x0  }
0xa4: {  	s25 =	simm.s32 $0x1B8E;
	s24 =	sld [smem:$0x3FFE];
	[sflag:s23] =	ssyncadd.s32 $0xFFFFFFFF  }
0xa5: {  	s26 =	simm.s32 $execute0_lowered;
	[smem:$0x3FD2] =	sst s25  }
0xa6: {  	s4 =	sshll.u32 s26, $0x1;
	_ =	strace $0x80000049;
	[dreg:$0x1] =	wrdreg $0xFFFFFFFF  }
0xa7: {  	s28 =	simm.s32 $_size_execute0_lowered;
	s2 =	sadd.s32 s2, s4;
	[dreg:$0x0] =	wrdreg $0x0  }
0xa8: {  	s4 =	sshll.u32 s28, $0x1;
	[dreg:$0x2] =	wrdreg s2  }
0xa9: {  	[dreg:$0x3] =	wrdreg s4  }
0xaa: {  	[dreg:$0x4] =	wrdreg $0xC0  }
0xab: {  	_ =	task [dreg:s6], $0x5FFFF  }
0xac: {  	[dreg:$0x1] =	wrdreg $0xFFFFFFFF  }
0xad: {  	[dreg:$0x0] =	wrdreg $0x60  }
0xae: {  	[dreg:$0x2] =	wrdreg s24  }
0xaf: {  	[dreg:$0x3] =	wrdreg $0x0  }
0xb0: {  	[dreg:$0x4] =	wrdreg $0xA  }
0xb1: {  	_ =	task.clear_ibuf [dreg:s6], $0x5FFFF;
	_ =	strace $0x90000049  }
0xb2: {  	s29 =	simm.s32 $0xA;
	_ =	strace $0x8000004B  }
0xb3: {  	_ =	swait.ge [sflag:s29], $0x1  }
0xb4: {  	[sflag:s29] =	ssyncadd.s32 $0xFFFFFFFF  }
0xb5: {  	_ =	strace $0x9000004B  }
0xb6: {  	_ =	sfence  }
0xb7: {  	s30 =	sld [smem:$0x0];
	_ =	sdelay $0x2  }
0xb8: {  	s31 =	sshll.u32 s1, $0xD;
	s1 =	sshrl.u32 s1, $0x2  }
0xb9: {  	s3 =	sand.u32 $0x4000, s31;
	s1 =	sadd.s32 s1, s30  }
0xba: {  	s0 =	sor.u32 s3, s0;
	s1 =	sshll.u32 s1, $0x11  }
0xbb: {  	s0 =	sor.u32 s1, s0  }
0xbc: {  	s0 =	sadd.s32 $0x8F2B, s0  }
0xbd: {  	[sflag:s0] =	ssyncadd.remote.s32 $0x1  }
0xbe: {  	_ =	sfence.sel $0xFFFF  }
0xbf: {  	[dreg:$0x0] =	wrdreg $0xFFFFFFFF;
	(pc) =	sbr.abs _section_cstart, $3  }
0xc0: {  	[dreg:$0x1] =	wrdreg $0xFFFFFFFF  }
0xc1: {  	_ =	task.clear_ibuf [dreg:s6], $0x2FFFF;
	_ =	strace $0x9FFFFFFF  }
0xc2: {  	(tm) =	ssettm $0x7FFFFFFF  }
0xc3: {  	_ =	shalt  }
tec
execute0_lowered:
.L_overlay_start_1:
0x0: {  	(tag) =	ssettag $0x1  }
0x1: {  	s0 =	rddreg [dreg:$0x0]  }
0x2: {  	s1 =	srdreg.scid;
	s9 =	stileid.u32  }
0x3: {  	s2 =	rddreg [dreg:$0x1];
	s3 =	simm.s32 $0x0;
	s11 =	simm.s32 $0x80  }
0x4: {  	s12 =	simm.s32 $0x5;
	s1 =	sand.u32 $0x1, s1;
	s6 =	smul.u32 $0x4E000, s9  }
0x5: {  	s4 =	sshll.u32 s9, $0x1;
	[smem:$0x7FF] =	sst s3;
	s23 =	smul.u32 $0x13800, s9  }
0x6: {  	p0 =	sne.s32 s9, $0xF;
	s9 =	simm.s32 $0x19880;
	s4 =	sor.u32 s1, s4  }
0x7: {  	_ =	strace $0x8000004A;
	s13 =	ssub.s32 $0x2, s1;
	s1 =	smul.u32 $0x138800, s1  }
0x8: {  	s5 =	smul.u32 $0x5000, s4;
	s4 =	sshll.u32 s4, $0x8;
	s8 =	sshrl.u32 s13, $0x1  }
0x9: {  	s6 =	sshrl.u32 s6, $0x2;
	s4 =	sadd.s32 s4, s0;
	s8 =	ssub.s32 s13, s8  }
0xa: {  	s21 =	sshrl.u32 s1, $0x3;
	s1 =	sadd.s32 s23, s1;
	s13 =	simm.s32 $0x4  }
0xb: {  	s7 =	sadd.s32 s5, s0;
	s4 =	sadd.s32 $0x195200, s4;
	s5 =	sadd.s32 s6, s2  }
0xc: {  	s0 =	sadd.s32 $0x237200, s0;
	[dreg:$0x3] =	wrdreg s4;
	s14 =	sadd.s32 $0x1800, s5  }
0xd: {  	s1 =	sshrl.u32 s1, $0x3;
	s15 =	sadd.s32 $0x3000, s5;
	[dreg:$0x4] =	wrdreg s14  }
0xe: {  	s6 =	simm.s32 $0x2;
	s16 =	sadd.s32 $0x4800, s5;
	[dreg:$0x5] =	wrdreg s15  }
0xf: {  	s17 =	sadd.s32 $0x6000, s5;
	s18 =	sadd.s32 $0x7800, s5;
	[dreg:$0x6] =	wrdreg s16  }
0x10: {  	s19 =	sadd.s32 $0x9000, s5;
	s20 =	sadd.s32 $0x197200, s7;
	[dreg:$0x7] =	wrdreg s17  }
0x11: {  	s22 =	sadd.s32 $0x197A00, s7;
	s4 =	sadd.s32 s0, s21;
	[dreg:$0x8] =	wrdreg s18  }
0x12: {  	s10 =	sadd.s32 $0xA800, s5;
	s24 =	sadd.s32 $0x198200, s7;
	[dreg:$0x9] =	wrdreg s19  }
0x13: {  	s25 =	sadd.s32 $0x198A00, s7;
	s26 =	sadd.s32 $0x199200, s7;
	[dreg:$0xa] =	wrdreg s20  }
0x14: {  	s21 =	sadd.s32 s0, s1;
	s23 =	sadd.s32 $0x19B200, s7;
	[dreg:$0xb] =	wrdreg s22  }
0x15: {  	s28 =	sadd.s32 $0xD800, s5;
	s29 =	sadd.s32 $0xF000, s5;
	[dreg:$0xc] =	wrdreg s10  }
0x16: {  	s30 =	sadd.s32 $0x10800, s5;
	s31 =	sadd.s32 $0x12000, s5;
	[dreg:$0xe] =	wrdreg s24  }
0x17: {  	s1 =	sadd.s32 $0x138000, s2;
	s0 =	simm.s32 $0x15080;
	[dreg:$0xf] =	wrdreg s25  }
0x18: {  	s4 =	sadd.s32 $0x27000, s4;
	[dreg:$0x10] =	wrdreg s26;
	s19 =	sadd.s32 $0x199A00, s7  }
0x19: {  	s20 =	sadd.s32 $0x19A200, s7;
	s22 =	sadd.s32 $0x19AA00, s7;
	s24 =	smax.u32 s8, $0x1  }
0x1a: {  	s25 =	sadd.s32 $0x19BA00, s7;
	s26 =	sadd.s32 $0xC000, s5;
	s7 =	simm.s32 $0x1  }
0x1b: {  	s8 =	simm.s32 $0x15880;
	s10 =	simm.s32 $0x3;
	s14 =	simm.s32 $0x6  }
0x1c: {  	v0 =	vimm.f32 $0.0e+00;
	s15 =	simm.s32 $0x0;
	[dreg:$0xd] =	wrdreg s4;
	s4 =	simm.s32 $0x13880  }
.LBB2_1:
0x1d: {  	s16 =	rddreg [dreg:$0x3]  }
0x1e: {  	[tilespmem:s0], [sflag:$0x1] =	stream.linear.gather [hbm4b:s16+s3], $0x500, $0x38;
	[tilespmem:$0x1D880] =	vst v63  }
0x1f: {  	s17 =	simm.s32 $0x3C0;
	s16 =	simm.s32 $0x70  }
.LBB2_2:
0x20: {  	p1 =	sne.s32 s17, $0x5FC0;
	[tilespmem:s16+$0x13880] =	vst v0  }
0x21: {  	[tilespmem:s16+$0x13810] =	vst v0  }
0x22: {  	[tilespmem:s16+$0x13820] =	vst v0  }
.Ltmp0:
0x23: {  	[tilespmem:s16+$0x13830] =	vst v0;
	(pc) =	sbr.rel @p1 .LBB2_2-.Ltmp0, $4  }
0x24: {  	[tilespmem:s16+$0x13840] =	vst v0  }
0x25: {  	[tilespmem:s16+$0x13850] =	vst v0  }
0x26: {  	[tilespmem:s16+$0x13860] =	vst v0  }
0x27: {  	[tilespmem:s16+$0x13870] =	vst v0;
	s16 =	sshra.s32 s17, $0x2;
	s17 =	sadd.s32 $0x200, s17  }
0x28: {  	[tilespmem:s16+$0x13880] =	vst v0  }
0x29: {  	[tilespmem:s16+$0x13810] =	vst v0  }
0x2a: {  	[tilespmem:s16+$0x13820] =	vst v0  }
0x2b: {  	[tilespmem:s16+$0x13830] =	vst v0  }
0x2c: {  	[tilespmem:s16+$0x13840] =	vst v0  }
0x2d: {  	[tilespmem:s16+$0x13850] =	vst v0  }
0x2e: {  	[tilespmem:s16+$0x13860] =	vst v0  }
0x2f: {  	[tilespmem:s16+$0x13870] =	vst v0  }
0x30: {  	[spmem:s5] =	stream.linear.scatter [tilespmem:s4], [sflag:$0x2], $0x1800, $0x38;
	[tilespmem:$0x1D880] =	vst v63  }
0x31: {  	s17 =	rddreg [dreg:$0x4]  }
0x32: {  	[spmem:s17] =	stream.linear.scatter [tilespmem:s4], [sflag:$0x2], $0x1800, $0x38;
	[tilespmem:$0x1D880] =	vst v63  }
0x33: {  	s18 =	rddreg [dreg:$0x5]  }
0x34: {  	[spmem:s18] =	stream.linear.scatter [tilespmem:s4], [sflag:$0x2], $0x1800, $0x38;
	[tilespmem:$0x1D880] =	vst v63  }
0x35: {  	s17 =	rddreg [dreg:$0x6]  }
0x36: {  	[spmem:s17] =	stream.linear.scatter [tilespmem:s4], [sflag:$0x2], $0x1800, $0x38;
	[tilespmem:$0x1D880] =	vst v63  }
0x37: {  	s18 =	rddreg [dreg:$0x7]  }
0x38: {  	[spmem:s18] =	stream.linear.scatter [tilespmem:s4], [sflag:$0x2], $0x1800, $0x38;
	[tilespmem:$0x1D880] =	vst v63  }
0x39: {  	s17 =	rddreg [dreg:$0x8]  }
0x3a: {  	[spmem:s17] =	stream.linear.scatter [tilespmem:s4], [sflag:$0x2], $0x1800, $0x38;
	[tilespmem:$0x1D880] =	vst v63  }
0x3b: {  	s18 =	rddreg [dreg:$0x9]  }
0x3c: {  	[spmem:s18] =	stream.linear.scatter [tilespmem:s4], [sflag:$0x2], $0x1800, $0x38;
	[tilespmem:$0x1D880] =	vst v63  }
0x3d: {  	s17 =	rddreg [dreg:$0xc]  }
0x3e: {  	[spmem:s17] =	stream.linear.scatter [tilespmem:s4], [sflag:$0x2], $0x1800, $0x38;
	[tilespmem:$0x1D880] =	vst v63  }
0x3f: {  	_ = 	snop  }
0x40: {  	[spmem:s26] =	stream.linear.scatter [tilespmem:s4], [sflag:$0x2], $0x1800, $0x38;
	[tilespmem:$0x1D880] =	vst v63  }
0x41: {  	_ = 	snop  }
0x42: {  	[spmem:s28] =	stream.linear.scatter [tilespmem:s4], [sflag:$0x2], $0x1800, $0x38;
	[tilespmem:$0x1D880] =	vst v63  }
0x43: {  	_ = 	snop  }
0x44: {  	[spmem:s29] =	stream.linear.scatter [tilespmem:s4], [sflag:$0x2], $0x1800, $0x38;
	[tilespmem:$0x1D880] =	vst v63  }
0x45: {  	_ = 	snop  }
0x46: {  	[spmem:s30] =	stream.linear.scatter [tilespmem:s4], [sflag:$0x2], $0x1800, $0x38;
	[tilespmem:$0x1D880] =	vst v63  }
0x47: {  	_ = 	snop  }
0x48: {  	[spmem:s31] =	stream.linear.scatter [tilespmem:s4], [sflag:$0x2], $0x1800, $0x38;
	[tilespmem:$0x1D880] =	vst v63  }
0x49: {  	s16 =	simm.s32 @!p0 $0x13880  }
0x4a: {  	[spmem:s1] =	stream.linear.scatter @!p0 [tilespmem:s16], [sflag:$0x2], $0x800, $0x38;
	[tilespmem:$0x1D880] =	vst v63  }
0x4b: {  	_ =	swait.ge [sflag:s6], $0x1800  }
0x4c: {  	[sflag:s6] =	ssyncset.done $0x0  }
0x4d: {  	[sflag:s6] =	ssyncadd.s32 $0xFFFFE800  }
0x4e: {  	_ =	swait.ge [sflag:s6], $0x1800  }
0x4f: {  	[sflag:s6] =	ssyncset.done $0x0  }
0x50: {  	[sflag:s6] =	ssyncadd.s32 $0xFFFFE800  }
0x51: {  	_ =	swait.ge [sflag:s6], $0x1800  }
0x52: {  	[sflag:s6] =	ssyncset.done $0x0  }
0x53: {  	[sflag:s6] =	ssyncadd.s32 $0xFFFFE800  }
0x54: {  	_ =	swait.ge [sflag:s6], $0x1800  }
0x55: {  	[sflag:s6] =	ssyncset.done $0x0  }
0x56: {  	[sflag:s6] =	ssyncadd.s32 $0xFFFFE800  }
0x57: {  	_ =	swait.ge [sflag:s6], $0x1800  }
0x58: {  	[sflag:s6] =	ssyncset.done $0x0  }
0x59: {  	[sflag:s6] =	ssyncadd.s32 $0xFFFFE800  }
0x5a: {  	_ =	swait.ge [sflag:s6], $0x1800  }
0x5b: {  	[sflag:s6] =	ssyncset.done $0x0  }
0x5c: {  	[sflag:s6] =	ssyncadd.s32 $0xFFFFE800  }
0x5d: {  	_ =	swait.ge [sflag:s6], $0x1800  }
0x5e: {  	[sflag:s6] =	ssyncset.done $0x0  }
0x5f: {  	[sflag:s6] =	ssyncadd.s32 $0xFFFFE800  }
0x60: {  	_ =	swait.ge [sflag:s6], $0x1800  }
0x61: {  	[sflag:s6] =	ssyncset.done $0x0  }
0x62: {  	[sflag:s6] =	ssyncadd.s32 $0xFFFFE800  }
0x63: {  	_ =	swait.ge [sflag:s6], $0x1800  }
0x64: {  	[sflag:s6] =	ssyncset.done $0x0  }
0x65: {  	[sflag:s6] =	ssyncadd.s32 $0xFFFFE800  }
0x66: {  	_ =	swait.ge [sflag:s6], $0x1800  }
0x67: {  	[sflag:s6] =	ssyncset.done $0x0  }
0x68: {  	[sflag:s6] =	ssyncadd.s32 $0xFFFFE800  }
0x69: {  	_ =	swait.ge [sflag:s6], $0x1800  }
0x6a: {  	[sflag:s6] =	ssyncset.done $0x0  }
0x6b: {  	[sflag:s6] =	ssyncadd.s32 $0xFFFFE800  }
0x6c: {  	_ =	swait.ge [sflag:s6], $0x1800  }
0x6d: {  	[sflag:s6] =	ssyncset.done $0x0  }
0x6e: {  	[sflag:s6] =	ssyncadd.s32 $0xFFFFE800  }
0x6f: {  	_ =	swait.ge [sflag:s6], $0x1800  }
0x70: {  	[sflag:s6] =	ssyncset.done $0x0  }
0x71: {  	s16 =	simm.s32 @!p0 $0x2;
	[sflag:s6] =	ssyncadd.s32 $0xFFFFE800  }
0x72: {  	_ =	swait.ge @!p0 [sflag:s16], $0x800  }
0x73: {  	[sflag:s16] =	ssyncset.done @!p0 $0x0  }
0x74: {  	[sflag:s16] =	ssyncadd.s32 @!p0 $0xFFFFF800  }
0x75: {  	_ =	swait.ge [sflag:s7], $0x500  }
0x76: {  	[sflag:s7] =	ssyncset.done $0x0  }
0x77: {  	[sflag:s7] =	ssyncadd.s32 $0xFFFFFB00  }
0x78: {  	[bflag:$0x0] =	sbarrier.arrive $0xFFFF  }
0x79: {  	s18 =	rddreg [dreg:$0xa]  }
0x7a: {  	[tilespmem:s8], [sflag:$0x3] =	stream.linear.gather [hbm4b:s18+s3], $0x4000, $0x38;
	[tilespmem:$0x1D880] =	vst v63  }
0x7b: {  	s17 =	rddreg [dreg:$0xb]  }
0x7c: {  	[tilespmem:s9], [sflag:$0x4] =	stream.linear.gather [hbm4b:s17+s3], $0x4000, $0x38;
	[tilespmem:$0x1D880] =	vst v63  }
0x7d: {  	_ =	swait.ge [sflag:s10], $0x4000  }
0x7e: {  	[sflag:s10] =	ssyncset.done $0x0  }
0x7f: {  	[sflag:s10] =	ssyncadd.s32 $0xFFFFC000  }
0x80: {  	[spmem:s2] =	stream.indirect.scatter.add.f32 [tilespmem:s8], [sflag:$0x5], $0x80, s0, s11, $0xb8;
	[tilespmem:$0x1D880] =	vst v63  }
0x81: {  	_ =	swait.ge [sflag:s12], $0x4000  }
0x82: {  	[sflag:s12] =	ssyncset.done $0x0  }
0x83: {  	s18 =	rddreg [dreg:$0xe];
	[sflag:s12] =	ssyncadd.s32 $0xFFFFC000  }
0x84: {  	[tilespmem:s8], [sflag:$0x3] =	stream.linear.gather [hbm4b:s18+s3], $0x4000, $0x38;
	[tilespmem:$0x1D880] =	vst v63  }
0x85: {  	_ =	swait.ge [sflag:s13], $0x4000  }
0x86: {  	[sflag:s13] =	ssyncset.done $0x0  }
0x87: {  	s17 =	simm.s32 $0x15100;
	[sflag:s13] =	ssyncadd.s32 $0xFFFFC000  }
0x88: {  	[spmem:s2] =	stream.indirect.scatter.add.f32 [tilespmem:s9], [sflag:$0x5], $0x80, s17, s11, $0xb8;
	[tilespmem:$0x1D880] =	vst v63  }
0x89: {  	_ =	swait.ge [sflag:s12], $0x4000  }
0x8a: {  	[sflag:s12] =	ssyncset.done $0x0  }
0x8b: {  	s18 =	rddreg [dreg:$0xf];
	[sflag:s12] =	ssyncadd.s32 $0xFFFFC000  }
0x8c: {  	[tilespmem:s9], [sflag:$0x4] =	stream.linear.gather [hbm4b:s18+s3], $0x4000, $0x38;
	[tilespmem:$0x1D880] =	vst v63  }
0x8d: {  	_ =	swait.ge [sflag:s10], $0x4000  }
0x8e: {  	[sflag:s10] =	ssyncset.done $0x0  }
0x8f: {  	s17 =	simm.s32 $0x15180;
	[sflag:s10] =	ssyncadd.s32 $0xFFFFC000  }
0x90: {  	[spmem:s2] =	stream.indirect.scatter.add.f32 [tilespmem:s8], [sflag:$0x5], $0x80, s17, s11, $0xb8;
	[tilespmem:$0x1D880] =	vst v63  }
0x91: {  	_ =	swait.ge [sflag:s12], $0x4000  }
0x92: {  	[sflag:s12] =	ssyncset.done $0x0  }
0x93: {  	s18 =	rddreg [dreg:$0x10];
	[sflag:s12] =	ssyncadd.s32 $0xFFFFC000  }
0x94: {  	[tilespmem:s8], [sflag:$0x3] =	stream.linear.gather [hbm4b:s18+s3], $0x4000, $0x38;
	[tilespmem:$0x1D880] =	vst v63  }
0x95: {  	_ =	swait.ge [sflag:s13], $0x4000  }
0x96: {  	[sflag:s13] =	ssyncset.done $0x0  }
0x97: {  	s17 =	simm.s32 $0x15200;
	[sflag:s13] =	ssyncadd.s32 $0xFFFFC000  }
0x98: {  	[spmem:s2] =	stream.indirect.scatter.add.f32 [tilespmem:s9], [sflag:$0x5], $0x80, s17, s11, $0xb8;
	[tilespmem:$0x1D880] =	vst v63  }
0x99: {  	_ =	swait.ge [sflag:s12], $0x4000  }
0x9a: {  	[sflag:s12] =	ssyncset.done $0x0  }
0x9b: {  	[sflag:s12] =	ssyncadd.s32 $0xFFFFC000  }
0x9c: {  	[tilespmem:s9], [sflag:$0x4] =	stream.linear.gather [hbm4b:s19+s3], $0x4000, $0x38;
	[tilespmem:$0x1D880] =	vst v63  }
0x9d: {  	_ =	swait.ge [sflag:s10], $0x4000  }
0x9e: {  	[sflag:s10] =	ssyncset.done $0x0  }
0x9f: {  	s18 =	simm.s32 $0x15280;
	[sflag:s10] =	ssyncadd.s32 $0xFFFFC000  }
0xa0: {  	[spmem:s2] =	stream.indirect.scatter.add.f32 [tilespmem:s8], [sflag:$0x5], $0x80, s18, s11, $0xb8;
	[tilespmem:$0x1D880] =	vst v63  }
0xa1: {  	_ =	swait.ge [sflag:s12], $0x4000  }
0xa2: {  	[sflag:s12] =	ssyncset.done $0x0  }
0xa3: {  	[sflag:s12] =	ssyncadd.s32 $0xFFFFC000  }
0xa4: {  	[tilespmem:s8], [sflag:$0x3] =	stream.linear.gather [hbm4b:s20+s3], $0x4000, $0x38;
	[tilespmem:$0x1D880] =	vst v63  }
0xa5: {  	_ =	swait.ge [sflag:s13], $0x4000  }
0xa6: {  	[sflag:s13] =	ssyncset.done $0x0  }
0xa7: {  	s17 =	simm.s32 $0x15300;
	[sflag:s13] =	ssyncadd.s32 $0xFFFFC000  }
0xa8: {  	[spmem:s2] =	stream.indirect.scatter.add.f32 [tilespmem:s9], [sflag:$0x5], $0x80, s17, s11, $0xb8;
	[tilespmem:$0x1D880] =	vst v63  }
0xa9: {  	_ =	swait.ge [sflag:s12], $0x4000  }
0xaa: {  	[sflag:s12] =	ssyncset.done $0x0  }
0xab: {  	[sflag:s12] =	ssyncadd.s32 $0xFFFFC000  }
0xac: {  	[tilespmem:s9], [sflag:$0x4] =	stream.linear.gather [hbm4b:s22+s3], $0x4000, $0x38;
	[tilespmem:$0x1D880] =	vst v63  }
0xad: {  	_ =	swait.ge [sflag:s10], $0x4000  }
0xae: {  	[sflag:s10] =	ssyncset.done $0x0  }
0xaf: {  	s18 =	simm.s32 $0x15380;
	[sflag:s10] =	ssyncadd.s32 $0xFFFFC000  }
0xb0: {  	[spmem:s2] =	stream.indirect.scatter.add.f32 [tilespmem:s8], [sflag:$0x5], $0x80, s18, s11, $0xb8;
	[tilespmem:$0x1D880] =	vst v63  }
0xb1: {  	_ =	swait.ge [sflag:s12], $0x4000  }
0xb2: {  	[sflag:s12] =	ssyncset.done $0x0  }
0xb3: {  	[sflag:s12] =	ssyncadd.s32 $0xFFFFC000  }
0xb4: {  	[tilespmem:s8], [sflag:$0x3] =	stream.linear.gather [hbm4b:s23+s3], $0x4000, $0x38;
	[tilespmem:$0x1D880] =	vst v63  }
0xb5: {  	_ =	swait.ge [sflag:s13], $0x4000  }
0xb6: {  	[sflag:s13] =	ssyncset.done $0x0  }
0xb7: {  	s17 =	simm.s32 $0x15400;
	[sflag:s13] =	ssyncadd.s32 $0xFFFFC000  }
0xb8: {  	[spmem:s2] =	stream.indirect.scatter.add.f32 [tilespmem:s9], [sflag:$0x5], $0x80, s17, s11, $0xb8;
	[tilespmem:$0x1D880] =	vst v63  }
0xb9: {  	_ =	swait.ge [sflag:s12], $0x4000  }
0xba: {  	[sflag:s12] =	ssyncset.done $0x0  }
0xbb: {  	[sflag:s12] =	ssyncadd.s32 $0xFFFFC000  }
0xbc: {  	[tilespmem:s9], [sflag:$0x4] =	stream.linear.gather [hbm4b:s25+s3], $0x4000, $0x38;
	[tilespmem:$0x1D880] =	vst v63  }
0xbd: {  	_ =	swait.ge [sflag:s10], $0x4000  }
0xbe: {  	[sflag:s10] =	ssyncset.done $0x0  }
0xbf: {  	s18 =	simm.s32 $0x15480;
	[sflag:s10] =	ssyncadd.s32 $0xFFFFC000  }
0xc0: {  	[spmem:s2] =	stream.indirect.scatter.add.f32 [tilespmem:s8], [sflag:$0x5], $0x80, s18, s11, $0xb8;
	[tilespmem:$0x1D880] =	vst v63  }
0xc1: {  	_ =	swait.ge [sflag:s12], $0x4000  }
0xc2: {  	[sflag:s12] =	ssyncset.done $0x0  }
0xc3: {  	[sflag:s12] =	ssyncadd.s32 $0xFFFFC000  }
0xc4: {  	_ =	swait.ge [sflag:s13], $0x4000  }
0xc5: {  	[sflag:s13] =	ssyncset.done $0x0  }
0xc6: {  	s17 =	simm.s32 $0x15500;
	[sflag:s13] =	ssyncadd.s32 $0xFFFFC000  }
0xc7: {  	[spmem:s2] =	stream.indirect.scatter.add.f32 [tilespmem:s9], [sflag:$0x5], $0x80, s17, s11, $0xb8;
	[tilespmem:$0x1D880] =	vst v63  }
0xc8: {  	_ =	swait.ge [sflag:s12], $0x4000  }
0xc9: {  	s18 =	stileid.u32;
	[sflag:s12] =	ssyncset.done $0x0  }
0xca: {  	s16 =	sshll.u32 s18, $0x6;
	[sflag:s12] =	ssyncadd.s32 $0xFFFFC000  }
0xcb: {  	s16 =	sor.u32 $0x1C06, s16;
	s17 =	sshrl.u32 s5, $0x3;
	[bflag:$0x0] =	sbarrier.arrive $0xFFFF  }
0xcc: {  	[hbm:s21], [sflag:s16] =	dma.local [spmem:s17], $0x2700  }
0xcd: {  	s15 =	sadd.s32 $0x1, s15;
	_ =	swait.ge [sflag:s14], $0x2700  }
0xce: {  	p1 =	sne.s32 s15, s24;
	[sflag:s14] =	ssyncset.done $0x0  }
0xcf: {  	s17 =	sshrl.u32 @!p0 s1, $0x3;
	s18 =	rddreg [dreg:$0xd];
	[sflag:s14] =	ssyncadd.s32 $0xFFFFD900  }
0xd0: {  	[hbm:s18], [sflag:s16] =	dma.local @!p0 [spmem:s17], $0x100  }
.Ltmp1:
0xd1: {  	_ = 	snop;
	(pc) =	sbr.rel @p1 .LBB2_1-.Ltmp1, $4  }
0xd2: {  	s16 =	simm.s32 @!p0 $0x6  }
0xd3: {  	_ =	swait.ge @!p0 [sflag:s16], $0x100  }
0xd4: {  	[sflag:s16] =	ssyncset.done @!p0 $0x0  }
0xd5: {  	[sflag:s16] =	ssyncadd.s32 @!p0 $0xFFFFFF00  }
0xd6: {  	_ =	sfence.sel $0x180000  }
0xd7: {  	[bflag:$0x0] =	sbarrier.arrive $0xFFFF  }
0xd8: {  	_ =	strace $0x9000004A  }
0xd9: {  	s0 =	stileid.u32;
	[bflag:$0x2] =	sbarrier.arrive $0xFFFF  }
0xda: {  	p0 =	sne.s32 s0, $0x0;
	s0 =	rddreg [dreg:$0x2]  }
0xdb: {  	s0 =	sadd.s32 @!p0 $0x100000, s0  }
0xdc: {  	[sflag:s0] =	ssyncadd.tile.s32 @!p0 $0x1;
	_ =	shalt  }
.Lfunc_end2:
_tile_overlayer_lowered:
.L_overlay_start_2:
0xdd: {  	(tag) =	ssettag $0x2  }
0xde: {  	s0 =	rddreg [dreg:$0x0];
	s2 =	stileid.u32  }
0xdf: {  	s1 =	rddreg [dreg:$0x1];
	p0 =	sne.s32 s2, $0x0  }
0xe0: {  	s3 =	rddreg [dreg:$0x2];
	[bflag:$0x3] =	sbarrier.arrive $0xFFFF;
	s2 =	simm.s32 @!p0 $0x1C06  }
0xe1: {  	[timem:s3], [sflag:s2] =	dma.local @!p0 [hbm:s0], s1  }
0xe2: {  	s0 =	simm.s32 @!p0 $0x6  }
0xe3: {  	_ =	swait.ge @!p0 [sflag:s0], s1  }
0xe4: {  	s1 =	ssub.s32 @!p0 $0x0, s1;
	[sflag:s0] =	ssyncset.done @!p0 $0x0  }
0xe5: {  	[sflag:s0] =	ssyncadd.s32 @!p0 s1  }
0xe6: {  	[bflag:$0x3] =	sbarrier.arrive $0xFFFF  }
0xe7: {  	_ =	shalt  }

// kernel: kernel.9.cloned.1.call-start
scs
__scs_entry_jumppad:
0x0: {  	(pc) =	sbr.rel $0x88, $3  }
0x1: {  	(tag) =	ssettag $0x0;
	lr =	simm.s32 $0x1  }
0x2: {  	[smem:$0x3F8A] =	sst lr;
	_ =	strace $0xD0000000  }
0x3: {  	_ = 	snop  }
0x4: {  	_ = 	snop  }
0x5: {  	_ = 	snop  }
0x6: {  	_ = 	snop  }
0x7: {  	_ = 	snop  }
__scs_overlays_trampoline_lowered:
0x8: {  	[smem:$0x3F99] =	sst s0  }
0x9: {  	[smem:$0x3F9A] =	sst s1  }
0xa: {  	[smem:$0x3F9B] =	sst s2  }
0xb: {  	[smem:$0x3F9C] =	sst s3  }
0xc: {  	[smem:$0x3F9D] =	sst s4  }
0xd: {  	[smem:$0x3F9E] =	sst s5  }
0xe: {  	[smem:$0x3F9F] =	sst s6  }
0xf: {  	[smem:$0x3FA0] =	sst s7  }
0x10: {  	[smem:$0x3FA1] =	sst s8  }
0x11: {  	[smem:$0x3FA2] =	sst s9;
	s0 =	simm.s32 @!p0 $0x0  }
0x12: {  	s1 =	sld [smem:$0x3F88];
	s0 =	simm.s32 @p0 $0x1  }
0x13: {  	[smem:$0x3FA3] =	sst s0;
	s0 =	simm.s32 @!p1 $0x0  }
0x14: {  	s2 =	sld [smem:$0x3F87];
	s0 =	simm.s32 @p1 $0x1  }
0x15: {  	[smem:$0x3FA4] =	sst s0;
	s0 =	simm.s32 @!p2 $0x0  }
0x16: {  	s3 =	sld [smem:$0x3FDB];
	s0 =	simm.s32 @p2 $0x1  }
0x17: {  	s4 =	simm.s32 $0x1BF5;
	[smem:$0x3FA6] =	sst s0  }
0x18: {  	s0 =	sld [smem:$0x3F89];
	_ =	swait.ge [sflag:s4], $0x0  }
0x19: {  	s7 =	sld [smem:$0x3F8A]  }
0x1a: {  	s8 =	sadd.s32 $0xFFFFE003, lr  }
0x1b: {  	s9 =	sadd.s32 $0xFFFFFEF7, lr;
	s5 =	simm.s32 $0xFFFFFFFF;
	p2 =	slt.u32 s8, $0xFFFFF086  }
0x1c: {  	p1 =	slt.u32 s9, $0xF7A;
	s5 =	simm.s32 @!p2 $0x0  }
0x1d: {  	s5 =	simm.s32 @p1 $0x1;
	p0 =	seq.s32 s7, s2  }
0x1e: {  	s7 =	smul.u32 @!p0 $0xF7A, s2;
	p2 =	seq.s32 @!p0 s5, $0x0  }
0x1f: {  	s9 =	smul.u32 $0xF7A, s1;
	s8 =	simm.s32 @!p0 $0x1BF5;
	p2 =	por !p2, p0  }
0x20: {  	[sflag:s8] =	ssyncset.s32 @!p0 $0xFFFFF086;
	s6 =	sadd.s32 @!p0 s3, s7;
	s7 =	simm.s32 @!p0 $0x108  }
0x21: {  	s3 =	sadd.s32 s3, s9;
	s6 =	sadd.s32 @!p0 $0x88, s6;
	s7 =	simm.s32 @p2 $0x1082  }
0x22: {  	[simem:s7], [sflag:s8] =	dma.local @!p0 [hbm:s6], $0xF7A  }
0x23: {  	s9 =	sor.u32 $0xD0000000, s2;
	s6 =	simm.s32 $0x108;
	_ =	swait.ge @!p0 [sflag:s8], $0x0  }
0x24: {  	s3 =	sadd.s32 $0x88, s3;
	s6 =	simm.s32 @!p1 $0x1082;
	[sflag:s4] =	ssyncset.s32 $0xFFFFF086  }
0x25: {  	[simem:s6], [sflag:s4] =	dma.local [hbm:s3], $0xF7A  }
0x26: {  	[smem:$0x3F8A] =	sst s1;
	(tag) =	ssettag s2;
	_ =	strace s9  }
0x27: {  	s1 =	sld [smem:$0x3F9A]  }
0x28: {  	s2 =	sld [smem:$0x3F9B]  }
0x29: {  	s4 =	sld [smem:$0x3F9D]  }
0x2a: {  	p0 =	seq.s32 s5, $0x0;
	s5 =	sld [smem:$0x3F9E]  }
0x2b: {  	s6 =	sld [smem:$0x3F9F]  }
0x2c: {  	s7 =	sld [smem:$0x3FA0]  }
0x2d: {  	s3 =	simm.s32 $0x108;
	s8 =	sld [smem:$0x3FA1]  }
0x2e: {  	s3 =	simm.s32 @!p0 $0x1082;
	s9 =	sld [smem:$0x3FA2]  }
0x2f: {  	lr =	sadd.s32 s0, s3;
	s0 =	sld [smem:$0x3F99]  }
0x30: {  	s3 =	sld [smem:$0x3F9C]  }
0x31: {  	[smem:$0x3FA5] =	sst s10  }
0x32: {  	s10 =	sld [smem:$0x3FA3];
	_ =	sdelay $0x3  }
0x33: {  	p0 =	seq.s32 s10, $0x1;
	s10 =	sld [smem:$0x3FA5];
	_ =	sdelay $0x3  }
0x34: {  	[smem:$0x3FA5] =	sst s10  }
0x35: {  	s10 =	sld [smem:$0x3FA4];
	_ =	sdelay $0x3  }
0x36: {  	p1 =	seq.s32 s10, $0x1;
	s10 =	sld [smem:$0x3FA5];
	_ =	sdelay $0x3  }
0x37: {  	[smem:$0x3FA5] =	sst s10  }
0x38: {  	s10 =	sld [smem:$0x3FA6]  }
0x39: {  	_ = 	snop;
	(pc) =	sbr.ind lr, $3  }
0x3a: {  	_ = 	snop  }
0x3b: {  	_ = 	snop  }
0x3c: {  	p2 =	seq.s32 s10, $0x1;
	s10 =	sld [smem:$0x3FA5]  }
0x3d: {  	_ =	shalt  }
0x3e: {  	_ =	shalt  }
0x3f: {  	_ =	shalt  }
0x40: {  	_ =	shalt  }
0x41: {  	_ =	shalt  }
0x42: {  	_ =	shalt  }
0x43: {  	_ =	shalt  }
0x44: {  	_ =	shalt  }
0x45: {  	_ =	shalt  }
0x46: {  	_ =	shalt  }
0x47: {  	_ =	shalt  }
0x48: {  	_ =	shalt  }
0x49: {  	_ =	shalt  }
0x4a: {  	_ =	shalt  }
0x4b: {  	_ =	shalt  }
0x4c: {  	_ =	shalt  }
0x4d: {  	_ =	shalt  }
0x4e: {  	_ =	shalt  }
0x4f: {  	_ =	shalt  }
0x50: {  	_ =	shalt  }
0x51: {  	_ =	shalt  }
0x52: {  	_ =	shalt  }
0x53: {  	_ =	shalt  }
0x54: {  	_ =	shalt  }
0x55: {  	_ =	shalt  }
0x56: {  	_ =	shalt  }
0x57: {  	_ =	shalt  }
0x58: {  	_ =	shalt  }
0x59: {  	_ =	shalt  }
0x5a: {  	_ =	shalt  }
0x5b: {  	_ =	shalt  }
0x5c: {  	_ =	shalt  }
0x5d: {  	_ =	shalt  }
0x5e: {  	_ =	shalt  }
0x5f: {  	_ =	shalt  }
0x60: {  	_ =	shalt  }
0x61: {  	_ =	shalt  }
0x62: {  	_ =	shalt  }
0x63: {  	_ =	shalt  }
0x64: {  	_ =	shalt  }
0x65: {  	_ =	shalt  }
0x66: {  	_ =	shalt  }
0x67: {  	_ =	shalt  }
0x68: {  	_ =	shalt  }
0x69: {  	_ =	shalt  }
0x6a: {  	_ =	shalt  }
0x6b: {  	_ =	shalt  }
0x6c: {  	_ =	shalt  }
0x6d: {  	_ =	shalt  }
0x6e: {  	_ =	shalt  }
0x6f: {  	_ =	shalt  }
0x70: {  	_ =	shalt  }
0x71: {  	_ =	shalt  }
0x72: {  	_ =	shalt  }
0x73: {  	_ =	shalt  }
0x74: {  	_ =	shalt  }
0x75: {  	_ =	shalt  }
0x76: {  	_ =	shalt  }
0x77: {  	_ =	shalt  }
0x78: {  	_ =	shalt  }
0x79: {  	_ =	shalt  }
0x7a: {  	_ =	shalt  }
0x7b: {  	_ =	shalt  }
0x7c: {  	_ =	shalt  }
0x7d: {  	_ =	shalt  }
0x7e: {  	_ =	shalt  }
0x7f: {  	_ =	shalt  }
0x80: {  	_ =	shalt  }
0x81: {  	_ =	shalt  }
0x82: {  	_ =	shalt  }
0x83: {  	_ =	shalt  }
0x84: {  	_ =	shalt  }
0x85: {  	_ =	shalt  }
0x86: {  	_ =	shalt  }
0x87: {  	_ =	shalt  }
.Lfunc_end0:
.L_simem_size_0:
called_computation_lowered:
.L_overlay_start_0:
0x88: {  	s2 =	sld [smem:$0x3FD9]  }
0x89: {  	s3 =	sld [smem:$0x3FFE];
	_ =	sdelay $0x1  }
0x8a: {  	s1 =	srdreg.scid  }
0x8b: {  	s0 =	sand.u32 $0x1, s1  }
0x8c: {  	s16 =	sshll.u32 s0, $0xA;
	s2 =	sadd.s32 s3, s2  }
0x8d: {  	s2 =	sadd.s32 s2, s16  }
0x8e: {  	[smem:$0x3FB1] =	sst s2  }
0x8f: {  	_ = 	snop  }
0x90: {  	(tm) =	ssettm $0x1  }
0x91: {  	s17 =	sld [smem:$0x3FFB];
	_ =	sdelay $0x3  }
0x92: {  	_ =	strace s17  }
0x93: {  	s2 =	sld [smem:$0x3FFC];
	_ =	sdelay $0x3  }
0x94: {  	_ =	strace s2  }
0x95: {  	s2 =	sld [smem:$0x3FFD];
	_ =	sdelay $0x3  }
0x96: {  	_ =	strace s2  }
0x97: {  	_ =	strace $0x8FFFFFFF  }
0x98: {  	s18 =	sld [smem:$0x3FDB];
	_ =	sdelay $0x1  }
0x99: {  	s19 =	simm.s32 $_scs_section_size  }
0x9a: {  	s4 =	simm.s32 $_size__tile_overlayer_lowered;
	s5 =	simm.s32 $_tile_overlayer_lowered  }
0x9b: {  	s22 =	simm.s32 $0x1BFF;
	s21 =	sshll.u32 s5, $0x1;
	s2 =	sadd.s32 s19, s18  }
0x9c: {  	s6 =	simm.s32 $0x0;
	s20 =	sshll.u32 s4, $0x1;
	s4 =	sadd.s32 s21, s2  }
0x9d: {  	[timem:s6], [sflag:s22] =	dma.local [hbm:s4], s20  }
0x9e: {  	_ =	swait.ge [sflag:s22], s20  }
0x9f: {  	s3 =	ssub.s32 $0x0, s20;
	[sflag:s22] =	ssyncset.done $0x0  }
0xa0: {  	[sflag:s22] =	ssyncadd.s32 s3;
	_ =	sdelay $0x1  }
0xa1: {  	s23 =	simm.s32 $0x1B8B  }
0xa2: {  	_ =	swait.ge [sflag:s23], $0x1  }
0xa3: {  	[sflag:s23] =	ssyncset.done $0x0  }
0xa4: {  	s25 =	simm.s32 $0x1B8E;
	s24 =	sld [smem:$0x3FFE];
	[sflag:s23] =	ssyncadd.s32 $0xFFFFFFFF  }
0xa5: {  	s26 =	simm.s32 $execute0_lowered;
	[smem:$0x3FD2] =	sst s25  }
0xa6: {  	s4 =	sshll.u32 s26, $0x1;
	_ =	strace $0x80000046;
	[dreg:$0x1] =	wrdreg $0xFFFFFFFF  }
0xa7: {  	s28 =	simm.s32 $_size_execute0_lowered;
	s2 =	sadd.s32 s2, s4;
	[dreg:$0x0] =	wrdreg $0x0  }
0xa8: {  	s4 =	sshll.u32 s28, $0x1;
	[dreg:$0x2] =	wrdreg s2  }
0xa9: {  	[dreg:$0x3] =	wrdreg s4  }
0xaa: {  	[dreg:$0x4] =	wrdreg $0xC0  }
0xab: {  	_ =	task [dreg:s6], $0x5FFFF  }
0xac: {  	[dreg:$0x1] =	wrdreg $0xFFFFFFFF  }
0xad: {  	[dreg:$0x0] =	wrdreg $0x60  }
0xae: {  	[dreg:$0x2] =	wrdreg s24  }
0xaf: {  	[dreg:$0x3] =	wrdreg $0x0  }
0xb0: {  	[dreg:$0x4] =	wrdreg $0x9  }
0xb1: {  	_ =	task.clear_ibuf [dreg:s6], $0x5FFFF;
	_ =	strace $0x90000046  }
0xb2: {  	s29 =	simm.s32 $0x9;
	_ =	strace $0x80000048  }
0xb3: {  	_ =	swait.ge [sflag:s29], $0x1  }
0xb4: {  	[sflag:s29] =	ssyncadd.s32 $0xFFFFFFFF  }
0xb5: {  	_ =	strace $0x90000048  }
0xb6: {  	_ =	sfence  }
0xb7: {  	s30 =	sld [smem:$0x0];
	_ =	sdelay $0x2  }
0xb8: {  	s31 =	sshll.u32 s1, $0xD;
	s1 =	sshrl.u32 s1, $0x2  }
0xb9: {  	s3 =	sand.u32 $0x4000, s31;
	s1 =	sadd.s32 s1, s30  }
0xba: {  	s0 =	sor.u32 s3, s0;
	s1 =	sshll.u32 s1, $0x11  }
0xbb: {  	s0 =	sor.u32 s1, s0  }
0xbc: {  	s0 =	sadd.s32 $0x8F2B, s0  }
0xbd: {  	[sflag:s0] =	ssyncadd.remote.s32 $0x1  }
0xbe: {  	_ =	sfence.sel $0xFFFF  }
0xbf: {  	[dreg:$0x0] =	wrdreg $0xFFFFFFFF;
	(pc) =	sbr.abs _section_cstart, $3  }
0xc0: {  	[dreg:$0x1] =	wrdreg $0xFFFFFFFF  }
0xc1: {  	_ =	task.clear_ibuf [dreg:s6], $0x2FFFF;
	_ =	strace $0x9FFFFFFF  }
0xc2: {  	(tm) =	ssettm $0x7FFFFFFF  }
0xc3: {  	_ =	shalt  }
tec
execute0_lowered:
.L_overlay_start_1:
0x0: {  	(tag) =	ssettag $0x1  }
0x1: {  	s7 =	rddreg [dreg:$0x0]  }
0x2: {  	s2 =	rddreg [dreg:$0x1];
	s1 =	stileid.u32  }
0x3: {  	s3 =	srdreg.scid;
	s0 =	rddreg [dreg:$0x2];
	s18 =	simm.s32 $0x14480  }
0x4: {  	s19 =	simm.s32 $0x13900;
	s20 =	simm.s32 $0x18480;
	s21 =	simm.s32 $0x3  }
0x5: {  	s22 =	simm.s32 $0x4;
	s23 =	simm.s32 $0x5;
	s24 =	simm.s32 $0x6  }
0x6: {  	s25 =	simm.s32 $0x0;
	s10 =	sand.u32 $0x1, s3;
	s5 =	smul.u32 $0x2700, s1  }
0x7: {  	s4 =	sshll.u32 s1, $0x1;
	s3 =	simm.s32 $0x0;
	s9 =	smul.u32 $0x4E000, s1  }
0x8: {  	s12 =	sadd.s32 $0x55200, s7;
	s28 =	smul.u32 $0x28, s1;
	s29 =	sshll.u32 s1, $0x6  }
0x9: {  	s15 =	sadd.s32 $0x138000, s2;
	s31 =	smul.u32 $0x14000, s1;
	p0 =	sne.s32 s1, $0xF  }
0xa: {  	s8 =	sor.u32 s10, s4;
	[smem:$0x7FF] =	sst s3;
	s13 =	smul.u32 $0x14, s10  }
0xb: {  	s6 =	ssub.s32 $0x2, s10;
	s17 =	smul.u32 $0xA000, s10;
	s15 =	sshrl.u32 @!p0 s15, $0x3  }
0xc: {  	s4 =	smul.u32 $0x180, s8;
	_ =	strace $0x80000047;
	s5 =	sadd.s32 s5, s7  }
0xd: {  	s11 =	sshrl.u32 s6, $0x1;
	s26 =	sshrl.u32 s9, $0x2;
	s16 =	smul.u32 $0xA000, s8  }
0xe: {  	s11 =	ssub.s32 s6, s11;
	s14 =	sadd.s32 s26, s2;
	s5 =	sadd.s32 $0x2E000, s5  }
0xf: {  	s6 =	sor.u32 $0x1C02, s29;
	s9 =	sadd.s32 s13, s28;
	s4 =	sadd.s32 s4, s7  }
0x10: {  	s7 =	sadd.s32 $0x55000, s7;
	s8 =	smax.u32 s11, $0x1;
	s30 =	sadd.s32 s12, s16  }
0x11: {  	s13 =	sshll.u32 s9, $0xB;
	s14 =	sshrl.u32 s14, $0x3;
	s16 =	simm.s32 $0x1  }
0x12: {  	s4 =	sadd.s32 $0x2B000, s4;
	s9 =	sadd.s32 $0x9000, s30;
	s13 =	sadd.s32 s13, s12  }
0x13: {  	s10 =	sadd.s32 $0x9800, s30;
	s12 =	sadd.s32 s31, s12;
	s11 =	sadd.s32 $0x800, s13  }
0x14: {  	s12 =	sadd.s32 s17, s12;
	s13 =	simm.s32 $0x13880;
	s17 =	simm.s32 $0x80  }
.LBB2_1:
0x15: {  	[tilespmem:s13], [sflag:$0x1] =	stream.linear.gather [hbm4b:s4+s3], $0xA00, $0x38;
	[tilespmem:$0x1C480] =	vst v63  }
0x16: {  	s26 =	simm.s32 @p0 $0x2  }
0x17: {  	[spmem:s14], [sflag:s6] =	dma.local [hbm:s5], $0x2700  }
0x18: {  	_ =	swait.ge @p0 [sflag:s26], $0x2700  }
0x19: {  	[sflag:s26] =	ssyncset.done @p0 $0x0  }
0x1a: {  	[sflag:s26] =	ssyncadd.s32 @p0 $0xFFFFD900;
	s26 =	simm.s32 @!p0 $0x2  }
0x1b: {  	[spmem:s15], [sflag:s6] =	dma.local @!p0 [hbm:s7], $0x100  }
0x1c: {  	_ =	swait.ge @!p0 [sflag:s26], $0x2700  }
0x1d: {  	[sflag:s26] =	ssyncset.done @!p0 $0x0  }
0x1e: {  	[sflag:s26] =	ssyncadd.s32 @!p0 $0xFFFFD900  }
0x1f: {  	_ =	swait.ge @!p0 [sflag:s26], $0x100  }
0x20: {  	[sflag:s26] =	ssyncset.done @!p0 $0x0  }
0x21: {  	[sflag:s26] =	ssyncadd.s32 @!p0 $0xFFFFFF00  }
0x22: {  	_ =	swait.ge [sflag:s16], $0xA00  }
0x23: {  	[sflag:s16] =	ssyncset.done $0x0  }
0x24: {  	[sflag:s16] =	ssyncadd.s32 $0xFFFFF600  }
0x25: {  	[bflag:$0x0] =	sbarrier.arrive $0xFFFF  }
0x26: {  	[tilespmem:s18], [sflag:$0x3] =	stream.indirect.gather [spmem:s2], $0x80, s13, s17, $0xb8;
	[tilespmem:$0x1C480] =	vst v63  }
0x27: {  	_ = 	snop  }
0x28: {  	[tilespmem:s20], [sflag:$0x4] =	stream.indirect.gather [spmem:s2], $0x80, s19, s17, $0xb8;
	[tilespmem:$0x1C480] =	vst v63  }
0x29: {  	_ =	swait.ge [sflag:s21], $0x4000  }
0x2a: {  	[sflag:s21] =	ssyncset.done $0x0  }
0x2b: {  	s31 =	sadd.s32 $0x0, s12;
	[sflag:s21] =	ssyncadd.s32 $0xFFFFC000  }
0x2c: {  	[hbm4b:s31+s3] =	stream.linear.scatter [tilespmem:s18], [sflag:$0x5], $0x4000, $0x38;
	[tilespmem:$0x1C480] =	vst v63  }
0x2d: {  	_ =	swait.ge [sflag:s22], $0x4000  }
0x2e: {  	[sflag:s22] =	ssyncset.done $0x0  }
0x2f: {  	s30 =	sadd.s32 $0x0, s11;
	[sflag:s22] =	ssyncadd.s32 $0xFFFFC000  }
0x30: {  	[hbm4b:s30+s3] =	stream.linear.scatter [tilespmem:s20], [sflag:$0x6], $0x4000, $0x38;
	[tilespmem:$0x1C480] =	vst v63  }
0x31: {  	_ =	swait.ge [sflag:s23], $0x4000  }
0x32: {  	[sflag:s23] =	ssyncset.done $0x0  }
0x33: {  	s31 =	simm.s32 $0x13980;
	[sflag:s23] =	ssyncadd.s32 $0xFFFFC000  }
0x34: {  	[tilespmem:s18], [sflag:$0x3] =	stream.indirect.gather [spmem:s2], $0x80, s31, s17, $0xb8;
	[tilespmem:$0x1C480] =	vst v63  }
0x35: {  	_ =	swait.ge [sflag:s24], $0x4000  }
0x36: {  	s28 =	simm.s32 $0x1000;
	[sflag:s24] =	ssyncset.done $0x0  }
0x37: {  	s29 =	simm.s32 $0x13B00;
	s26 =	simm.s32 $0x13A00;
	[sflag:s24] =	ssyncadd.s32 $0xFFFFC000  }
.LBB2_2:
0x38: {  	[tilespmem:s20], [sflag:$0x4] =	stream.indirect.gather [spmem:s2], $0x80, s26, s17, $0xb8;
	[tilespmem:$0x1C480] =	vst v63  }
0x39: {  	s30 =	smov.u32 s28;
	s26 =	smov.u32 s29  }
0x3a: {  	p1 =	sne.s32 s28, $0x8000;
	s28 =	sadd.s32 $0x1000, s28;
	_ =	swait.ge [sflag:s21], $0x4000  }
0x3b: {  	[sflag:s21] =	ssyncset.done $0x0  }
0x3c: {  	s31 =	sadd.s32 s30, s12;
	[sflag:s21] =	ssyncadd.s32 $0xFFFFC000  }
0x3d: {  	[hbm4b:s31+s3] =	stream.linear.scatter [tilespmem:s18], [sflag:$0x5], $0x4000, $0x38;
	[tilespmem:$0x1C480] =	vst v63  }
0x3e: {  	_ =	swait.ge [sflag:s22], $0x4000  }
0x3f: {  	[sflag:s22] =	ssyncset.done $0x0  }
0x40: {  	s30 =	sadd.s32 s30, s11;
	[sflag:s22] =	ssyncadd.s32 $0xFFFFC000  }
0x41: {  	[hbm4b:s30+s3] =	stream.linear.scatter [tilespmem:s20], [sflag:$0x6], $0x4000, $0x38;
	[tilespmem:$0x1C480] =	vst v63  }
0x42: {  	_ =	swait.ge [sflag:s23], $0x4000  }
0x43: {  	[sflag:s23] =	ssyncset.done $0x0  }
.Ltmp0:
0x44: {  	s30 =	sadd.s32 $0xFFFFFF80, s29;
	[sflag:s23] =	ssyncadd.s32 $0xFFFFC000;
	(pc) =	sbr.rel @p1 .LBB2_2-.Ltmp0, $4  }
0x45: {  	[tilespmem:s18], [sflag:$0x3] =	stream.indirect.gather [spmem:s2], $0x80, s30, s17, $0xb8;
	[tilespmem:$0x1C480] =	vst v63  }
0x46: {  	_ =	swait.ge [sflag:s24], $0x4000  }
0x47: {  	[sflag:s24] =	ssyncset.done $0x0  }
0x48: {  	s29 =	sadd.s32 $0x100, s29;
	[sflag:s24] =	ssyncadd.s32 $0xFFFFC000  }
0x49: {  	[tilespmem:s20], [sflag:$0x4] =	stream.indirect.gather [spmem:s2], $0x80, s26, s17, $0xb8;
	[tilespmem:$0x1C480] =	vst v63  }
0x4a: {  	_ =	swait.ge [sflag:s21], $0x4000  }
0x4b: {  	[sflag:s21] =	ssyncset.done $0x0  }
0x4c: {  	[sflag:s21] =	ssyncadd.s32 $0xFFFFC000  }
0x4d: {  	[hbm4b:s9+s3] =	stream.linear.scatter [tilespmem:s18], [sflag:$0x5], $0x4000, $0x38;
	[tilespmem:$0x1C480] =	vst v63  }
0x4e: {  	_ =	swait.ge [sflag:s22], $0x4000  }
0x4f: {  	[sflag:s22] =	ssyncset.done $0x0  }
0x50: {  	s25 =	sadd.s32 $0x1, s25;
	[sflag:s22] =	ssyncadd.s32 $0xFFFFC000  }
0x51: {  	[hbm4b:s10+s3] =	stream.linear.scatter [tilespmem:s20], [sflag:$0x6], $0x4000, $0x38;
	[tilespmem:$0x1C480] =	vst v63  }
0x52: {  	p1 =	sne.s32 s25, s8;
	_ =	swait.ge [sflag:s23], $0x4000  }
.Ltmp1:
0x53: {  	[sflag:s23] =	ssyncset.done $0x0;
	(pc) =	sbr.rel @p1 .LBB2_1-.Ltmp1, $4  }
0x54: {  	[sflag:s23] =	ssyncadd.s32 $0xFFFFC000  }
0x55: {  	_ =	swait.ge [sflag:s24], $0x4000  }
0x56: {  	[sflag:s24] =	ssyncset.done $0x0  }
0x57: {  	[sflag:s24] =	ssyncadd.s32 $0xFFFFC000  }
0x58: {  	_ =	sfence.sel $0x180000  }
0x59: {  	[bflag:$0x0] =	sbarrier.arrive $0xFFFF  }
0x5a: {  	p0 =	sne.s32 s1, $0x0;
	_ =	strace $0x90000047  }
0x5b: {  	s0 =	sadd.s32 @!p0 $0x100000, s0;
	[bflag:$0x2] =	sbarrier.arrive $0xFFFF  }
0x5c: {  	[sflag:s0] =	ssyncadd.tile.s32 @!p0 $0x1;
	_ =	shalt  }
.Lfunc_end2:
_tile_overlayer_lowered:
.L_overlay_start_2:
0x5d: {  	(tag) =	ssettag $0x2  }
0x5e: {  	s0 =	rddreg [dreg:$0x0];
	s2 =	stileid.u32  }
0x5f: {  	s1 =	rddreg [dreg:$0x1];
	p0 =	sne.s32 s2, $0x0  }
0x60: {  	s3 =	rddreg [dreg:$0x2];
	[bflag:$0x3] =	sbarrier.arrive $0xFFFF;
	s2 =	simm.s32 @!p0 $0x1C07  }
0x61: {  	[timem:s3], [sflag:s2] =	dma.local @!p0 [hbm:s0], s1  }
0x62: {  	s0 =	simm.s32 @!p0 $0x7  }
0x63: {  	_ =	swait.ge @!p0 [sflag:s0], s1  }
0x64: {  	s1 =	ssub.s32 @!p0 $0x0, s1;
	[sflag:s0] =	ssyncset.done @!p0 $0x0  }
0x65: {  	[sflag:s0] =	ssyncadd.s32 @!p0 s1  }
0x66: {  	[bflag:$0x3] =	sbarrier.arrive $0xFFFF  }
0x67: {  	_ =	shalt  }

</sc_bundles>
